<compile_context>
chip_gen: v7x
topology: tpu7x:2x2x1
jax: 0.10.2.dev20260603
libtpu: 0.0.44.dev20260713+nightly
codegen_flags: <defaults>
</compile_context>

<pallas_src>
import functools

import jax
import jax.numpy as jnp
from jax import lax
from jax.experimental import pallas as pl
from jax.experimental.pallas import tpu as pltpu
from jax.experimental.pallas import tpu_sc as plsc

N = 10000
E = 320000
D = 128
NCLS = 10
NC, NS = 2, 16
NW = NC * NS
NPAD = 10240
B = 128
EPT_R = E // NW
CPT_F = EPT_R // B
TAIL = EPT_R - CPT_F * B
TAILPAD = B - TAIL
CPT = CPT_F + 1
RPS_INIT = 632
RPS_OUT = NPAD // NS

_MESH = dict(core_axis_name="c", subcore_axis_name="s",
             num_cores=NC, num_subcores=NS)



def _fill_idx(didx_v, dibuf, i):
    for j in range(B // 16):
        didx_v[pl.ds(j * 16, 16)] = dibuf[pl.ds(i * B + j * 16, 16)]


def _deg_body(ei_hbm, out_hbm, ones_v, zeros_v, didx0, didx1, dibuf, acc,
              semd0, semd1):
    c = lax.axis_index("c")
    s = lax.axis_index("s")
    wid = s * NC + c
    base = wid * EPT_R
    for i in range(B // 16):
        ones_v[pl.ds(i * 16, 16)] = jnp.full((16,), 1.0, jnp.float32)
        zeros_v[pl.ds(i * 16, 16)] = jnp.zeros((16,), jnp.float32)
    for i in range(RPS_OUT // B):
        pltpu.sync_copy(zeros_v, acc.at[pl.ds(s * RPS_OUT + i * B, B)])
    pltpu.sync_copy(ei_hbm.at[1, wid], dibuf)
    plsc.subcore_barrier()

    def body(k, carry):
        i0 = 2 * k
        i1 = i0 + 1
        _fill_idx(didx0, dibuf, i0)
        pltpu.async_copy(ones_v, acc.at[didx0], semd0, add=True)
        _fill_idx(didx1, dibuf, i1)
        pltpu.async_copy(ones_v, acc.at[didx1], semd1, add=True)
        pltpu.make_async_copy(ones_v, acc.at[didx0], semd0).wait()
        pltpu.make_async_copy(ones_v, acc.at[didx1], semd1).wait()
        return carry

    lax.fori_loop(0, (CPT - 1) // 2, body, 0)
    didx0[pl.ds(0, 16)] = dibuf[pl.ds(EPT_R - TAIL, 16)]
    for j in range(1, B // 16):
        didx0[pl.ds(j * 16, 16)] = (
            lax.iota(jnp.int32, 16) + (N + (j - 1) * 16))
    pltpu.sync_copy(ones_v, acc.at[didx0], add=True)
    plsc.subcore_barrier()
    pltpu.sync_copy(acc.at[pl.ds(s * RPS_OUT, RPS_OUT)],
                    out_hbm.at[c, pl.ds(s * RPS_OUT, RPS_OUT)])


@functools.cache
def _deg_call():
    return pl.kernel(
        _deg_body,
        out_type=jax.ShapeDtypeStruct((NC, NPAD), jnp.float32),
        mesh=plsc.VectorSubcoreMesh(**_MESH),
        scratch_types=[
            pltpu.VMEM((B,), jnp.float32),
            pltpu.VMEM((B,), jnp.float32),
            pltpu.VMEM((B,), jnp.int32),
            pltpu.VMEM((B,), jnp.int32),
            pltpu.VMEM((EPT_R,), jnp.int32),
            pltpu.VMEM_SHARED((NPAD,), jnp.float32),
            pltpu.SemaphoreType.DMA,
            pltpu.SemaphoreType.DMA,
        ],
    )


def _agg_body(hp_hbm, ei_hbm, zeros_hbm, out_hbm,
              sibuf, sidx_t, didx0, didx1, didx_t, didx_t16, rows0, rows1,
              acc, semg0, semg1, semd0, semd1):
    c = lax.axis_index("c")
    s = lax.axis_index("s")
    wid = s * NC + c
    base = wid * EPT_R

    @pl.when(c == 0)
    def _():
        b0 = jnp.minimum(s * RPS_INIT, N - RPS_INIT)
        pltpu.sync_copy(hp_hbm.at[pl.ds(b0, RPS_INIT)],
                        acc.at[pl.ds(b0, RPS_INIT)])

    @pl.when(c == 1)
    def _():
        pltpu.sync_copy(zeros_hbm, acc.at[pl.ds(s * RPS_OUT, RPS_OUT)])

    pltpu.sync_copy(ei_hbm.at[0, wid], sibuf)
    sidx_t[pl.ds(0, 16)] = sibuf[pl.ds(EPT_R - TAIL, 16)]
    for j in range(1, B // 16):
        sidx_t[pl.ds(j * 16, 16)] = (
            (lax.iota(jnp.int32, 16) + j * 16) * 89)
    for j in range(1, B // 16):
        didx_t[pl.ds(j * 16, 16)] = (
            lax.iota(jnp.int32, 16) + (N + (j - 1) * 16))
    plsc.subcore_barrier()

    def gsrc(i):
        return hp_hbm.at[sibuf.at[pl.ds(i * B, B)]]

    def dsrc(i):
        return ei_hbm.at[1, wid, pl.ds(i * B, B)]

    tail_dsrc = ei_hbm.at[1, wid, pl.ds(EPT_R - TAIL, TAIL)]

    pltpu.async_copy(dsrc(0), didx0, semd0)
    pltpu.async_copy(gsrc(0), rows0, semg0)

    def body(k, carry):
        i0 = 2 * k
        i1 = i0 + 1
        i2 = i0 + 2
        pltpu.async_copy(dsrc(i1), didx1, semd1)
        pltpu.async_copy(gsrc(i1), rows1, semg1)
        pltpu.make_async_copy(gsrc(i0), rows0, semg0).wait()
        pltpu.make_async_copy(dsrc(i0), didx0, semd0).wait()
        pltpu.sync_copy(rows0, acc.at[didx0], add=True)
        pltpu.async_copy(dsrc(i2), didx0, semd0)
        pltpu.async_copy(gsrc(i2), rows0, semg0)
        pltpu.make_async_copy(gsrc(i1), rows1, semg1).wait()
        pltpu.make_async_copy(dsrc(i1), didx1, semd1).wait()
        pltpu.sync_copy(rows1, acc.at[didx1], add=True)
        return carry

    lax.fori_loop(0, (CPT_F - 2) // 2, body, 0)
    pltpu.async_copy(dsrc(CPT_F - 1), didx1, semd1)
    pltpu.async_copy(gsrc(CPT_F - 1), rows1, semg1)
    pltpu.make_async_copy(gsrc(CPT_F - 2), rows0, semg0).wait()
    pltpu.make_async_copy(dsrc(CPT_F - 2), didx0, semd0).wait()
    pltpu.sync_copy(rows0, acc.at[didx0], add=True)
    pltpu.async_copy(hp_hbm.at[sidx_t], rows0, semg0)
    pltpu.async_copy(tail_dsrc, didx_t16, semd0)
    pltpu.make_async_copy(gsrc(CPT_F - 1), rows1, semg1).wait()
    pltpu.make_async_copy(dsrc(CPT_F - 1), didx1, semd1).wait()
    pltpu.sync_copy(rows1, acc.at[didx1], add=True)
    pltpu.make_async_copy(hp_hbm.at[sidx_t], rows0, semg0).wait()
    pltpu.make_async_copy(tail_dsrc, didx_t16, semd0).wait()
    didx_t[pl.ds(0, TAIL)] = didx_t16[...]
    pltpu.sync_copy(rows0, acc.at[didx_t], add=True)
    plsc.subcore_barrier()
    pltpu.sync_copy(acc.at[pl.ds(s * RPS_OUT, RPS_OUT)],
                    out_hbm.at[c, pl.ds(s * RPS_OUT, RPS_OUT)])


@functools.cache
def _agg_call():
    return pl.kernel(
        _agg_body,
        out_type=jax.ShapeDtypeStruct((NC, NPAD, D), jnp.float32),
        mesh=plsc.VectorSubcoreMesh(**_MESH),
        scratch_types=[
            pltpu.VMEM((EPT_R,), jnp.int32),
            pltpu.VMEM((B,), jnp.int32),
            pltpu.VMEM((B,), jnp.int32),
            pltpu.VMEM((B,), jnp.int32),
            pltpu.VMEM((B,), jnp.int32),
            pltpu.VMEM((TAIL,), jnp.int32),
            pltpu.VMEM((B, D), jnp.float32),
            pltpu.VMEM((B, D), jnp.float32),
            pltpu.VMEM_SHARED((NPAD, D), jnp.float32),
            pltpu.SemaphoreType.DMA,
            pltpu.SemaphoreType.DMA,
            pltpu.SemaphoreType.DMA,
            pltpu.SemaphoreType.DMA,
        ],
    )



RB = 2000


def _dis(d0_ref, d1_ref):
    return lax.rsqrt(d0_ref[0] + d1_ref[0] + 1.0)


def _tc1_body(x_ref, w_ref, d0_ref, d1_ref, o_ref):
    h = jnp.dot(x_ref[...], w_ref[...], preferred_element_type=jnp.float32)
    o_ref[...] = h * _dis(d0_ref, d1_ref)


def _tc2_body(a0_ref, a1_ref, d0_ref, d1_ref, b_ref, w_ref, o_ref):
    dis = _dis(d0_ref, d1_ref)
    h1 = jnp.maximum((a0_ref[0] + a1_ref[0]) * dis + b_ref[...], 0.0)
    o_ref[...] = jnp.dot(h1, w_ref[...], preferred_element_type=jnp.float32) * dis


def _tc3_body(a0_ref, a1_ref, d0_ref, d1_ref, b_ref, w_ref, bc_ref, o_ref):
    dis = _dis(d0_ref, d1_ref)
    h2 = jnp.maximum((a0_ref[0] + a1_ref[0]) * dis + b_ref[...], 0.0)
    o_ref[...] = (jnp.dot(h2, w_ref[...], preferred_element_type=jnp.float32)
                  + bc_ref[...])


def _pad_cols(a, w):
    return jnp.concatenate(
        [a, jnp.zeros((a.shape[0], w - a.shape[1]), a.dtype)], axis=1)


def _row_spec(width):
    return pl.BlockSpec((RB, width), lambda i: (i, 0))


def _part_spec(core, width):
    return pl.BlockSpec((1, RB, width), lambda i, _c=core: (_c, i, 0))


def _full_spec(shape):
    return pl.BlockSpec(shape, lambda i: tuple(0 for _ in shape))


_tc1 = pl.pallas_call(
    _tc1_body,
    grid=(N // RB,),
    in_specs=[_row_spec(D), _full_spec((D, D)),
              _part_spec(0, 1), _part_spec(1, 1)],
    out_specs=_row_spec(D),
    out_shape=jax.ShapeDtypeStruct((N, D), jnp.float32),
)

_tc2 = pl.pallas_call(
    _tc2_body,
    grid=(N // RB,),
    in_specs=[_part_spec(0, D), _part_spec(1, D), _part_spec(0, 1),
              _part_spec(1, 1), _full_spec((1, D)), _full_spec((D, D))],
    out_specs=_row_spec(D),
    out_shape=jax.ShapeDtypeStruct((N, D), jnp.float32),
)

_tc3 = pl.pallas_call(
    _tc3_body,
    grid=(N // RB,),
    in_specs=[_part_spec(0, D), _part_spec(1, D), _part_spec(0, 1),
              _part_spec(1, 1), _full_spec((1, D)), _full_spec((D, D)),
              _full_spec((1, D))],
    out_specs=_row_spec(D),
    out_shape=jax.ShapeDtypeStruct((N, D), jnp.float32),
)


def kernel(x, edge_index, W1, b1, W2, b2, Wc, bc):
    ei = edge_index.astype(jnp.int32).reshape(2, NW, EPT_R)
    zrows = jnp.zeros((RPS_OUT, D), jnp.float32)

    dp = _deg_call()(ei).reshape(NC, NPAD, 1)
    h1p = _tc1(x, W1, dp, dp)
    p1 = _agg_call()(h1p, ei, zrows)
    h2p = _tc2(p1, p1, dp, dp, b1.reshape(1, D), W2)
    p2 = _agg_call()(h2p, ei, zrows)
    out = _tc3(p2, p2, dp, dp, b2.reshape(1, D), _pad_cols(Wc, D),
               _pad_cols(bc.reshape(1, NCLS), D))
    return out[:, :NCLS]

# --- scband reference (transcript-rebuilt; emitter-appended) ---
"""Pipeline reference for scband-gcn-36215164240490 (READ-ONLY COPY).

The authoritative reference and input builder live on the scoring server;
editing this copy changes nothing except your own understanding.
"""

import jax, jax.numpy as jnp
import numpy as np

N_NODES = 10000
N_EDGES = 320000
D_FEAT = 128
D_HID = 128
N_CLSS = 10


def setup_inputs(seed: int = 0) -> dict:
    key = jax.random.key(seed)
    ks = jax.random.split(key, 8)
    x = jax.random.normal(ks[0], (N_NODES, D_FEAT), dtype=jnp.float32)
    edge_index = jax.random.randint(ks[1], (2, N_EDGES), 0, N_NODES, dtype=jnp.int64)
    s1 = 1.0 / np.sqrt(D_FEAT)
    s2 = 1.0 / np.sqrt(D_HID)
    W1 = jax.random.normal(ks[2], (D_FEAT, D_HID), dtype=jnp.float32) * s1
    b1 = jnp.zeros((D_HID,), dtype=jnp.float32)
    W2 = jax.random.normal(ks[3], (D_HID, D_HID), dtype=jnp.float32) * s2
    b2 = jnp.zeros((D_HID,), dtype=jnp.float32)
    Wc = jax.random.normal(ks[4], (D_HID, N_CLSS), dtype=jnp.float32) * s2
    bc = jnp.zeros((N_CLSS,), dtype=jnp.float32)
    return {"x": x, "edge_index": edge_index, "W1": W1, "b1": b1, "W2": W2, "b2": b2, "Wc": Wc, "bc": bc}


def _gcn_conv(x, src, dst, W, b, n_nodes):
    # PyG GCNConv: add self-loops, symmetric normalization D^-1/2 A_hat D^-1/2, then linear
    loop = jnp.arange(n_nodes, dtype=src.dtype)
    src_l = jnp.concatenate([src, loop])
    dst_l = jnp.concatenate([dst, loop])
    deg = jnp.zeros((n_nodes,), dtype=x.dtype).at[dst_l].add(1.0)
    deg_inv_sqrt = jnp.where(deg > 0, 1.0 / jnp.sqrt(deg), 0.0)
    norm = deg_inv_sqrt[src_l] * deg_inv_sqrt[dst_l]
    h = x @ W
    msg = h[src_l] * norm[:, None]
    out = jnp.zeros((n_nodes, h.shape[1]), dtype=x.dtype).at[dst_l].add(msg)
    return out + b


def reference(x, edge_index, W1, b1, W2, b2, Wc, bc):
    src = edge_index[0]
    dst = edge_index[1]
    n_nodes = x.shape[0]
    h = _gcn_conv(x, src, dst, W1, b1, n_nodes)
    h = jax.nn.relu(h)
    # dropout p=0.0 (eval mode) -> identity
    h = _gcn_conv(h, src, dst, W2, b2, n_nodes)
    h = jax.nn.relu(h)
    out = h @ Wc + bc
    return out

if __name__ == "__main__":
    import jax
    _d = setup_inputs()
    print(jax.jit(kernel)(*tuple(_d.values())))

</pallas_src>

<mosaic_0001>
#map = affine_map<(d0, d1) -> (0, 0)>
#map1 = affine_map<(d0, d1) -> (0, 0, 0)>
module attributes {stable_mosaic.version = 14 : i64} {
  func.func @_agg_body(%arg0: i32, %arg1: i32, %arg2: memref<10000x128xf32, #tpu.memory_space<hbm>>, %arg3: memref<2x32x10000xi32, #tpu.memory_space<hbm>>, %arg4: memref<640x128xf32, #tpu.memory_space<hbm>>, %arg5: memref<2x10240x128xf32, #tpu.memory_space<hbm>>, %arg6: memref<10000xi32, #tpu.memory_space<vmem>>, %arg7: memref<128xi32, #tpu.memory_space<vmem>>, %arg8: memref<128xi32, #tpu.memory_space<vmem>>, %arg9: memref<128xi32, #tpu.memory_space<vmem>>, %arg10: memref<128xi32, #tpu.memory_space<vmem>>, %arg11: memref<16xi32, #tpu.memory_space<vmem>>, %arg12: memref<128x128xf32, #tpu.memory_space<vmem>>, %arg13: memref<128x128xf32, #tpu.memory_space<vmem>>, %arg14: memref<10240x128xf32, #tpu.memory_space<vmem_shared>>, %arg15: memref<!tpu.dma_semaphore, #tpu.memory_space<semaphore_mem>>, %arg16: memref<!tpu.dma_semaphore, #tpu.memory_space<semaphore_mem>>, %arg17: memref<!tpu.dma_semaphore, #tpu.memory_space<semaphore_mem>>, %arg18: memref<!tpu.dma_semaphore, #tpu.memory_space<semaphore_mem>>) attributes {dimension_semantics = [#tpu.dimension_semantics<core_parallel>, #tpu.dimension_semantics<subcore_parallel>], iteration_bounds = array<i64: 2, 16>, scalar_prefetch = 0 : i64, scratch_operands = 13 : i64, tpu.core_type = #tpu.core_type<sc_vector_subcore>, window_params = [{transform_indices = #map}, {transform_indices = #map1}, {transform_indices = #map}, {transform_indices = #map1}]} {
    %mul3A = arith.constant 2 : i32
    %mul3A_0 = arith.muli %arg1, %mul3A : i32
    %add3A = arith.addi %mul3A_0, %arg0 : i32
    %mul3A_1 = arith.constant 10000 : i32
    %mul3A_2 = arith.muli %add3A, %mul3A_1 : i32
    %eq3A = arith.constant 0 : i32
    %eq3A_3 = arith.cmpi eq, %arg0, %eq3A : i32
    %convert_element_type3A = arith.extui %eq3A_3 : i1 to i32
    %cond3A = arith.constant 0 : i32
    %cond3A_4 = arith.cmpi ne, %convert_element_type3A, %cond3A : i32
    scf.if %cond3A_4 {
      %mul3A_230 = arith.constant 632 : i32
      %mul3A_231 = arith.muli %arg1, %mul3A_230 : i32
      %min3A = arith.constant 9368 : i32
      %min3A_232 = arith.minsi %mul3A_231, %min3A : i32
      "tpu.region"() ({
        %run_scoped3A_233 = tpu.sem_alloc : memref<!tpu.dma_semaphore, #tpu.memory_space<semaphore_mem>>
        %dma_start3A_234 = arith.constant 0 : i32
        %dma_start3A_235 = tpu.memref_slice %arg14[%min3A_232, %dma_start3A_234] : memref<10240x128xf32, #tpu.memory_space<vmem_shared>> -> memref<632x128xf32, #tpu.memory_space<vmem_shared>>
        %dma_start3A_236 = arith.constant 0 : i32
        %dma_start3A_237 = tpu.memref_slice %arg2[%min3A_232, %dma_start3A_236] : memref<10000x128xf32, #tpu.memory_space<hbm>> -> memref<632x128xf32, #tpu.memory_space<hbm>>
        tpu.enqueue_dma source(%dma_start3A_237 : memref<632x128xf32, #tpu.memory_space<hbm>>) target(%dma_start3A_235 : memref<632x128xf32, #tpu.memory_space<vmem_shared>>) target_semaphore(%run_scoped3A_233 : memref<!tpu.dma_semaphore, #tpu.memory_space<semaphore_mem>>)
        %dma_wait3A_238 = arith.constant 0 : i32
        %dma_wait3A_239 = tpu.memref_slice %arg14[%min3A_232, %dma_wait3A_238] : memref<10240x128xf32, #tpu.memory_space<vmem_shared>> -> memref<632x128xf32, #tpu.memory_space<vmem_shared>>
        %dma_wait3A_240 = arith.constant 0 : i32
        %dma_wait3A_241 = tpu.memref_slice %arg2[%min3A_232, %dma_wait3A_240] : memref<10000x128xf32, #tpu.memory_space<hbm>> -> memref<632x128xf32, #tpu.memory_space<hbm>>
        tpu.wait_dma2 semaphore(%run_scoped3A_233 : memref<!tpu.dma_semaphore, #tpu.memory_space<semaphore_mem>>) src(%dma_wait3A_241 : memref<632x128xf32, #tpu.memory_space<hbm>>) dst(%dma_wait3A_239 : memref<632x128xf32, #tpu.memory_space<vmem_shared>>)
        tpu.yield
      }) : () -> ()
    } else {
    }
    %eq3A_5 = arith.constant 1 : i32
    %eq3A_6 = arith.cmpi eq, %arg0, %eq3A_5 : i32
    %convert_element_type3A_7 = arith.extui %eq3A_6 : i1 to i32
    %cond3A_8 = arith.constant 0 : i32
    %cond3A_9 = arith.cmpi ne, %convert_element_type3A_7, %cond3A_8 : i32
    scf.if %cond3A_9 {
      %mul3A_230 = arith.constant 640 : i32
      %mul3A_231 = arith.muli %arg1, %mul3A_230 : i32
      "tpu.region"() ({
        %run_scoped3A_232 = tpu.sem_alloc : memref<!tpu.dma_semaphore, #tpu.memory_space<semaphore_mem>>
        %dma_start3A_233 = arith.constant 0 : i32
        %dma_start3A_234 = tpu.memref_slice %arg14[%mul3A_231, %dma_start3A_233] : memref<10240x128xf32, #tpu.memory_space<vmem_shared>> -> memref<640x128xf32, #tpu.memory_space<vmem_shared>>
        tpu.enqueue_dma source(%arg4 : memref<640x128xf32, #tpu.memory_space<hbm>>) target(%dma_start3A_234 : memref<640x128xf32, #tpu.memory_space<vmem_shared>>) target_semaphore(%run_scoped3A_232 : memref<!tpu.dma_semaphore, #tpu.memory_space<semaphore_mem>>)
        %dma_wait3A_235 = arith.constant 0 : i32
        %dma_wait3A_236 = tpu.memref_slice %arg14[%mul3A_231, %dma_wait3A_235] : memref<10240x128xf32, #tpu.memory_space<vmem_shared>> -> memref<640x128xf32, #tpu.memory_space<vmem_shared>>
        tpu.wait_dma2 semaphore(%run_scoped3A_232 : memref<!tpu.dma_semaphore, #tpu.memory_space<semaphore_mem>>) src(%arg4 : memref<640x128xf32, #tpu.memory_space<hbm>>) dst(%dma_wait3A_236 : memref<640x128xf32, #tpu.memory_space<vmem_shared>>)
        tpu.yield
      }) : () -> ()
    } else {
    }
    %run_scoped3A = arith.constant 0 : i32
    "tpu.region"() ({
      %run_scoped3A_230 = tpu.sem_alloc : memref<!tpu.dma_semaphore, #tpu.memory_space<semaphore_mem>>
      %dma_start3A_231 = arith.constant 0 : i32
      %dma_start3A_232 = tpu.memref_slice %arg3[%run_scoped3A, %add3A, %dma_start3A_231] : memref<2x32x10000xi32, #tpu.memory_space<hbm>> -> memref<1x1x10000xi32, #tpu.memory_space<hbm>>
      %dma_start3A_233 = tpu.memref_squeeze %dma_start3A_232 : memref<1x1x10000xi32, #tpu.memory_space<hbm>> -> memref<10000xi32, #tpu.memory_space<hbm>>
      %dma_start3A_234 = arith.constant 0 : i32
      %dma_start3A_235 = tpu.memref_slice %arg3[%run_scoped3A, %add3A, %dma_start3A_234] : memref<2x32x10000xi32, #tpu.memory_space<hbm>> -> memref<1x1x10000xi32, #tpu.memory_space<hbm>>
      %dma_start3A_236 = tpu.memref_squeeze %dma_start3A_235 : memref<1x1x10000xi32, #tpu.memory_space<hbm>> -> memref<10000xi32, #tpu.memory_space<hbm>>
      tpu.enqueue_dma source(%dma_start3A_236 : memref<10000xi32, #tpu.memory_space<hbm>>) target(%arg6 : memref<10000xi32, #tpu.memory_space<vmem>>) target_semaphore(%run_scoped3A_230 : memref<!tpu.dma_semaphore, #tpu.memory_space<semaphore_mem>>)
      %dma_wait3A_237 = arith.constant 0 : i32
      %dma_wait3A_238 = tpu.memref_slice %arg3[%run_scoped3A, %add3A, %dma_wait3A_237] : memref<2x32x10000xi32, #tpu.memory_space<hbm>> -> memref<1x1x10000xi32, #tpu.memory_space<hbm>>
      %dma_wait3A_239 = tpu.memref_squeeze %dma_wait3A_238 : memref<1x1x10000xi32, #tpu.memory_space<hbm>> -> memref<10000xi32, #tpu.memory_space<hbm>>
      %dma_wait3A_240 = arith.constant 0 : i32
      %dma_wait3A_241 = tpu.memref_slice %arg3[%run_scoped3A, %add3A, %dma_wait3A_240] : memref<2x32x10000xi32, #tpu.memory_space<hbm>> -> memref<1x1x10000xi32, #tpu.memory_space<hbm>>
      %dma_wait3A_242 = tpu.memref_squeeze %dma_wait3A_241 : memref<1x1x10000xi32, #tpu.memory_space<hbm>> -> memref<10000xi32, #tpu.memory_space<hbm>>
      tpu.wait_dma2 semaphore(%run_scoped3A_230 : memref<!tpu.dma_semaphore, #tpu.memory_space<semaphore_mem>>) src(%dma_wait3A_242 : memref<10000xi32, #tpu.memory_space<hbm>>) dst(%arg6 : memref<10000xi32, #tpu.memory_space<vmem>>)
      tpu.yield
    }) : () -> ()
    %get3A = arith.constant 9984 : index
    %get3A_10 = tpu.vector_load %arg6[%get3A] {strides = array<i32>} : memref<10000xi32, #tpu.memory_space<vmem>>, vector<16xi32>,
    %get3A_11 = vector.shape_cast %get3A_10 : vector<16xi32> to vector<16xi32>
    %swap3A = arith.constant 0 : index
    %swap3A_12 = tpu.vector_load %arg7[%swap3A] {strides = array<i32>} : memref<128xi32, #tpu.memory_space<vmem>>, vector<16xi32>,
    %swap3A_13 = vector.shape_cast %swap3A_12 : vector<16xi32> to vector<16xi32>
    %swap3A_14 = vector.shape_cast %get3A_11 : vector<16xi32> to vector<16xi32>
    tpu.vector_store %arg7[%swap3A], %swap3A_14 {strides = array<i32>} : memref<128xi32, #tpu.memory_space<vmem>>, vector<16xi32>,
    %iota3A = tpu.iota {dimensions = array<i32: 0>} : vector<16xi32>
    %add3A_15 = arith.constant 16 : i32
    %add3A_16 = vector.broadcast %add3A_15 : i32 to vector<16xi32>
    %add3A_17 = arith.addi %iota3A, %add3A_16 : vector<16xi32>
    %mul3A_18 = arith.constant 89 : i32
    %mul3A_19 = vector.broadcast %mul3A_18 : i32 to vector<16xi32>
    %mul3A_20 = arith.muli %add3A_17, %mul3A_19 : vector<16xi32>
    %swap3A_21 = arith.constant 16 : index
    %swap3A_22 = tpu.vector_load %arg7[%swap3A_21] {strides = array<i32>} : memref<128xi32, #tpu.memory_space<vmem>>, vector<16xi32>,
    %swap3A_23 = vector.shape_cast %swap3A_22 : vector<16xi32> to vector<16xi32>
    %swap3A_24 = vector.shape_cast %mul3A_20 : vector<16xi32> to vector<16xi32>
    tpu.vector_store %arg7[%swap3A_21], %swap3A_24 {strides = array<i32>} : memref<128xi32, #tpu.memory_space<vmem>>, vector<16xi32>,
    %iota3A_25 = tpu.iota {dimensions = array<i32: 0>} : vector<16xi32>
    %add3A_26 = arith.constant 32 : i32
    %add3A_27 = vector.broadcast %add3A_26 : i32 to vector<16xi32>
    %add3A_28 = arith.addi %iota3A_25, %add3A_27 : vector<16xi32>
    %mul3A_29 = arith.constant 89 : i32
    %mul3A_30 = vector.broadcast %mul3A_29 : i32 to vector<16xi32>
    %mul3A_31 = arith.muli %add3A_28, %mul3A_30 : vector<16xi32>
    %swap3A_32 = arith.constant 32 : index
    %swap3A_33 = tpu.vector_load %arg7[%swap3A_32] {strides = array<i32>} : memref<128xi32, #tpu.memory_space<vmem>>, vector<16xi32>,
    %swap3A_34 = vector.shape_cast %swap3A_33 : vector<16xi32> to vector<16xi32>
    %swap3A_35 = vector.shape_cast %mul3A_31 : vector<16xi32> to vector<16xi32>
    tpu.vector_store %arg7[%swap3A_32], %swap3A_35 {strides = array<i32>} : memref<128xi32, #tpu.memory_space<vmem>>, vector<16xi32>,
    %iota3A_36 = tpu.iota {dimensions = array<i32: 0>} : vector<16xi32>
    %add3A_37 = arith.constant 48 : i32
    %add3A_38 = vector.broadcast %add3A_37 : i32 to vector<16xi32>
    %add3A_39 = arith.addi %iota3A_36, %add3A_38 : vector<16xi32>
    %mul3A_40 = arith.constant 89 : i32
    %mul3A_41 = vector.broadcast %mul3A_40 : i32 to vector<16xi32>
    %mul3A_42 = arith.muli %add3A_39, %mul3A_41 : vector<16xi32>
    %swap3A_43 = arith.constant 48 : index
    %swap3A_44 = tpu.vector_load %arg7[%swap3A_43] {strides = array<i32>} : memref<128xi32, #tpu.memory_space<vmem>>, vector<16xi32>,
    %swap3A_45 = vector.shape_cast %swap3A_44 : vector<16xi32> to vector<16xi32>
    %swap3A_46 = vector.shape_cast %mul3A_42 : vector<16xi32> to vector<16xi32>
    tpu.vector_store %arg7[%swap3A_43], %swap3A_46 {strides = array<i32>} : memref<128xi32, #tpu.memory_space<vmem>>, vector<16xi32>,
    %iota3A_47 = tpu.iota {dimensions = array<i32: 0>} : vector<16xi32>
    %add3A_48 = arith.constant 64 : i32
    %add3A_49 = vector.broadcast %add3A_48 : i32 to vector<16xi32>
    %add3A_50 = arith.addi %iota3A_47, %add3A_49 : vector<16xi32>
    %mul3A_51 = arith.constant 89 : i32
    %mul3A_52 = vector.broadcast %mul3A_51 : i32 to vector<16xi32>
    %mul3A_53 = arith.muli %add3A_50, %mul3A_52 : vector<16xi32>
    %swap3A_54 = arith.constant 64 : index
    %swap3A_55 = tpu.vector_load %arg7[%swap3A_54] {strides = array<i32>} : memref<128xi32, #tpu.memory_space<vmem>>, vector<16xi32>,
    %swap3A_56 = vector.shape_cast %swap3A_55 : vector<16xi32> to vector<16xi32>
    %swap3A_57 = vector.shape_cast %mul3A_53 : vector<16xi32> to vector<16xi32>
    tpu.vector_store %arg7[%swap3A_54], %swap3A_57 {strides = array<i32>} : memref<128xi32, #tpu.memory_space<vmem>>, vector<16xi32>,
    %iota3A_58 = tpu.iota {dimensions = array<i32: 0>} : vector<16xi32>
    %add3A_59 = arith.constant 80 : i32
    %add3A_60 = vector.broadcast %add3A_59 : i32 to vector<16xi32>
    %add3A_61 = arith.addi %iota3A_58, %add3A_60 : vector<16xi32>
    %mul3A_62 = arith.constant 89 : i32
    %mul3A_63 = vector.broadcast %mul3A_62 : i32 to vector<16xi32>
    %mul3A_64 = arith.muli %add3A_61, %mul3A_63 : vector<16xi32>
    %swap3A_65 = arith.constant 80 : index
    %swap3A_66 = tpu.vector_load %arg7[%swap3A_65] {strides = array<i32>} : memref<128xi32, #tpu.memory_space<vmem>>, vector<16xi32>,
    %swap3A_67 = vector.shape_cast %swap3A_66 : vector<16xi32> to vector<16xi32>
    %swap3A_68 = vector.shape_cast %mul3A_64 : vector<16xi32> to vector<16xi32>
    tpu.vector_store %arg7[%swap3A_65], %swap3A_68 {strides = array<i32>} : memref<128xi32, #tpu.memory_space<vmem>>, vector<16xi32>,
    %iota3A_69 = tpu.iota {dimensions = array<i32: 0>} : vector<16xi32>
    %add3A_70 = arith.constant 96 : i32
    %add3A_71 = vector.broadcast %add3A_70 : i32 to vector<16xi32>
    %add3A_72 = arith.addi %iota3A_69, %add3A_71 : vector<16xi32>
    %mul3A_73 = arith.constant 89 : i32
    %mul3A_74 = vector.broadcast %mul3A_73 : i32 to vector<16xi32>
    %mul3A_75 = arith.muli %add3A_72, %mul3A_74 : vector<16xi32>
    %swap3A_76 = arith.constant 96 : index
    %swap3A_77 = tpu.vector_load %arg7[%swap3A_76] {strides = array<i32>} : memref<128xi32, #tpu.memory_space<vmem>>, vector<16xi32>,
    %swap3A_78 = vector.shape_cast %swap3A_77 : vector<16xi32> to vector<16xi32>
    %swap3A_79 = vector.shape_cast %mul3A_75 : vector<16xi32> to vector<16xi32>
    tpu.vector_store %arg7[%swap3A_76], %swap3A_79 {strides = array<i32>} : memref<128xi32, #tpu.memory_space<vmem>>, vector<16xi32>,
    %iota3A_80 = tpu.iota {dimensions = array<i32: 0>} : vector<16xi32>
    %add3A_81 = arith.constant 112 : i32
    %add3A_82 = vector.broadcast %add3A_81 : i32 to vector<16xi32>
    %add3A_83 = arith.addi %iota3A_80, %add3A_82 : vector<16xi32>
    %mul3A_84 = arith.constant 89 : i32
    %mul3A_85 = vector.broadcast %mul3A_84 : i32 to vector<16xi32>
    %mul3A_86 = arith.muli %add3A_83, %mul3A_85 : vector<16xi32>
    %swap3A_87 = arith.constant 112 : index
    %swap3A_88 = tpu.vector_load %arg7[%swap3A_87] {strides = array<i32>} : memref<128xi32, #tpu.memory_space<vmem>>, vector<16xi32>,
    %swap3A_89 = vector.shape_cast %swap3A_88 : vector<16xi32> to vector<16xi32>
    %swap3A_90 = vector.shape_cast %mul3A_86 : vector<16xi32> to vector<16xi32>
    tpu.vector_store %arg7[%swap3A_87], %swap3A_90 {strides = array<i32>} : memref<128xi32, #tpu.memory_space<vmem>>, vector<16xi32>,
    %iota3A_91 = tpu.iota {dimensions = array<i32: 0>} : vector<16xi32>
    %add3A_92 = arith.constant 10000 : i32
    %add3A_93 = vector.broadcast %add3A_92 : i32 to vector<16xi32>
    %add3A_94 = arith.addi %iota3A_91, %add3A_93 : vector<16xi32>
    %swap3A_95 = arith.constant 16 : index
    %swap3A_96 = tpu.vector_load %arg10[%swap3A_95] {strides = array<i32>} : memref<128xi32, #tpu.memory_space<vmem>>, vector<16xi32>,
    %swap3A_97 = vector.shape_cast %swap3A_96 : vector<16xi32> to vector<16xi32>
    %swap3A_98 = vector.shape_cast %add3A_94 : vector<16xi32> to vector<16xi32>
    tpu.vector_store %arg10[%swap3A_95], %swap3A_98 {strides = array<i32>} : memref<128xi32, #tpu.memory_space<vmem>>, vector<16xi32>,
    %iota3A_99 = tpu.iota {dimensions = array<i32: 0>} : vector<16xi32>
    %add3A_100 = arith.constant 10016 : i32
    %add3A_101 = vector.broadcast %add3A_100 : i32 to vector<16xi32>
    %add3A_102 = arith.addi %iota3A_99, %add3A_101 : vector<16xi32>
    %swap3A_103 = arith.constant 32 : index
    %swap3A_104 = tpu.vector_load %arg10[%swap3A_103] {strides = array<i32>} : memref<128xi32, #tpu.memory_space<vmem>>, vector<16xi32>,
    %swap3A_105 = vector.shape_cast %swap3A_104 : vector<16xi32> to vector<16xi32>
    %swap3A_106 = vector.shape_cast %add3A_102 : vector<16xi32> to vector<16xi32>
    tpu.vector_store %arg10[%swap3A_103], %swap3A_106 {strides = array<i32>} : memref<128xi32, #tpu.memory_space<vmem>>, vector<16xi32>,
    %iota3A_107 = tpu.iota {dimensions = array<i32: 0>} : vector<16xi32>
    %add3A_108 = arith.constant 10032 : i32
    %add3A_109 = vector.broadcast %add3A_108 : i32 to vector<16xi32>
    %add3A_110 = arith.addi %iota3A_107, %add3A_109 : vector<16xi32>
    %swap3A_111 = arith.constant 48 : index
    %swap3A_112 = tpu.vector_load %arg10[%swap3A_111] {strides = array<i32>} : memref<128xi32, #tpu.memory_space<vmem>>, vector<16xi32>,
    %swap3A_113 = vector.shape_cast %swap3A_112 : vector<16xi32> to vector<16xi32>
    %swap3A_114 = vector.shape_cast %add3A_110 : vector<16xi32> to vector<16xi32>
    tpu.vector_store %arg10[%swap3A_111], %swap3A_114 {strides = array<i32>} : memref<128xi32, #tpu.memory_space<vmem>>, vector<16xi32>,
    %iota3A_115 = tpu.iota {dimensions = array<i32: 0>} : vector<16xi32>
    %add3A_116 = arith.constant 10048 : i32
    %add3A_117 = vector.broadcast %add3A_116 : i32 to vector<16xi32>
    %add3A_118 = arith.addi %iota3A_115, %add3A_117 : vector<16xi32>
    %swap3A_119 = arith.constant 64 : index
    %swap3A_120 = tpu.vector_load %arg10[%swap3A_119] {strides = array<i32>} : memref<128xi32, #tpu.memory_space<vmem>>, vector<16xi32>,
    %swap3A_121 = vector.shape_cast %swap3A_120 : vector<16xi32> to vector<16xi32>
    %swap3A_122 = vector.shape_cast %add3A_118 : vector<16xi32> to vector<16xi32>
    tpu.vector_store %arg10[%swap3A_119], %swap3A_122 {strides = array<i32>} : memref<128xi32, #tpu.memory_space<vmem>>, vector<16xi32>,
    %iota3A_123 = tpu.iota {dimensions = array<i32: 0>} : vector<16xi32>
    %add3A_124 = arith.constant 10064 : i32
    %add3A_125 = vector.broadcast %add3A_124 : i32 to vector<16xi32>
    %add3A_126 = arith.addi %iota3A_123, %add3A_125 : vector<16xi32>
    %swap3A_127 = arith.constant 80 : index
    %swap3A_128 = tpu.vector_load %arg10[%swap3A_127] {strides = array<i32>} : memref<128xi32, #tpu.memory_space<vmem>>, vector<16xi32>,
    %swap3A_129 = vector.shape_cast %swap3A_128 : vector<16xi32> to vector<16xi32>
    %swap3A_130 = vector.shape_cast %add3A_126 : vector<16xi32> to vector<16xi32>
    tpu.vector_store %arg10[%swap3A_127], %swap3A_130 {strides = array<i32>} : memref<128xi32, #tpu.memory_space<vmem>>, vector<16xi32>,
    %iota3A_131 = tpu.iota {dimensions = array<i32: 0>} : vector<16xi32>
    %add3A_132 = arith.constant 10080 : i32
    %add3A_133 = vector.broadcast %add3A_132 : i32 to vector<16xi32>
    %add3A_134 = arith.addi %iota3A_131, %add3A_133 : vector<16xi32>
    %swap3A_135 = arith.constant 96 : index
    %swap3A_136 = tpu.vector_load %arg10[%swap3A_135] {strides = array<i32>} : memref<128xi32, #tpu.memory_space<vmem>>, vector<16xi32>,
    %swap3A_137 = vector.shape_cast %swap3A_136 : vector<16xi32> to vector<16xi32>
    %swap3A_138 = vector.shape_cast %add3A_134 : vector<16xi32> to vector<16xi32>
    tpu.vector_store %arg10[%swap3A_135], %swap3A_138 {strides = array<i32>} : memref<128xi32, #tpu.memory_space<vmem>>, vector<16xi32>,
    %iota3A_139 = tpu.iota {dimensions = array<i32: 0>} : vector<16xi32>
    %add3A_140 = arith.constant 10096 : i32
    %add3A_141 = vector.broadcast %add3A_140 : i32 to vector<16xi32>
    %add3A_142 = arith.addi %iota3A_139, %add3A_141 : vector<16xi32>
    %swap3A_143 = arith.constant 112 : index
    %swap3A_144 = tpu.vector_load %arg10[%swap3A_143] {strides = array<i32>} : memref<128xi32, #tpu.memory_space<vmem>>, vector<16xi32>,
    %swap3A_145 = vector.shape_cast %swap3A_144 : vector<16xi32> to vector<16xi32>
    %swap3A_146 = vector.shape_cast %add3A_142 : vector<16xi32> to vector<16xi32>
    tpu.vector_store %arg10[%swap3A_143], %swap3A_146 {strides = array<i32>} : memref<128xi32, #tpu.memory_space<vmem>>, vector<16xi32>,
    %barrier3A = arith.constant 0 : index
    tpu.barrier barrier_id(%barrier3A)
    %dma_start3A = arith.constant 1 : i32
    %dma_start3A_147 = arith.constant 0 : i32
    %dma_start3A_148 = tpu.memref_slice %arg3[%dma_start3A, %add3A, %dma_start3A_147] : memref<2x32x10000xi32, #tpu.memory_space<hbm>> -> memref<1x1x128xi32, #tpu.memory_space<hbm>>
    %dma_start3A_149 = tpu.memref_squeeze %dma_start3A_148 : memref<1x1x128xi32, #tpu.memory_space<hbm>> -> memref<128xi32, #tpu.memory_space<hbm>>
    %dma_start3A_150 = arith.constant 0 : i32
    %dma_start3A_151 = tpu.memref_slice %arg3[%dma_start3A, %add3A, %dma_start3A_150] : memref<2x32x10000xi32, #tpu.memory_space<hbm>> -> memref<1x1x128xi32, #tpu.memory_space<hbm>>
    %dma_start3A_152 = tpu.memref_squeeze %dma_start3A_151 : memref<1x1x128xi32, #tpu.memory_space<hbm>> -> memref<128xi32, #tpu.memory_space<hbm>>
    tpu.enqueue_dma source(%dma_start3A_152 : memref<128xi32, #tpu.memory_space<hbm>>) target(%arg8 : memref<128xi32, #tpu.memory_space<vmem>>) target_semaphore(%arg17 : memref<!tpu.dma_semaphore, #tpu.memory_space<semaphore_mem>>)
    %dma_start3A_153 = arith.constant 0 : i32
    %dma_start3A_154 = tpu.memref_slice %arg6[%dma_start3A_153] : memref<10000xi32, #tpu.memory_space<vmem>> -> memref<128xi32, #tpu.memory_space<vmem>>
    %dma_start3A_155 = arith.constant 0 : i32
    %dma_start3A_156 = arith.constant 0 : i32
    %dma_start3A_157 = tpu.memref_slice %arg2[%dma_start3A_155, %dma_start3A_156] : memref<10000x128xf32, #tpu.memory_space<hbm>> -> memref<10000x128xf32, #tpu.memory_space<hbm>>
    tpu.enqueue_indirect_dma source(%dma_start3A_157 : memref<10000x128xf32, #tpu.memory_space<hbm>>) target(%arg12 : memref<128x128xf32, #tpu.memory_space<vmem>>) offsets(%dma_start3A_154 : memref<128xi32, #tpu.memory_space<vmem>>) semaphore(%arg15 : memref<!tpu.dma_semaphore, #tpu.memory_space<semaphore_mem>>)
    %scan3A = arith.constant 0 : i32
    %scan3A_158 = arith.constant 0 : i32
    %scan3A_159 = arith.constant 38 : i32
    %scan3A_160 = arith.addi %scan3A_158, %scan3A_159 : i32
    %scan3A_161 = arith.constant 1 : i32
    scf.for %scan3A_230 = %scan3A_158 to %scan3A_160 step %scan3A_161  : i32 {
      %mul3A_231 = arith.constant 2 : i32
      %mul3A_232 = arith.muli %mul3A_231, %scan3A_230 : i32
      %add3A_233 = arith.constant 1 : i32
      %add3A_234 = arith.addi %mul3A_232, %add3A_233 : i32
      %add3A_235 = arith.constant 2 : i32
      %add3A_236 = arith.addi %mul3A_232, %add3A_235 : i32
      %mul3A_237 = arith.constant 128 : i32
      %mul3A_238 = arith.muli %add3A_234, %mul3A_237 : i32
      %dma_start3A_239 = arith.constant 1 : i32
      %dma_start3A_240 = tpu.memref_slice %arg3[%dma_start3A_239, %add3A, %mul3A_238] : memref<2x32x10000xi32, #tpu.memory_space<hbm>> -> memref<1x1x128xi32, #tpu.memory_space<hbm>>
      %dma_start3A_241 = tpu.memref_squeeze %dma_start3A_240 : memref<1x1x128xi32, #tpu.memory_space<hbm>> -> memref<128xi32, #tpu.memory_space<hbm>>
      %dma_start3A_242 = tpu.memref_slice %arg3[%dma_start3A_239, %add3A, %mul3A_238] : memref<2x32x10000xi32, #tpu.memory_space<hbm>> -> memref<1x1x128xi32, #tpu.memory_space<hbm>>
      %dma_start3A_243 = tpu.memref_squeeze %dma_start3A_242 : memref<1x1x128xi32, #tpu.memory_space<hbm>> -> memref<128xi32, #tpu.memory_space<hbm>>
      tpu.enqueue_dma source(%dma_start3A_243 : memref<128xi32, #tpu.memory_space<hbm>>) target(%arg9 : memref<128xi32, #tpu.memory_space<vmem>>) target_semaphore(%arg18 : memref<!tpu.dma_semaphore, #tpu.memory_space<semaphore_mem>>)
      %mul3A_244 = arith.constant 128 : i32
      %mul3A_245 = arith.muli %add3A_234, %mul3A_244 : i32
      %dma_start3A_246 = tpu.memref_slice %arg6[%mul3A_245] : memref<10000xi32, #tpu.memory_space<vmem>> -> memref<128xi32, #tpu.memory_space<vmem>>
      %dma_start3A_247 = arith.constant 0 : i32
      %dma_start3A_248 = arith.constant 0 : i32
      %dma_start3A_249 = tpu.memref_slice %arg2[%dma_start3A_247, %dma_start3A_248] : memref<10000x128xf32, #tpu.memory_space<hbm>> -> memref<10000x128xf32, #tpu.memory_space<hbm>>
      tpu.enqueue_indirect_dma source(%dma_start3A_249 : memref<10000x128xf32, #tpu.memory_space<hbm>>) target(%arg13 : memref<128x128xf32, #tpu.memory_space<vmem>>) offsets(%dma_start3A_246 : memref<128xi32, #tpu.memory_space<vmem>>) semaphore(%arg16 : memref<!tpu.dma_semaphore, #tpu.memory_space<semaphore_mem>>)
      %mul3A_250 = arith.constant 128 : i32
      %mul3A_251 = arith.muli %mul3A_232, %mul3A_250 : i32
      %dma_wait3A_252 = tpu.memref_slice %arg6[%mul3A_251] : memref<10000xi32, #tpu.memory_space<vmem>> -> memref<128xi32, #tpu.memory_space<vmem>>
      %dma_wait3A_253 = arith.constant 0 : i32
      %dma_wait3A_254 = arith.constant 0 : i32
      %dma_wait3A_255 = tpu.memref_slice %arg2[%dma_wait3A_253, %dma_wait3A_254] : memref<10000x128xf32, #tpu.memory_space<hbm>> -> memref<10000x128xf32, #tpu.memory_space<hbm>>
      tpu.wait_indirect_dma semaphore(%arg15 : memref<!tpu.dma_semaphore, #tpu.memory_space<semaphore_mem>>) src(%dma_wait3A_255 : memref<10000x128xf32, #tpu.memory_space<hbm>>) dst(%arg12 : memref<128x128xf32, #tpu.memory_space<vmem>>)
      %mul3A_256 = arith.constant 128 : i32
      %mul3A_257 = arith.muli %mul3A_232, %mul3A_256 : i32
      %dma_wait3A_258 = arith.constant 1 : i32
      %dma_wait3A_259 = tpu.memref_slice %arg3[%dma_wait3A_258, %add3A, %mul3A_257] : memref<2x32x10000xi32, #tpu.memory_space<hbm>> -> memref<1x1x128xi32, #tpu.memory_space<hbm>>
      %dma_wait3A_260 = tpu.memref_squeeze %dma_wait3A_259 : memref<1x1x128xi32, #tpu.memory_space<hbm>> -> memref<128xi32, #tpu.memory_space<hbm>>
      %dma_wait3A_261 = tpu.memref_slice %arg3[%dma_wait3A_258, %add3A, %mul3A_257] : memref<2x32x10000xi32, #tpu.memory_space<hbm>> -> memref<1x1x128xi32, #tpu.memory_space<hbm>>
      %dma_wait3A_262 = tpu.memref_squeeze %dma_wait3A_261 : memref<1x1x128xi32, #tpu.memory_space<hbm>> -> memref<128xi32, #tpu.memory_space<hbm>>
      tpu.wait_dma2 semaphore(%arg17 : memref<!tpu.dma_semaphore, #tpu.memory_space<semaphore_mem>>) src(%dma_wait3A_262 : memref<128xi32, #tpu.memory_space<hbm>>) dst(%arg8 : memref<128xi32, #tpu.memory_space<vmem>>)
      "tpu.region"() ({
        %run_scoped3A_289 = tpu.sem_alloc : memref<!tpu.dma_semaphore, #tpu.memory_space<semaphore_mem>>
        %dma_start3A_290 = arith.constant 0 : i32
        %dma_start3A_291 = arith.constant 0 : i32
        %dma_start3A_292 = tpu.memref_slice %arg14[%dma_start3A_290, %dma_start3A_291] : memref<10240x128xf32, #tpu.memory_space<vmem_shared>> -> memref<10240x128xf32, #tpu.memory_space<vmem_shared>>
        tpu.enqueue_indirect_dma source(%arg12 : memref<128x128xf32, #tpu.memory_space<vmem>>) target(%dma_start3A_292 : memref<10240x128xf32, #tpu.memory_space<vmem_shared>>) offsets(%arg8 : memref<128xi32, #tpu.memory_space<vmem>>) semaphore(%run_scoped3A_289 : memref<!tpu.dma_semaphore, #tpu.memory_space<semaphore_mem>>) {add = true}
        %dma_wait3A_293 = arith.constant 0 : i32
        %dma_wait3A_294 = arith.constant 0 : i32
        %dma_wait3A_295 = tpu.memref_slice %arg14[%dma_wait3A_293, %dma_wait3A_294] : memref<10240x128xf32, #tpu.memory_space<vmem_shared>> -> memref<10240x128xf32, #tpu.memory_space<vmem_shared>>
        tpu.wait_indirect_dma semaphore(%run_scoped3A_289 : memref<!tpu.dma_semaphore, #tpu.memory_space<semaphore_mem>>) src(%arg12 : memref<128x128xf32, #tpu.memory_space<vmem>>) dst(%dma_wait3A_295 : memref<10240x128xf32, #tpu.memory_space<vmem_shared>>)
        tpu.yield
      }) : () -> ()
      %mul3A_263 = arith.constant 128 : i32
      %mul3A_264 = arith.muli %add3A_236, %mul3A_263 : i32
      %dma_start3A_265 = arith.constant 1 : i32
      %dma_start3A_266 = tpu.memref_slice %arg3[%dma_start3A_265, %add3A, %mul3A_264] : memref<2x32x10000xi32, #tpu.memory_space<hbm>> -> memref<1x1x128xi32, #tpu.memory_space<hbm>>
      %dma_start3A_267 = tpu.memref_squeeze %dma_start3A_266 : memref<1x1x128xi32, #tpu.memory_space<hbm>> -> memref<128xi32, #tpu.memory_space<hbm>>
      %dma_start3A_268 = tpu.memref_slice %arg3[%dma_start3A_265, %add3A, %mul3A_264] : memref<2x32x10000xi32, #tpu.memory_space<hbm>> -> memref<1x1x128xi32, #tpu.memory_space<hbm>>
      %dma_start3A_269 = tpu.memref_squeeze %dma_start3A_268 : memref<1x1x128xi32, #tpu.memory_space<hbm>> -> memref<128xi32, #tpu.memory_space<hbm>>
      tpu.enqueue_dma source(%dma_start3A_269 : memref<128xi32, #tpu.memory_space<hbm>>) target(%arg8 : memref<128xi32, #tpu.memory_space<vmem>>) target_semaphore(%arg17 : memref<!tpu.dma_semaphore, #tpu.memory_space<semaphore_mem>>)
      %mul3A_270 = arith.constant 128 : i32
      %mul3A_271 = arith.muli %add3A_236, %mul3A_270 : i32
      %dma_start3A_272 = tpu.memref_slice %arg6[%mul3A_271] : memref<10000xi32, #tpu.memory_space<vmem>> -> memref<128xi32, #tpu.memory_space<vmem>>
      %dma_start3A_273 = arith.constant 0 : i32
      %dma_start3A_274 = arith.constant 0 : i32
      %dma_start3A_275 = tpu.memref_slice %arg2[%dma_start3A_273, %dma_start3A_274] : memref<10000x128xf32, #tpu.memory_space<hbm>> -> memref<10000x128xf32, #tpu.memory_space<hbm>>
      tpu.enqueue_indirect_dma source(%dma_start3A_275 : memref<10000x128xf32, #tpu.memory_space<hbm>>) target(%arg12 : memref<128x128xf32, #tpu.memory_space<vmem>>) offsets(%dma_start3A_272 : memref<128xi32, #tpu.memory_space<vmem>>) semaphore(%arg15 : memref<!tpu.dma_semaphore, #tpu.memory_space<semaphore_mem>>)
      %mul3A_276 = arith.constant 128 : i32
      %mul3A_277 = arith.muli %add3A_234, %mul3A_276 : i32
      %dma_wait3A_278 = tpu.memref_slice %arg6[%mul3A_277] : memref<10000xi32, #tpu.memory_space<vmem>> -> memref<128xi32, #tpu.memory_space<vmem>>
      %dma_wait3A_279 = arith.constant 0 : i32
      %dma_wait3A_280 = arith.constant 0 : i32
      %dma_wait3A_281 = tpu.memref_slice %arg2[%dma_wait3A_279, %dma_wait3A_280] : memref<10000x128xf32, #tpu.memory_space<hbm>> -> memref<10000x128xf32, #tpu.memory_space<hbm>>
      tpu.wait_indirect_dma semaphore(%arg16 : memref<!tpu.dma_semaphore, #tpu.memory_space<semaphore_mem>>) src(%dma_wait3A_281 : memref<10000x128xf32, #tpu.memory_space<hbm>>) dst(%arg13 : memref<128x128xf32, #tpu.memory_space<vmem>>)
      %mul3A_282 = arith.constant 128 : i32
      %mul3A_283 = arith.muli %add3A_234, %mul3A_282 : i32
      %dma_wait3A_284 = arith.constant 1 : i32
      %dma_wait3A_285 = tpu.memref_slice %arg3[%dma_wait3A_284, %add3A, %mul3A_283] : memref<2x32x10000xi32, #tpu.memory_space<hbm>> -> memref<1x1x128xi32, #tpu.memory_space<hbm>>
      %dma_wait3A_286 = tpu.memref_squeeze %dma_wait3A_285 : memref<1x1x128xi32, #tpu.memory_space<hbm>> -> memref<128xi32, #tpu.memory_space<hbm>>
      %dma_wait3A_287 = tpu.memref_slice %arg3[%dma_wait3A_284, %add3A, %mul3A_283] : memref<2x32x10000xi32, #tpu.memory_space<hbm>> -> memref<1x1x128xi32, #tpu.memory_space<hbm>>
      %dma_wait3A_288 = tpu.memref_squeeze %dma_wait3A_287 : memref<1x1x128xi32, #tpu.memory_space<hbm>> -> memref<128xi32, #tpu.memory_space<hbm>>
      tpu.wait_dma2 semaphore(%arg18 : memref<!tpu.dma_semaphore, #tpu.memory_space<semaphore_mem>>) src(%dma_wait3A_288 : memref<128xi32, #tpu.memory_space<hbm>>) dst(%arg9 : memref<128xi32, #tpu.memory_space<vmem>>)
      "tpu.region"() ({
        %run_scoped3A_289 = tpu.sem_alloc : memref<!tpu.dma_semaphore, #tpu.memory_space<semaphore_mem>>
        %dma_start3A_290 = arith.constant 0 : i32
        %dma_start3A_291 = arith.constant 0 : i32
        %dma_start3A_292 = tpu.memref_slice %arg14[%dma_start3A_290, %dma_start3A_291] : memref<10240x128xf32, #tpu.memory_space<vmem_shared>> -> memref<10240x128xf32, #tpu.memory_space<vmem_shared>>
        tpu.enqueue_indirect_dma source(%arg13 : memref<128x128xf32, #tpu.memory_space<vmem>>) target(%dma_start3A_292 : memref<10240x128xf32, #tpu.memory_space<vmem_shared>>) offsets(%arg9 : memref<128xi32, #tpu.memory_space<vmem>>) semaphore(%run_scoped3A_289 : memref<!tpu.dma_semaphore, #tpu.memory_space<semaphore_mem>>) {add = true}
        %dma_wait3A_293 = arith.constant 0 : i32
        %dma_wait3A_294 = arith.constant 0 : i32
        %dma_wait3A_295 = tpu.memref_slice %arg14[%dma_wait3A_293, %dma_wait3A_294] : memref<10240x128xf32, #tpu.memory_space<vmem_shared>> -> memref<10240x128xf32, #tpu.memory_space<vmem_shared>>
        tpu.wait_indirect_dma semaphore(%run_scoped3A_289 : memref<!tpu.dma_semaphore, #tpu.memory_space<semaphore_mem>>) src(%arg13 : memref<128x128xf32, #tpu.memory_space<vmem>>) dst(%dma_wait3A_295 : memref<10240x128xf32, #tpu.memory_space<vmem_shared>>)
        tpu.yield
      }) : () -> ()
    }
    %scan3A_162 = arith.constant 38 : i32
    %dma_start3A_163 = arith.constant 1 : i32
    %dma_start3A_164 = arith.constant 9856 : i32
    %dma_start3A_165 = tpu.memref_slice %arg3[%dma_start3A_163, %add3A, %dma_start3A_164] : memref<2x32x10000xi32, #tpu.memory_space<hbm>> -> memref<1x1x128xi32, #tpu.memory_space<hbm>>
    %dma_start3A_166 = tpu.memref_squeeze %dma_start3A_165 : memref<1x1x128xi32, #tpu.memory_space<hbm>> -> memref<128xi32, #tpu.memory_space<hbm>>
    %dma_start3A_167 = arith.constant 9856 : i32
    %dma_start3A_168 = tpu.memref_slice %arg3[%dma_start3A_163, %add3A, %dma_start3A_167] : memref<2x32x10000xi32, #tpu.memory_space<hbm>> -> memref<1x1x128xi32, #tpu.memory_space<hbm>>
    %dma_start3A_169 = tpu.memref_squeeze %dma_start3A_168 : memref<1x1x128xi32, #tpu.memory_space<hbm>> -> memref<128xi32, #tpu.memory_space<hbm>>
    tpu.enqueue_dma source(%dma_start3A_169 : memref<128xi32, #tpu.memory_space<hbm>>) target(%arg9 : memref<128xi32, #tpu.memory_space<vmem>>) target_semaphore(%arg18 : memref<!tpu.dma_semaphore, #tpu.memory_space<semaphore_mem>>)
    %dma_start3A_170 = arith.constant 9856 : i32
    %dma_start3A_171 = tpu.memref_slice %arg6[%dma_start3A_170] : memref<10000xi32, #tpu.memory_space<vmem>> -> memref<128xi32, #tpu.memory_space<vmem>>
    %dma_start3A_172 = arith.constant 0 : i32
    %dma_start3A_173 = arith.constant 0 : i32
    %dma_start3A_174 = tpu.memref_slice %arg2[%dma_start3A_172, %dma_start3A_173] : memref<10000x128xf32, #tpu.memory_space<hbm>> -> memref<10000x128xf32, #tpu.memory_space<hbm>>
    tpu.enqueue_indirect_dma source(%dma_start3A_174 : memref<10000x128xf32, #tpu.memory_space<hbm>>) target(%arg13 : memref<128x128xf32, #tpu.memory_space<vmem>>) offsets(%dma_start3A_171 : memref<128xi32, #tpu.memory_space<vmem>>) semaphore(%arg16 : memref<!tpu.dma_semaphore, #tpu.memory_space<semaphore_mem>>)
    %dma_wait3A = arith.constant 9728 : i32
    %dma_wait3A_175 = tpu.memref_slice %arg6[%dma_wait3A] : memref<10000xi32, #tpu.memory_space<vmem>> -> memref<128xi32, #tpu.memory_space<vmem>>
    %dma_wait3A_176 = arith.constant 0 : i32
    %dma_wait3A_177 = arith.constant 0 : i32
    %dma_wait3A_178 = tpu.memref_slice %arg2[%dma_wait3A_176, %dma_wait3A_177] : memref<10000x128xf32, #tpu.memory_space<hbm>> -> memref<10000x128xf32, #tpu.memory_space<hbm>>
    tpu.wait_indirect_dma semaphore(%arg15 : memref<!tpu.dma_semaphore, #tpu.memory_space<semaphore_mem>>) src(%dma_wait3A_178 : memref<10000x128xf32, #tpu.memory_space<hbm>>) dst(%arg12 : memref<128x128xf32, #tpu.memory_space<vmem>>)
    %dma_wait3A_179 = arith.constant 1 : i32
    %dma_wait3A_180 = arith.constant 9728 : i32
    %dma_wait3A_181 = tpu.memref_slice %arg3[%dma_wait3A_179, %add3A, %dma_wait3A_180] : memref<2x32x10000xi32, #tpu.memory_space<hbm>> -> memref<1x1x128xi32, #tpu.memory_space<hbm>>
    %dma_wait3A_182 = tpu.memref_squeeze %dma_wait3A_181 : memref<1x1x128xi32, #tpu.memory_space<hbm>> -> memref<128xi32, #tpu.memory_space<hbm>>
    %dma_wait3A_183 = arith.constant 9728 : i32
    %dma_wait3A_184 = tpu.memref_slice %arg3[%dma_wait3A_179, %add3A, %dma_wait3A_183] : memref<2x32x10000xi32, #tpu.memory_space<hbm>> -> memref<1x1x128xi32, #tpu.memory_space<hbm>>
    %dma_wait3A_185 = tpu.memref_squeeze %dma_wait3A_184 : memref<1x1x128xi32, #tpu.memory_space<hbm>> -> memref<128xi32, #tpu.memory_space<hbm>>
    tpu.wait_dma2 semaphore(%arg17 : memref<!tpu.dma_semaphore, #tpu.memory_space<semaphore_mem>>) src(%dma_wait3A_185 : memref<128xi32, #tpu.memory_space<hbm>>) dst(%arg8 : memref<128xi32, #tpu.memory_space<vmem>>)
    "tpu.region"() ({
      %run_scoped3A_230 = tpu.sem_alloc : memref<!tpu.dma_semaphore, #tpu.memory_space<semaphore_mem>>
      %dma_start3A_231 = arith.constant 0 : i32
      %dma_start3A_232 = arith.constant 0 : i32
      %dma_start3A_233 = tpu.memref_slice %arg14[%dma_start3A_231, %dma_start3A_232] : memref<10240x128xf32, #tpu.memory_space<vmem_shared>> -> memref<10240x128xf32, #tpu.memory_space<vmem_shared>>
      tpu.enqueue_indirect_dma source(%arg12 : memref<128x128xf32, #tpu.memory_space<vmem>>) target(%dma_start3A_233 : memref<10240x128xf32, #tpu.memory_space<vmem_shared>>) offsets(%arg8 : memref<128xi32, #tpu.memory_space<vmem>>) semaphore(%run_scoped3A_230 : memref<!tpu.dma_semaphore, #tpu.memory_space<semaphore_mem>>) {add = true}
      %dma_wait3A_234 = arith.constant 0 : i32
      %dma_wait3A_235 = arith.constant 0 : i32
      %dma_wait3A_236 = tpu.memref_slice %arg14[%dma_wait3A_234, %dma_wait3A_235] : memref<10240x128xf32, #tpu.memory_space<vmem_shared>> -> memref<10240x128xf32, #tpu.memory_space<vmem_shared>>
      tpu.wait_indirect_dma semaphore(%run_scoped3A_230 : memref<!tpu.dma_semaphore, #tpu.memory_space<semaphore_mem>>) src(%arg12 : memref<128x128xf32, #tpu.memory_space<vmem>>) dst(%dma_wait3A_236 : memref<10240x128xf32, #tpu.memory_space<vmem_shared>>)
      tpu.yield
    }) : () -> ()
    %dma_start3A_186 = arith.constant 0 : i32
    %dma_start3A_187 = arith.constant 0 : i32
    %dma_start3A_188 = tpu.memref_slice %arg2[%dma_start3A_186, %dma_start3A_187] : memref<10000x128xf32, #tpu.memory_space<hbm>> -> memref<10000x128xf32, #tpu.memory_space<hbm>>
    tpu.enqueue_indirect_dma source(%dma_start3A_188 : memref<10000x128xf32, #tpu.memory_space<hbm>>) target(%arg12 : memref<128x128xf32, #tpu.memory_space<vmem>>) offsets(%arg7 : memref<128xi32, #tpu.memory_space<vmem>>) semaphore(%arg15 : memref<!tpu.dma_semaphore, #tpu.memory_space<semaphore_mem>>)
    %dma_start3A_189 = arith.constant 1 : i32
    %dma_start3A_190 = arith.constant 9984 : i32
    %dma_start3A_191 = tpu.memref_slice %arg3[%dma_start3A_189, %add3A, %dma_start3A_190] : memref<2x32x10000xi32, #tpu.memory_space<hbm>> -> memref<1x1x16xi32, #tpu.memory_space<hbm>>
    %dma_start3A_192 = tpu.memref_squeeze %dma_start3A_191 : memref<1x1x16xi32, #tpu.memory_space<hbm>> -> memref<16xi32, #tpu.memory_space<hbm>>
    %dma_start3A_193 = arith.constant 9984 : i32
    %dma_start3A_194 = tpu.memref_slice %arg3[%dma_start3A_189, %add3A, %dma_start3A_193] : memref<2x32x10000xi32, #tpu.memory_space<hbm>> -> memref<1x1x16xi32, #tpu.memory_space<hbm>>
    %dma_start3A_195 = tpu.memref_squeeze %dma_start3A_194 : memref<1x1x16xi32, #tpu.memory_space<hbm>> -> memref<16xi32, #tpu.memory_space<hbm>>
    tpu.enqueue_dma source(%dma_start3A_195 : memref<16xi32, #tpu.memory_space<hbm>>) target(%arg11 : memref<16xi32, #tpu.memory_space<vmem>>) target_semaphore(%arg17 : memref<!tpu.dma_semaphore, #tpu.memory_space<semaphore_mem>>)
    %dma_wait3A_196 = arith.constant 9856 : i32
    %dma_wait3A_197 = tpu.memref_slice %arg6[%dma_wait3A_196] : memref<10000xi32, #tpu.memory_space<vmem>> -> memref<128xi32, #tpu.memory_space<vmem>>
    %dma_wait3A_198 = arith.constant 0 : i32
    %dma_wait3A_199 = arith.constant 0 : i32
    %dma_wait3A_200 = tpu.memref_slice %arg2[%dma_wait3A_198, %dma_wait3A_199] : memref<10000x128xf32, #tpu.memory_space<hbm>> -> memref<10000x128xf32, #tpu.memory_space<hbm>>
    tpu.wait_indirect_dma semaphore(%arg16 : memref<!tpu.dma_semaphore, #tpu.memory_space<semaphore_mem>>) src(%dma_wait3A_200 : memref<10000x128xf32, #tpu.memory_space<hbm>>) dst(%arg13 : memref<128x128xf32, #tpu.memory_space<vmem>>)
    %dma_wait3A_201 = arith.constant 1 : i32
    %dma_wait3A_202 = arith.constant 9856 : i32
    %dma_wait3A_203 = tpu.memref_slice %arg3[%dma_wait3A_201, %add3A, %dma_wait3A_202] : memref<2x32x10000xi32, #tpu.memory_space<hbm>> -> memref<1x1x128xi32, #tpu.memory_space<hbm>>
    %dma_wait3A_204 = tpu.memref_squeeze %dma_wait3A_203 : memref<1x1x128xi32, #tpu.memory_space<hbm>> -> memref<128xi32, #tpu.memory_space<hbm>>
    %dma_wait3A_205 = arith.constant 9856 : i32
    %dma_wait3A_206 = tpu.memref_slice %arg3[%dma_wait3A_201, %add3A, %dma_wait3A_205] : memref<2x32x10000xi32, #tpu.memory_space<hbm>> -> memref<1x1x128xi32, #tpu.memory_space<hbm>>
    %dma_wait3A_207 = tpu.memref_squeeze %dma_wait3A_206 : memref<1x1x128xi32, #tpu.memory_space<hbm>> -> memref<128xi32, #tpu.memory_space<hbm>>
    tpu.wait_dma2 semaphore(%arg18 : memref<!tpu.dma_semaphore, #tpu.memory_space<semaphore_mem>>) src(%dma_wait3A_207 : memref<128xi32, #tpu.memory_space<hbm>>) dst(%arg9 : memref<128xi32, #tpu.memory_space<vmem>>)
    "tpu.region"() ({
      %run_scoped3A_230 = tpu.sem_alloc : memref<!tpu.dma_semaphore, #tpu.memory_space<semaphore_mem>>
      %dma_start3A_231 = arith.constant 0 : i32
      %dma_start3A_232 = arith.constant 0 : i32
      %dma_start3A_233 = tpu.memref_slice %arg14[%dma_start3A_231, %dma_start3A_232] : memref<10240x128xf32, #tpu.memory_space<vmem_shared>> -> memref<10240x128xf32, #tpu.memory_space<vmem_shared>>
      tpu.enqueue_indirect_dma source(%arg13 : memref<128x128xf32, #tpu.memory_space<vmem>>) target(%dma_start3A_233 : memref<10240x128xf32, #tpu.memory_space<vmem_shared>>) offsets(%arg9 : memref<128xi32, #tpu.memory_space<vmem>>) semaphore(%run_scoped3A_230 : memref<!tpu.dma_semaphore, #tpu.memory_space<semaphore_mem>>) {add = true}
      %dma_wait3A_234 = arith.constant 0 : i32
      %dma_wait3A_235 = arith.constant 0 : i32
      %dma_wait3A_236 = tpu.memref_slice %arg14[%dma_wait3A_234, %dma_wait3A_235] : memref<10240x128xf32, #tpu.memory_space<vmem_shared>> -> memref<10240x128xf32, #tpu.memory_space<vmem_shared>>
      tpu.wait_indirect_dma semaphore(%run_scoped3A_230 : memref<!tpu.dma_semaphore, #tpu.memory_space<semaphore_mem>>) src(%arg13 : memref<128x128xf32, #tpu.memory_space<vmem>>) dst(%dma_wait3A_236 : memref<10240x128xf32, #tpu.memory_space<vmem_shared>>)
      tpu.yield
    }) : () -> ()
    %dma_wait3A_208 = arith.constant 0 : i32
    %dma_wait3A_209 = arith.constant 0 : i32
    %dma_wait3A_210 = tpu.memref_slice %arg2[%dma_wait3A_208, %dma_wait3A_209] : memref<10000x128xf32, #tpu.memory_space<hbm>> -> memref<10000x128xf32, #tpu.memory_space<hbm>>
    tpu.wait_indirect_dma semaphore(%arg15 : memref<!tpu.dma_semaphore, #tpu.memory_space<semaphore_mem>>) src(%dma_wait3A_210 : memref<10000x128xf32, #tpu.memory_space<hbm>>) dst(%arg12 : memref<128x128xf32, #tpu.memory_space<vmem>>)
    %dma_wait3A_211 = arith.constant 1 : i32
    %dma_wait3A_212 = arith.constant 9984 : i32
    %dma_wait3A_213 = tpu.memref_slice %arg3[%dma_wait3A_211, %add3A, %dma_wait3A_212] : memref<2x32x10000xi32, #tpu.memory_space<hbm>> -> memref<1x1x16xi32, #tpu.memory_space<hbm>>
    %dma_wait3A_214 = tpu.memref_squeeze %dma_wait3A_213 : memref<1x1x16xi32, #tpu.memory_space<hbm>> -> memref<16xi32, #tpu.memory_space<hbm>>
    %dma_wait3A_215 = arith.constant 9984 : i32
    %dma_wait3A_216 = tpu.memref_slice %arg3[%dma_wait3A_211, %add3A, %dma_wait3A_215] : memref<2x32x10000xi32, #tpu.memory_space<hbm>> -> memref<1x1x16xi32, #tpu.memory_space<hbm>>
    %dma_wait3A_217 = tpu.memref_squeeze %dma_wait3A_216 : memref<1x1x16xi32, #tpu.memory_space<hbm>> -> memref<16xi32, #tpu.memory_space<hbm>>
    tpu.wait_dma2 semaphore(%arg17 : memref<!tpu.dma_semaphore, #tpu.memory_space<semaphore_mem>>) src(%dma_wait3A_217 : memref<16xi32, #tpu.memory_space<hbm>>) dst(%arg11 : memref<16xi32, #tpu.memory_space<vmem>>)
    %get3A_218 = arith.constant 0 : index
    %get3A_219 = tpu.vector_load %arg11[%get3A_218] {strides = array<i32>} : memref<16xi32, #tpu.memory_space<vmem>>, vector<16xi32>,
    %get3A_220 = vector.shape_cast %get3A_219 : vector<16xi32> to vector<16xi32>
    %swap3A_221 = arith.constant 0 : index
    %swap3A_222 = tpu.vector_load %arg10[%swap3A_221] {strides = array<i32>} : memref<128xi32, #tpu.memory_space<vmem>>, vector<16xi32>,
    %swap3A_223 = vector.shape_cast %swap3A_222 : vector<16xi32> to vector<16xi32>
    %swap3A_224 = vector.shape_cast %get3A_220 : vector<16xi32> to vector<16xi32>
    tpu.vector_store %arg10[%swap3A_221], %swap3A_224 {strides = array<i32>} : memref<128xi32, #tpu.memory_space<vmem>>, vector<16xi32>,
    "tpu.region"() ({
      %run_scoped3A_230 = tpu.sem_alloc : memref<!tpu.dma_semaphore, #tpu.memory_space<semaphore_mem>>
      %dma_start3A_231 = arith.constant 0 : i32
      %dma_start3A_232 = arith.constant 0 : i32
      %dma_start3A_233 = tpu.memref_slice %arg14[%dma_start3A_231, %dma_start3A_232] : memref<10240x128xf32, #tpu.memory_space<vmem_shared>> -> memref<10240x128xf32, #tpu.memory_space<vmem_shared>>
      tpu.enqueue_indirect_dma source(%arg12 : memref<128x128xf32, #tpu.memory_space<vmem>>) target(%dma_start3A_233 : memref<10240x128xf32, #tpu.memory_space<vmem_shared>>) offsets(%arg10 : memref<128xi32, #tpu.memory_space<vmem>>) semaphore(%run_scoped3A_230 : memref<!tpu.dma_semaphore, #tpu.memory_space<semaphore_mem>>) {add = true}
      %dma_wait3A_234 = arith.constant 0 : i32
      %dma_wait3A_235 = arith.constant 0 : i32
      %dma_wait3A_236 = tpu.memref_slice %arg14[%dma_wait3A_234, %dma_wait3A_235] : memref<10240x128xf32, #tpu.memory_space<vmem_shared>> -> memref<10240x128xf32, #tpu.memory_space<vmem_shared>>
      tpu.wait_indirect_dma semaphore(%run_scoped3A_230 : memref<!tpu.dma_semaphore, #tpu.memory_space<semaphore_mem>>) src(%arg12 : memref<128x128xf32, #tpu.memory_space<vmem>>) dst(%dma_wait3A_236 : memref<10240x128xf32, #tpu.memory_space<vmem_shared>>)
      tpu.yield
    }) : () -> ()
    %barrier3A_225 = arith.constant 0 : index
    tpu.barrier barrier_id(%barrier3A_225)
    %mul3A_226 = arith.constant 640 : i32
    %mul3A_227 = arith.muli %arg1, %mul3A_226 : i32
    %mul3A_228 = arith.constant 640 : i32
    %mul3A_229 = arith.muli %arg1, %mul3A_228 : i32
    "tpu.region"() ({
      %run_scoped3A_230 = tpu.sem_alloc : memref<!tpu.dma_semaphore, #tpu.memory_space<semaphore_mem>>
      %dma_start3A_231 = arith.constant 0 : i32
      %dma_start3A_232 = tpu.memref_slice %arg5[%arg0, %mul3A_229, %dma_start3A_231] : memref<2x10240x128xf32, #tpu.memory_space<hbm>> -> memref<1x640x128xf32, #tpu.memory_space<hbm>>
      %dma_start3A_233 = tpu.memref_squeeze %dma_start3A_232 : memref<1x640x128xf32, #tpu.memory_space<hbm>> -> memref<640x128xf32, #tpu.memory_space<hbm>>
      %dma_start3A_234 = arith.constant 0 : i32
      %dma_start3A_235 = tpu.memref_slice %arg14[%mul3A_227, %dma_start3A_234] : memref<10240x128xf32, #tpu.memory_space<vmem_shared>> -> memref<640x128xf32, #tpu.memory_space<vmem_shared>>
      tpu.enqueue_dma source(%dma_start3A_235 : memref<640x128xf32, #tpu.memory_space<vmem_shared>>) target(%dma_start3A_233 : memref<640x128xf32, #tpu.memory_space<hbm>>) target_semaphore(%run_scoped3A_230 : memref<!tpu.dma_semaphore, #tpu.memory_space<semaphore_mem>>)
      %dma_wait3A_236 = arith.constant 0 : i32
      %dma_wait3A_237 = tpu.memref_slice %arg5[%arg0, %mul3A_229, %dma_wait3A_236] : memref<2x10240x128xf32, #tpu.memory_space<hbm>> -> memref<1x640x128xf32, #tpu.memory_space<hbm>>
      %dma_wait3A_238 = tpu.memref_squeeze %dma_wait3A_237 : memref<1x640x128xf32, #tpu.memory_space<hbm>> -> memref<640x128xf32, #tpu.memory_space<hbm>>
      %dma_wait3A_239 = arith.constant 0 : i32
      %dma_wait3A_240 = tpu.memref_slice %arg14[%mul3A_227, %dma_wait3A_239] : memref<10240x128xf32, #tpu.memory_space<vmem_shared>> -> memref<640x128xf32, #tpu.memory_space<vmem_shared>>
      tpu.wait_dma2 semaphore(%run_scoped3A_230 : memref<!tpu.dma_semaphore, #tpu.memory_space<semaphore_mem>>) src(%dma_wait3A_240 : memref<640x128xf32, #tpu.memory_space<vmem_shared>>) dst(%dma_wait3A_238 : memref<640x128xf32, #tpu.memory_space<hbm>>)
      tpu.yield
    }) : () -> ()
    return
  }
}

#map = affine_map<(d0, d1) -> (0, 0, 0)>
#map1 = affine_map<(d0, d1) -> (0, 0)>
module attributes {stable_mosaic.version = 14 : i64} {
  func.func @_deg_body(%arg0: i32, %arg1: i32, %arg2: memref<2x32x10000xi32, #tpu.memory_space<hbm>>, %arg3: memref<2x10240xf32, #tpu.memory_space<hbm>>, %arg4: memref<128xf32, #tpu.memory_space<vmem>>, %arg5: memref<128xf32, #tpu.memory_space<vmem>>, %arg6: memref<128xi32, #tpu.memory_space<vmem>>, %arg7: memref<128xi32, #tpu.memory_space<vmem>>, %arg8: memref<10000xi32, #tpu.memory_space<vmem>>, %arg9: memref<10240xf32, #tpu.memory_space<vmem_shared>>, %arg10: memref<!tpu.dma_semaphore, #tpu.memory_space<semaphore_mem>>, %arg11: memref<!tpu.dma_semaphore, #tpu.memory_space<semaphore_mem>>) attributes {dimension_semantics = [#tpu.dimension_semantics<core_parallel>, #tpu.dimension_semantics<subcore_parallel>], iteration_bounds = array<i64: 2, 16>, scalar_prefetch = 0 : i64, scratch_operands = 8 : i64, tpu.core_type = #tpu.core_type<sc_vector_subcore>, window_params = [{transform_indices = #map}, {transform_indices = #map1}]} {
    %mul3A = arith.constant 2 : i32
    %mul3A_0 = arith.muli %arg1, %mul3A : i32
    %add3A = arith.addi %mul3A_0, %arg0 : i32
    %mul3A_1 = arith.constant 10000 : i32
    %mul3A_2 = arith.muli %add3A, %mul3A_1 : i32
    %broadcast_in_dim3A = arith.constant 1.000000e+00 : f32
    %broadcast_in_dim3A_3 = vector.broadcast %broadcast_in_dim3A : f32 to vector<16xf32>
    %swap3A = arith.constant 0 : index
    %swap3A_4 = tpu.vector_load %arg4[%swap3A] {strides = array<i32>} : memref<128xf32, #tpu.memory_space<vmem>>, vector<16xf32>,
    %swap3A_5 = vector.shape_cast %swap3A_4 : vector<16xf32> to vector<16xf32>
    %swap3A_6 = vector.shape_cast %broadcast_in_dim3A_3 : vector<16xf32> to vector<16xf32>
    tpu.vector_store %arg4[%swap3A], %swap3A_6 {strides = array<i32>} : memref<128xf32, #tpu.memory_space<vmem>>, vector<16xf32>,
    %broadcast_in_dim3A_7 = arith.constant 0.000000e+00 : f32
    %broadcast_in_dim3A_8 = vector.broadcast %broadcast_in_dim3A_7 : f32 to vector<16xf32>
    %swap3A_9 = arith.constant 0 : index
    %swap3A_10 = tpu.vector_load %arg5[%swap3A_9] {strides = array<i32>} : memref<128xf32, #tpu.memory_space<vmem>>, vector<16xf32>,
    %swap3A_11 = vector.shape_cast %swap3A_10 : vector<16xf32> to vector<16xf32>
    %swap3A_12 = vector.shape_cast %broadcast_in_dim3A_8 : vector<16xf32> to vector<16xf32>
    tpu.vector_store %arg5[%swap3A_9], %swap3A_12 {strides = array<i32>} : memref<128xf32, #tpu.memory_space<vmem>>, vector<16xf32>,
    %broadcast_in_dim3A_13 = arith.constant 1.000000e+00 : f32
    %broadcast_in_dim3A_14 = vector.broadcast %broadcast_in_dim3A_13 : f32 to vector<16xf32>
    %swap3A_15 = arith.constant 16 : index
    %swap3A_16 = tpu.vector_load %arg4[%swap3A_15] {strides = array<i32>} : memref<128xf32, #tpu.memory_space<vmem>>, vector<16xf32>,
    %swap3A_17 = vector.shape_cast %swap3A_16 : vector<16xf32> to vector<16xf32>
    %swap3A_18 = vector.shape_cast %broadcast_in_dim3A_14 : vector<16xf32> to vector<16xf32>
    tpu.vector_store %arg4[%swap3A_15], %swap3A_18 {strides = array<i32>} : memref<128xf32, #tpu.memory_space<vmem>>, vector<16xf32>,
    %broadcast_in_dim3A_19 = arith.constant 0.000000e+00 : f32
    %broadcast_in_dim3A_20 = vector.broadcast %broadcast_in_dim3A_19 : f32 to vector<16xf32>
    %swap3A_21 = arith.constant 16 : index
    %swap3A_22 = tpu.vector_load %arg5[%swap3A_21] {strides = array<i32>} : memref<128xf32, #tpu.memory_space<vmem>>, vector<16xf32>,
    %swap3A_23 = vector.shape_cast %swap3A_22 : vector<16xf32> to vector<16xf32>
    %swap3A_24 = vector.shape_cast %broadcast_in_dim3A_20 : vector<16xf32> to vector<16xf32>
    tpu.vector_store %arg5[%swap3A_21], %swap3A_24 {strides = array<i32>} : memref<128xf32, #tpu.memory_space<vmem>>, vector<16xf32>,
    %broadcast_in_dim3A_25 = arith.constant 1.000000e+00 : f32
    %broadcast_in_dim3A_26 = vector.broadcast %broadcast_in_dim3A_25 : f32 to vector<16xf32>
    %swap3A_27 = arith.constant 32 : index
    %swap3A_28 = tpu.vector_load %arg4[%swap3A_27] {strides = array<i32>} : memref<128xf32, #tpu.memory_space<vmem>>, vector<16xf32>,
    %swap3A_29 = vector.shape_cast %swap3A_28 : vector<16xf32> to vector<16xf32>
    %swap3A_30 = vector.shape_cast %broadcast_in_dim3A_26 : vector<16xf32> to vector<16xf32>
    tpu.vector_store %arg4[%swap3A_27], %swap3A_30 {strides = array<i32>} : memref<128xf32, #tpu.memory_space<vmem>>, vector<16xf32>,
    %broadcast_in_dim3A_31 = arith.constant 0.000000e+00 : f32
    %broadcast_in_dim3A_32 = vector.broadcast %broadcast_in_dim3A_31 : f32 to vector<16xf32>
    %swap3A_33 = arith.constant 32 : index
    %swap3A_34 = tpu.vector_load %arg5[%swap3A_33] {strides = array<i32>} : memref<128xf32, #tpu.memory_space<vmem>>, vector<16xf32>,
    %swap3A_35 = vector.shape_cast %swap3A_34 : vector<16xf32> to vector<16xf32>
    %swap3A_36 = vector.shape_cast %broadcast_in_dim3A_32 : vector<16xf32> to vector<16xf32>
    tpu.vector_store %arg5[%swap3A_33], %swap3A_36 {strides = array<i32>} : memref<128xf32, #tpu.memory_space<vmem>>, vector<16xf32>,
    %broadcast_in_dim3A_37 = arith.constant 1.000000e+00 : f32
    %broadcast_in_dim3A_38 = vector.broadcast %broadcast_in_dim3A_37 : f32 to vector<16xf32>
    %swap3A_39 = arith.constant 48 : index
    %swap3A_40 = tpu.vector_load %arg4[%swap3A_39] {strides = array<i32>} : memref<128xf32, #tpu.memory_space<vmem>>, vector<16xf32>,
    %swap3A_41 = vector.shape_cast %swap3A_40 : vector<16xf32> to vector<16xf32>
    %swap3A_42 = vector.shape_cast %broadcast_in_dim3A_38 : vector<16xf32> to vector<16xf32>
    tpu.vector_store %arg4[%swap3A_39], %swap3A_42 {strides = array<i32>} : memref<128xf32, #tpu.memory_space<vmem>>, vector<16xf32>,
    %broadcast_in_dim3A_43 = arith.constant 0.000000e+00 : f32
    %broadcast_in_dim3A_44 = vector.broadcast %broadcast_in_dim3A_43 : f32 to vector<16xf32>
    %swap3A_45 = arith.constant 48 : index
    %swap3A_46 = tpu.vector_load %arg5[%swap3A_45] {strides = array<i32>} : memref<128xf32, #tpu.memory_space<vmem>>, vector<16xf32>,
    %swap3A_47 = vector.shape_cast %swap3A_46 : vector<16xf32> to vector<16xf32>
    %swap3A_48 = vector.shape_cast %broadcast_in_dim3A_44 : vector<16xf32> to vector<16xf32>
    tpu.vector_store %arg5[%swap3A_45], %swap3A_48 {strides = array<i32>} : memref<128xf32, #tpu.memory_space<vmem>>, vector<16xf32>,
    %broadcast_in_dim3A_49 = arith.constant 1.000000e+00 : f32
    %broadcast_in_dim3A_50 = vector.broadcast %broadcast_in_dim3A_49 : f32 to vector<16xf32>
    %swap3A_51 = arith.constant 64 : index
    %swap3A_52 = tpu.vector_load %arg4[%swap3A_51] {strides = array<i32>} : memref<128xf32, #tpu.memory_space<vmem>>, vector<16xf32>,
    %swap3A_53 = vector.shape_cast %swap3A_52 : vector<16xf32> to vector<16xf32>
    %swap3A_54 = vector.shape_cast %broadcast_in_dim3A_50 : vector<16xf32> to vector<16xf32>
    tpu.vector_store %arg4[%swap3A_51], %swap3A_54 {strides = array<i32>} : memref<128xf32, #tpu.memory_space<vmem>>, vector<16xf32>,
    %broadcast_in_dim3A_55 = arith.constant 0.000000e+00 : f32
    %broadcast_in_dim3A_56 = vector.broadcast %broadcast_in_dim3A_55 : f32 to vector<16xf32>
    %swap3A_57 = arith.constant 64 : index
    %swap3A_58 = tpu.vector_load %arg5[%swap3A_57] {strides = array<i32>} : memref<128xf32, #tpu.memory_space<vmem>>, vector<16xf32>,
    %swap3A_59 = vector.shape_cast %swap3A_58 : vector<16xf32> to vector<16xf32>
    %swap3A_60 = vector.shape_cast %broadcast_in_dim3A_56 : vector<16xf32> to vector<16xf32>
    tpu.vector_store %arg5[%swap3A_57], %swap3A_60 {strides = array<i32>} : memref<128xf32, #tpu.memory_space<vmem>>, vector<16xf32>,
    %broadcast_in_dim3A_61 = arith.constant 1.000000e+00 : f32
    %broadcast_in_dim3A_62 = vector.broadcast %broadcast_in_dim3A_61 : f32 to vector<16xf32>
    %swap3A_63 = arith.constant 80 : index
    %swap3A_64 = tpu.vector_load %arg4[%swap3A_63] {strides = array<i32>} : memref<128xf32, #tpu.memory_space<vmem>>, vector<16xf32>,
    %swap3A_65 = vector.shape_cast %swap3A_64 : vector<16xf32> to vector<16xf32>
    %swap3A_66 = vector.shape_cast %broadcast_in_dim3A_62 : vector<16xf32> to vector<16xf32>
    tpu.vector_store %arg4[%swap3A_63], %swap3A_66 {strides = array<i32>} : memref<128xf32, #tpu.memory_space<vmem>>, vector<16xf32>,
    %broadcast_in_dim3A_67 = arith.constant 0.000000e+00 : f32
    %broadcast_in_dim3A_68 = vector.broadcast %broadcast_in_dim3A_67 : f32 to vector<16xf32>
    %swap3A_69 = arith.constant 80 : index
    %swap3A_70 = tpu.vector_load %arg5[%swap3A_69] {strides = array<i32>} : memref<128xf32, #tpu.memory_space<vmem>>, vector<16xf32>,
    %swap3A_71 = vector.shape_cast %swap3A_70 : vector<16xf32> to vector<16xf32>
    %swap3A_72 = vector.shape_cast %broadcast_in_dim3A_68 : vector<16xf32> to vector<16xf32>
    tpu.vector_store %arg5[%swap3A_69], %swap3A_72 {strides = array<i32>} : memref<128xf32, #tpu.memory_space<vmem>>, vector<16xf32>,
    %broadcast_in_dim3A_73 = arith.constant 1.000000e+00 : f32
    %broadcast_in_dim3A_74 = vector.broadcast %broadcast_in_dim3A_73 : f32 to vector<16xf32>
    %swap3A_75 = arith.constant 96 : index
    %swap3A_76 = tpu.vector_load %arg4[%swap3A_75] {strides = array<i32>} : memref<128xf32, #tpu.memory_space<vmem>>, vector<16xf32>,
    %swap3A_77 = vector.shape_cast %swap3A_76 : vector<16xf32> to vector<16xf32>
    %swap3A_78 = vector.shape_cast %broadcast_in_dim3A_74 : vector<16xf32> to vector<16xf32>
    tpu.vector_store %arg4[%swap3A_75], %swap3A_78 {strides = array<i32>} : memref<128xf32, #tpu.memory_space<vmem>>, vector<16xf32>,
    %broadcast_in_dim3A_79 = arith.constant 0.000000e+00 : f32
    %broadcast_in_dim3A_80 = vector.broadcast %broadcast_in_dim3A_79 : f32 to vector<16xf32>
    %swap3A_81 = arith.constant 96 : index
    %swap3A_82 = tpu.vector_load %arg5[%swap3A_81] {strides = array<i32>} : memref<128xf32, #tpu.memory_space<vmem>>, vector<16xf32>,
    %swap3A_83 = vector.shape_cast %swap3A_82 : vector<16xf32> to vector<16xf32>
    %swap3A_84 = vector.shape_cast %broadcast_in_dim3A_80 : vector<16xf32> to vector<16xf32>
    tpu.vector_store %arg5[%swap3A_81], %swap3A_84 {strides = array<i32>} : memref<128xf32, #tpu.memory_space<vmem>>, vector<16xf32>,
    %broadcast_in_dim3A_85 = arith.constant 1.000000e+00 : f32
    %broadcast_in_dim3A_86 = vector.broadcast %broadcast_in_dim3A_85 : f32 to vector<16xf32>
    %swap3A_87 = arith.constant 112 : index
    %swap3A_88 = tpu.vector_load %arg4[%swap3A_87] {strides = array<i32>} : memref<128xf32, #tpu.memory_space<vmem>>, vector<16xf32>,
    %swap3A_89 = vector.shape_cast %swap3A_88 : vector<16xf32> to vector<16xf32>
    %swap3A_90 = vector.shape_cast %broadcast_in_dim3A_86 : vector<16xf32> to vector<16xf32>
    tpu.vector_store %arg4[%swap3A_87], %swap3A_90 {strides = array<i32>} : memref<128xf32, #tpu.memory_space<vmem>>, vector<16xf32>,
    %broadcast_in_dim3A_91 = arith.constant 0.000000e+00 : f32
    %broadcast_in_dim3A_92 = vector.broadcast %broadcast_in_dim3A_91 : f32 to vector<16xf32>
    %swap3A_93 = arith.constant 112 : index
    %swap3A_94 = tpu.vector_load %arg5[%swap3A_93] {strides = array<i32>} : memref<128xf32, #tpu.memory_space<vmem>>, vector<16xf32>,
    %swap3A_95 = vector.shape_cast %swap3A_94 : vector<16xf32> to vector<16xf32>
    %swap3A_96 = vector.shape_cast %broadcast_in_dim3A_92 : vector<16xf32> to vector<16xf32>
    tpu.vector_store %arg5[%swap3A_93], %swap3A_96 {strides = array<i32>} : memref<128xf32, #tpu.memory_space<vmem>>, vector<16xf32>,
    %mul3A_97 = arith.constant 640 : i32
    %mul3A_98 = arith.muli %arg1, %mul3A_97 : i32
    %add3A_99 = arith.constant 0 : i32
    %add3A_100 = arith.addi %mul3A_98, %add3A_99 : i32
    "tpu.region"() ({
      %run_scoped3A_188 = tpu.sem_alloc : memref<!tpu.dma_semaphore, #tpu.memory_space<semaphore_mem>>
      %dma_start3A = tpu.memref_slice %arg9[%add3A_100] : memref<10240xf32, #tpu.memory_space<vmem_shared>> -> memref<128xf32, #tpu.memory_space<vmem_shared>>
      %dma_start3A_189 = tpu.memref_slice %arg9[%add3A_100] : memref<10240xf32, #tpu.memory_space<vmem_shared>> -> memref<128xf32, #tpu.memory_space<vmem_shared>>
      tpu.enqueue_dma source(%arg5 : memref<128xf32, #tpu.memory_space<vmem>>) target(%dma_start3A_189 : memref<128xf32, #tpu.memory_space<vmem_shared>>) target_semaphore(%run_scoped3A_188 : memref<!tpu.dma_semaphore, #tpu.memory_space<semaphore_mem>>)
      %dma_wait3A = tpu.memref_slice %arg9[%add3A_100] : memref<10240xf32, #tpu.memory_space<vmem_shared>> -> memref<128xf32, #tpu.memory_space<vmem_shared>>
      %dma_wait3A_190 = tpu.memref_slice %arg9[%add3A_100] : memref<10240xf32, #tpu.memory_space<vmem_shared>> -> memref<128xf32, #tpu.memory_space<vmem_shared>>
      tpu.wait_dma2 semaphore(%run_scoped3A_188 : memref<!tpu.dma_semaphore, #tpu.memory_space<semaphore_mem>>) src(%arg5 : memref<128xf32, #tpu.memory_space<vmem>>) dst(%dma_wait3A_190 : memref<128xf32, #tpu.memory_space<vmem_shared>>)
      tpu.yield
    }) : () -> ()
    %mul3A_101 = arith.constant 640 : i32
    %mul3A_102 = arith.muli %arg1, %mul3A_101 : i32
    %add3A_103 = arith.constant 128 : i32
    %add3A_104 = arith.addi %mul3A_102, %add3A_103 : i32
    "tpu.region"() ({
      %run_scoped3A_188 = tpu.sem_alloc : memref<!tpu.dma_semaphore, #tpu.memory_space<semaphore_mem>>
      %dma_start3A = tpu.memref_slice %arg9[%add3A_104] : memref<10240xf32, #tpu.memory_space<vmem_shared>> -> memref<128xf32, #tpu.memory_space<vmem_shared>>
      %dma_start3A_189 = tpu.memref_slice %arg9[%add3A_104] : memref<10240xf32, #tpu.memory_space<vmem_shared>> -> memref<128xf32, #tpu.memory_space<vmem_shared>>
      tpu.enqueue_dma source(%arg5 : memref<128xf32, #tpu.memory_space<vmem>>) target(%dma_start3A_189 : memref<128xf32, #tpu.memory_space<vmem_shared>>) target_semaphore(%run_scoped3A_188 : memref<!tpu.dma_semaphore, #tpu.memory_space<semaphore_mem>>)
      %dma_wait3A = tpu.memref_slice %arg9[%add3A_104] : memref<10240xf32, #tpu.memory_space<vmem_shared>> -> memref<128xf32, #tpu.memory_space<vmem_shared>>
      %dma_wait3A_190 = tpu.memref_slice %arg9[%add3A_104] : memref<10240xf32, #tpu.memory_space<vmem_shared>> -> memref<128xf32, #tpu.memory_space<vmem_shared>>
      tpu.wait_dma2 semaphore(%run_scoped3A_188 : memref<!tpu.dma_semaphore, #tpu.memory_space<semaphore_mem>>) src(%arg5 : memref<128xf32, #tpu.memory_space<vmem>>) dst(%dma_wait3A_190 : memref<128xf32, #tpu.memory_space<vmem_shared>>)
      tpu.yield
    }) : () -> ()
    %mul3A_105 = arith.constant 640 : i32
    %mul3A_106 = arith.muli %arg1, %mul3A_105 : i32
    %add3A_107 = arith.constant 256 : i32
    %add3A_108 = arith.addi %mul3A_106, %add3A_107 : i32
    "tpu.region"() ({
      %run_scoped3A_188 = tpu.sem_alloc : memref<!tpu.dma_semaphore, #tpu.memory_space<semaphore_mem>>
      %dma_start3A = tpu.memref_slice %arg9[%add3A_108] : memref<10240xf32, #tpu.memory_space<vmem_shared>> -> memref<128xf32, #tpu.memory_space<vmem_shared>>
      %dma_start3A_189 = tpu.memref_slice %arg9[%add3A_108] : memref<10240xf32, #tpu.memory_space<vmem_shared>> -> memref<128xf32, #tpu.memory_space<vmem_shared>>
      tpu.enqueue_dma source(%arg5 : memref<128xf32, #tpu.memory_space<vmem>>) target(%dma_start3A_189 : memref<128xf32, #tpu.memory_space<vmem_shared>>) target_semaphore(%run_scoped3A_188 : memref<!tpu.dma_semaphore, #tpu.memory_space<semaphore_mem>>)
      %dma_wait3A = tpu.memref_slice %arg9[%add3A_108] : memref<10240xf32, #tpu.memory_space<vmem_shared>> -> memref<128xf32, #tpu.memory_space<vmem_shared>>
      %dma_wait3A_190 = tpu.memref_slice %arg9[%add3A_108] : memref<10240xf32, #tpu.memory_space<vmem_shared>> -> memref<128xf32, #tpu.memory_space<vmem_shared>>
      tpu.wait_dma2 semaphore(%run_scoped3A_188 : memref<!tpu.dma_semaphore, #tpu.memory_space<semaphore_mem>>) src(%arg5 : memref<128xf32, #tpu.memory_space<vmem>>) dst(%dma_wait3A_190 : memref<128xf32, #tpu.memory_space<vmem_shared>>)
      tpu.yield
    }) : () -> ()
    %mul3A_109 = arith.constant 640 : i32
    %mul3A_110 = arith.muli %arg1, %mul3A_109 : i32
    %add3A_111 = arith.constant 384 : i32
    %add3A_112 = arith.addi %mul3A_110, %add3A_111 : i32
    "tpu.region"() ({
      %run_scoped3A_188 = tpu.sem_alloc : memref<!tpu.dma_semaphore, #tpu.memory_space<semaphore_mem>>
      %dma_start3A = tpu.memref_slice %arg9[%add3A_112] : memref<10240xf32, #tpu.memory_space<vmem_shared>> -> memref<128xf32, #tpu.memory_space<vmem_shared>>
      %dma_start3A_189 = tpu.memref_slice %arg9[%add3A_112] : memref<10240xf32, #tpu.memory_space<vmem_shared>> -> memref<128xf32, #tpu.memory_space<vmem_shared>>
      tpu.enqueue_dma source(%arg5 : memref<128xf32, #tpu.memory_space<vmem>>) target(%dma_start3A_189 : memref<128xf32, #tpu.memory_space<vmem_shared>>) target_semaphore(%run_scoped3A_188 : memref<!tpu.dma_semaphore, #tpu.memory_space<semaphore_mem>>)
      %dma_wait3A = tpu.memref_slice %arg9[%add3A_112] : memref<10240xf32, #tpu.memory_space<vmem_shared>> -> memref<128xf32, #tpu.memory_space<vmem_shared>>
      %dma_wait3A_190 = tpu.memref_slice %arg9[%add3A_112] : memref<10240xf32, #tpu.memory_space<vmem_shared>> -> memref<128xf32, #tpu.memory_space<vmem_shared>>
      tpu.wait_dma2 semaphore(%run_scoped3A_188 : memref<!tpu.dma_semaphore, #tpu.memory_space<semaphore_mem>>) src(%arg5 : memref<128xf32, #tpu.memory_space<vmem>>) dst(%dma_wait3A_190 : memref<128xf32, #tpu.memory_space<vmem_shared>>)
      tpu.yield
    }) : () -> ()
    %mul3A_113 = arith.constant 640 : i32
    %mul3A_114 = arith.muli %arg1, %mul3A_113 : i32
    %add3A_115 = arith.constant 512 : i32
    %add3A_116 = arith.addi %mul3A_114, %add3A_115 : i32
    "tpu.region"() ({
      %run_scoped3A_188 = tpu.sem_alloc : memref<!tpu.dma_semaphore, #tpu.memory_space<semaphore_mem>>
      %dma_start3A = tpu.memref_slice %arg9[%add3A_116] : memref<10240xf32, #tpu.memory_space<vmem_shared>> -> memref<128xf32, #tpu.memory_space<vmem_shared>>
      %dma_start3A_189 = tpu.memref_slice %arg9[%add3A_116] : memref<10240xf32, #tpu.memory_space<vmem_shared>> -> memref<128xf32, #tpu.memory_space<vmem_shared>>
      tpu.enqueue_dma source(%arg5 : memref<128xf32, #tpu.memory_space<vmem>>) target(%dma_start3A_189 : memref<128xf32, #tpu.memory_space<vmem_shared>>) target_semaphore(%run_scoped3A_188 : memref<!tpu.dma_semaphore, #tpu.memory_space<semaphore_mem>>)
      %dma_wait3A = tpu.memref_slice %arg9[%add3A_116] : memref<10240xf32, #tpu.memory_space<vmem_shared>> -> memref<128xf32, #tpu.memory_space<vmem_shared>>
      %dma_wait3A_190 = tpu.memref_slice %arg9[%add3A_116] : memref<10240xf32, #tpu.memory_space<vmem_shared>> -> memref<128xf32, #tpu.memory_space<vmem_shared>>
      tpu.wait_dma2 semaphore(%run_scoped3A_188 : memref<!tpu.dma_semaphore, #tpu.memory_space<semaphore_mem>>) src(%arg5 : memref<128xf32, #tpu.memory_space<vmem>>) dst(%dma_wait3A_190 : memref<128xf32, #tpu.memory_space<vmem_shared>>)
      tpu.yield
    }) : () -> ()
    %run_scoped3A = arith.constant 1 : i32
    "tpu.region"() ({
      %run_scoped3A_188 = tpu.sem_alloc : memref<!tpu.dma_semaphore, #tpu.memory_space<semaphore_mem>>
      %dma_start3A = arith.constant 0 : i32
      %dma_start3A_189 = tpu.memref_slice %arg2[%run_scoped3A, %add3A, %dma_start3A] : memref<2x32x10000xi32, #tpu.memory_space<hbm>> -> memref<1x1x10000xi32, #tpu.memory_space<hbm>>
      %dma_start3A_190 = tpu.memref_squeeze %dma_start3A_189 : memref<1x1x10000xi32, #tpu.memory_space<hbm>> -> memref<10000xi32, #tpu.memory_space<hbm>>
      %dma_start3A_191 = arith.constant 0 : i32
      %dma_start3A_192 = tpu.memref_slice %arg2[%run_scoped3A, %add3A, %dma_start3A_191] : memref<2x32x10000xi32, #tpu.memory_space<hbm>> -> memref<1x1x10000xi32, #tpu.memory_space<hbm>>
      %dma_start3A_193 = tpu.memref_squeeze %dma_start3A_192 : memref<1x1x10000xi32, #tpu.memory_space<hbm>> -> memref<10000xi32, #tpu.memory_space<hbm>>
      tpu.enqueue_dma source(%dma_start3A_193 : memref<10000xi32, #tpu.memory_space<hbm>>) target(%arg8 : memref<10000xi32, #tpu.memory_space<vmem>>) target_semaphore(%run_scoped3A_188 : memref<!tpu.dma_semaphore, #tpu.memory_space<semaphore_mem>>)
      %dma_wait3A = arith.constant 0 : i32
      %dma_wait3A_194 = tpu.memref_slice %arg2[%run_scoped3A, %add3A, %dma_wait3A] : memref<2x32x10000xi32, #tpu.memory_space<hbm>> -> memref<1x1x10000xi32, #tpu.memory_space<hbm>>
      %dma_wait3A_195 = tpu.memref_squeeze %dma_wait3A_194 : memref<1x1x10000xi32, #tpu.memory_space<hbm>> -> memref<10000xi32, #tpu.memory_space<hbm>>
      %dma_wait3A_196 = arith.constant 0 : i32
      %dma_wait3A_197 = tpu.memref_slice %arg2[%run_scoped3A, %add3A, %dma_wait3A_196] : memref<2x32x10000xi32, #tpu.memory_space<hbm>> -> memref<1x1x10000xi32, #tpu.memory_space<hbm>>
      %dma_wait3A_198 = tpu.memref_squeeze %dma_wait3A_197 : memref<1x1x10000xi32, #tpu.memory_space<hbm>> -> memref<10000xi32, #tpu.memory_space<hbm>>
      tpu.wait_dma2 semaphore(%run_scoped3A_188 : memref<!tpu.dma_semaphore, #tpu.memory_space<semaphore_mem>>) src(%dma_wait3A_198 : memref<10000xi32, #tpu.memory_space<hbm>>) dst(%arg8 : memref<10000xi32, #tpu.memory_space<vmem>>)
      tpu.yield
    }) : () -> ()
    %barrier3A = arith.constant 0 : index
    tpu.barrier barrier_id(%barrier3A)
    %scan3A = arith.constant 0 : i32
    %scan3A_117 = arith.constant 0 : i32
    %scan3A_118 = arith.constant 39 : i32
    %scan3A_119 = arith.addi %scan3A_117, %scan3A_118 : i32
    %scan3A_120 = arith.constant 1 : i32
    scf.for %scan3A_188 = %scan3A_117 to %scan3A_119 step %scan3A_120  : i32 {
      %mul3A_189 = arith.constant 2 : i32
      %mul3A_190 = arith.muli %mul3A_189, %scan3A_188 : i32
      %add3A_191 = arith.constant 1 : i32
      %add3A_192 = arith.addi %mul3A_190, %add3A_191 : i32
      %mul3A_193 = arith.constant 128 : i32
      %mul3A_194 = arith.muli %mul3A_190, %mul3A_193 : i32
      %add3A_195 = arith.constant 0 : i32
      %add3A_196 = arith.addi %mul3A_194, %add3A_195 : i32
      %get3A_197 = arith.index_cast %add3A_196 : i32 to index
      %get3A_198 = tpu.vector_load %arg8[%get3A_197] {strides = array<i32>} : memref<10000xi32, #tpu.memory_space<vmem>>, vector<16xi32>,
      %get3A_199 = vector.shape_cast %get3A_198 : vector<16xi32> to vector<16xi32>
      %swap3A_200 = arith.constant 0 : index
      %swap3A_201 = tpu.vector_load %arg6[%swap3A_200] {strides = array<i32>} : memref<128xi32, #tpu.memory_space<vmem>>, vector<16xi32>,
      %swap3A_202 = vector.shape_cast %swap3A_201 : vector<16xi32> to vector<16xi32>
      %swap3A_203 = vector.shape_cast %get3A_199 : vector<16xi32> to vector<16xi32>
      tpu.vector_store %arg6[%swap3A_200], %swap3A_203 {strides = array<i32>} : memref<128xi32, #tpu.memory_space<vmem>>, vector<16xi32>,
      %mul3A_204 = arith.constant 128 : i32
      %mul3A_205 = arith.muli %mul3A_190, %mul3A_204 : i32
      %add3A_206 = arith.constant 16 : i32
      %add3A_207 = arith.addi %mul3A_205, %add3A_206 : i32
      %get3A_208 = arith.index_cast %add3A_207 : i32 to index
      %get3A_209 = tpu.vector_load %arg8[%get3A_208] {strides = array<i32>} : memref<10000xi32, #tpu.memory_space<vmem>>, vector<16xi32>,
      %get3A_210 = vector.shape_cast %get3A_209 : vector<16xi32> to vector<16xi32>
      %swap3A_211 = arith.constant 16 : index
      %swap3A_212 = tpu.vector_load %arg6[%swap3A_211] {strides = array<i32>} : memref<128xi32, #tpu.memory_space<vmem>>, vector<16xi32>,
      %swap3A_213 = vector.shape_cast %swap3A_212 : vector<16xi32> to vector<16xi32>
      %swap3A_214 = vector.shape_cast %get3A_210 : vector<16xi32> to vector<16xi32>
      tpu.vector_store %arg6[%swap3A_211], %swap3A_214 {strides = array<i32>} : memref<128xi32, #tpu.memory_space<vmem>>, vector<16xi32>,
      %mul3A_215 = arith.constant 128 : i32
      %mul3A_216 = arith.muli %mul3A_190, %mul3A_215 : i32
      %add3A_217 = arith.constant 32 : i32
      %add3A_218 = arith.addi %mul3A_216, %add3A_217 : i32
      %get3A_219 = arith.index_cast %add3A_218 : i32 to index
      %get3A_220 = tpu.vector_load %arg8[%get3A_219] {strides = array<i32>} : memref<10000xi32, #tpu.memory_space<vmem>>, vector<16xi32>,
      %get3A_221 = vector.shape_cast %get3A_220 : vector<16xi32> to vector<16xi32>
      %swap3A_222 = arith.constant 32 : index
      %swap3A_223 = tpu.vector_load %arg6[%swap3A_222] {strides = array<i32>} : memref<128xi32, #tpu.memory_space<vmem>>, vector<16xi32>,
      %swap3A_224 = vector.shape_cast %swap3A_223 : vector<16xi32> to vector<16xi32>
      %swap3A_225 = vector.shape_cast %get3A_221 : vector<16xi32> to vector<16xi32>
      tpu.vector_store %arg6[%swap3A_222], %swap3A_225 {strides = array<i32>} : memref<128xi32, #tpu.memory_space<vmem>>, vector<16xi32>,
      %mul3A_226 = arith.constant 128 : i32
      %mul3A_227 = arith.muli %mul3A_190, %mul3A_226 : i32
      %add3A_228 = arith.constant 48 : i32
      %add3A_229 = arith.addi %mul3A_227, %add3A_228 : i32
      %get3A_230 = arith.index_cast %add3A_229 : i32 to index
      %get3A_231 = tpu.vector_load %arg8[%get3A_230] {strides = array<i32>} : memref<10000xi32, #tpu.memory_space<vmem>>, vector<16xi32>,
      %get3A_232 = vector.shape_cast %get3A_231 : vector<16xi32> to vector<16xi32>
      %swap3A_233 = arith.constant 48 : index
      %swap3A_234 = tpu.vector_load %arg6[%swap3A_233] {strides = array<i32>} : memref<128xi32, #tpu.memory_space<vmem>>, vector<16xi32>,
      %swap3A_235 = vector.shape_cast %swap3A_234 : vector<16xi32> to vector<16xi32>
      %swap3A_236 = vector.shape_cast %get3A_232 : vector<16xi32> to vector<16xi32>
      tpu.vector_store %arg6[%swap3A_233], %swap3A_236 {strides = array<i32>} : memref<128xi32, #tpu.memory_space<vmem>>, vector<16xi32>,
      %mul3A_237 = arith.constant 128 : i32
      %mul3A_238 = arith.muli %mul3A_190, %mul3A_237 : i32
      %add3A_239 = arith.constant 64 : i32
      %add3A_240 = arith.addi %mul3A_238, %add3A_239 : i32
      %get3A_241 = arith.index_cast %add3A_240 : i32 to index
      %get3A_242 = tpu.vector_load %arg8[%get3A_241] {strides = array<i32>} : memref<10000xi32, #tpu.memory_space<vmem>>, vector<16xi32>,
      %get3A_243 = vector.shape_cast %get3A_242 : vector<16xi32> to vector<16xi32>
      %swap3A_244 = arith.constant 64 : index
      %swap3A_245 = tpu.vector_load %arg6[%swap3A_244] {strides = array<i32>} : memref<128xi32, #tpu.memory_space<vmem>>, vector<16xi32>,
      %swap3A_246 = vector.shape_cast %swap3A_245 : vector<16xi32> to vector<16xi32>
      %swap3A_247 = vector.shape_cast %get3A_243 : vector<16xi32> to vector<16xi32>
      tpu.vector_store %arg6[%swap3A_244], %swap3A_247 {strides = array<i32>} : memref<128xi32, #tpu.memory_space<vmem>>, vector<16xi32>,
      %mul3A_248 = arith.constant 128 : i32
      %mul3A_249 = arith.muli %mul3A_190, %mul3A_248 : i32
      %add3A_250 = arith.constant 80 : i32
      %add3A_251 = arith.addi %mul3A_249, %add3A_250 : i32
      %get3A_252 = arith.index_cast %add3A_251 : i32 to index
      %get3A_253 = tpu.vector_load %arg8[%get3A_252] {strides = array<i32>} : memref<10000xi32, #tpu.memory_space<vmem>>, vector<16xi32>,
      %get3A_254 = vector.shape_cast %get3A_253 : vector<16xi32> to vector<16xi32>
      %swap3A_255 = arith.constant 80 : index
      %swap3A_256 = tpu.vector_load %arg6[%swap3A_255] {strides = array<i32>} : memref<128xi32, #tpu.memory_space<vmem>>, vector<16xi32>,
      %swap3A_257 = vector.shape_cast %swap3A_256 : vector<16xi32> to vector<16xi32>
      %swap3A_258 = vector.shape_cast %get3A_254 : vector<16xi32> to vector<16xi32>
      tpu.vector_store %arg6[%swap3A_255], %swap3A_258 {strides = array<i32>} : memref<128xi32, #tpu.memory_space<vmem>>, vector<16xi32>,
      %mul3A_259 = arith.constant 128 : i32
      %mul3A_260 = arith.muli %mul3A_190, %mul3A_259 : i32
      %add3A_261 = arith.constant 96 : i32
      %add3A_262 = arith.addi %mul3A_260, %add3A_261 : i32
      %get3A_263 = arith.index_cast %add3A_262 : i32 to index
      %get3A_264 = tpu.vector_load %arg8[%get3A_263] {strides = array<i32>} : memref<10000xi32, #tpu.memory_space<vmem>>, vector<16xi32>,
      %get3A_265 = vector.shape_cast %get3A_264 : vector<16xi32> to vector<16xi32>
      %swap3A_266 = arith.constant 96 : index
      %swap3A_267 = tpu.vector_load %arg6[%swap3A_266] {strides = array<i32>} : memref<128xi32, #tpu.memory_space<vmem>>, vector<16xi32>,
      %swap3A_268 = vector.shape_cast %swap3A_267 : vector<16xi32> to vector<16xi32>
      %swap3A_269 = vector.shape_cast %get3A_265 : vector<16xi32> to vector<16xi32>
      tpu.vector_store %arg6[%swap3A_266], %swap3A_269 {strides = array<i32>} : memref<128xi32, #tpu.memory_space<vmem>>, vector<16xi32>,
      %mul3A_270 = arith.constant 128 : i32
      %mul3A_271 = arith.muli %mul3A_190, %mul3A_270 : i32
      %add3A_272 = arith.constant 112 : i32
      %add3A_273 = arith.addi %mul3A_271, %add3A_272 : i32
      %get3A_274 = arith.index_cast %add3A_273 : i32 to index
      %get3A_275 = tpu.vector_load %arg8[%get3A_274] {strides = array<i32>} : memref<10000xi32, #tpu.memory_space<vmem>>, vector<16xi32>,
      %get3A_276 = vector.shape_cast %get3A_275 : vector<16xi32> to vector<16xi32>
      %swap3A_277 = arith.constant 112 : index
      %swap3A_278 = tpu.vector_load %arg6[%swap3A_277] {strides = array<i32>} : memref<128xi32, #tpu.memory_space<vmem>>, vector<16xi32>,
      %swap3A_279 = vector.shape_cast %swap3A_278 : vector<16xi32> to vector<16xi32>
      %swap3A_280 = vector.shape_cast %get3A_276 : vector<16xi32> to vector<16xi32>
      tpu.vector_store %arg6[%swap3A_277], %swap3A_280 {strides = array<i32>} : memref<128xi32, #tpu.memory_space<vmem>>, vector<16xi32>,
      %dma_start3A = arith.constant 0 : i32
      %dma_start3A_281 = tpu.memref_slice %arg9[%dma_start3A] : memref<10240xf32, #tpu.memory_space<vmem_shared>> -> memref<10240xf32, #tpu.memory_space<vmem_shared>>
      tpu.enqueue_indirect_dma source(%arg4 : memref<128xf32, #tpu.memory_space<vmem>>) target(%dma_start3A_281 : memref<10240xf32, #tpu.memory_space<vmem_shared>>) offsets(%arg6 : memref<128xi32, #tpu.memory_space<vmem>>) semaphore(%arg10 : memref<!tpu.dma_semaphore, #tpu.memory_space<semaphore_mem>>) {add = true}
      %mul3A_282 = arith.constant 128 : i32
      %mul3A_283 = arith.muli %add3A_192, %mul3A_282 : i32
      %add3A_284 = arith.constant 0 : i32
      %add3A_285 = arith.addi %mul3A_283, %add3A_284 : i32
      %get3A_286 = arith.index_cast %add3A_285 : i32 to index
      %get3A_287 = tpu.vector_load %arg8[%get3A_286] {strides = array<i32>} : memref<10000xi32, #tpu.memory_space<vmem>>, vector<16xi32>,
      %get3A_288 = vector.shape_cast %get3A_287 : vector<16xi32> to vector<16xi32>
      %swap3A_289 = arith.constant 0 : index
      %swap3A_290 = tpu.vector_load %arg7[%swap3A_289] {strides = array<i32>} : memref<128xi32, #tpu.memory_space<vmem>>, vector<16xi32>,
      %swap3A_291 = vector.shape_cast %swap3A_290 : vector<16xi32> to vector<16xi32>
      %swap3A_292 = vector.shape_cast %get3A_288 : vector<16xi32> to vector<16xi32>
      tpu.vector_store %arg7[%swap3A_289], %swap3A_292 {strides = array<i32>} : memref<128xi32, #tpu.memory_space<vmem>>, vector<16xi32>,
      %mul3A_293 = arith.constant 128 : i32
      %mul3A_294 = arith.muli %add3A_192, %mul3A_293 : i32
      %add3A_295 = arith.constant 16 : i32
      %add3A_296 = arith.addi %mul3A_294, %add3A_295 : i32
      %get3A_297 = arith.index_cast %add3A_296 : i32 to index
      %get3A_298 = tpu.vector_load %arg8[%get3A_297] {strides = array<i32>} : memref<10000xi32, #tpu.memory_space<vmem>>, vector<16xi32>,
      %get3A_299 = vector.shape_cast %get3A_298 : vector<16xi32> to vector<16xi32>
      %swap3A_300 = arith.constant 16 : index
      %swap3A_301 = tpu.vector_load %arg7[%swap3A_300] {strides = array<i32>} : memref<128xi32, #tpu.memory_space<vmem>>, vector<16xi32>,
      %swap3A_302 = vector.shape_cast %swap3A_301 : vector<16xi32> to vector<16xi32>
      %swap3A_303 = vector.shape_cast %get3A_299 : vector<16xi32> to vector<16xi32>
      tpu.vector_store %arg7[%swap3A_300], %swap3A_303 {strides = array<i32>} : memref<128xi32, #tpu.memory_space<vmem>>, vector<16xi32>,
      %mul3A_304 = arith.constant 128 : i32
      %mul3A_305 = arith.muli %add3A_192, %mul3A_304 : i32
      %add3A_306 = arith.constant 32 : i32
      %add3A_307 = arith.addi %mul3A_305, %add3A_306 : i32
      %get3A_308 = arith.index_cast %add3A_307 : i32 to index
      %get3A_309 = tpu.vector_load %arg8[%get3A_308] {strides = array<i32>} : memref<10000xi32, #tpu.memory_space<vmem>>, vector<16xi32>,
      %get3A_310 = vector.shape_cast %get3A_309 : vector<16xi32> to vector<16xi32>
      %swap3A_311 = arith.constant 32 : index
      %swap3A_312 = tpu.vector_load %arg7[%swap3A_311] {strides = array<i32>} : memref<128xi32, #tpu.memory_space<vmem>>, vector<16xi32>,
      %swap3A_313 = vector.shape_cast %swap3A_312 : vector<16xi32> to vector<16xi32>
      %swap3A_314 = vector.shape_cast %get3A_310 : vector<16xi32> to vector<16xi32>
      tpu.vector_store %arg7[%swap3A_311], %swap3A_314 {strides = array<i32>} : memref<128xi32, #tpu.memory_space<vmem>>, vector<16xi32>,
      %mul3A_315 = arith.constant 128 : i32
      %mul3A_316 = arith.muli %add3A_192, %mul3A_315 : i32
      %add3A_317 = arith.constant 48 : i32
      %add3A_318 = arith.addi %mul3A_316, %add3A_317 : i32
      %get3A_319 = arith.index_cast %add3A_318 : i32 to index
      %get3A_320 = tpu.vector_load %arg8[%get3A_319] {strides = array<i32>} : memref<10000xi32, #tpu.memory_space<vmem>>, vector<16xi32>,
      %get3A_321 = vector.shape_cast %get3A_320 : vector<16xi32> to vector<16xi32>
      %swap3A_322 = arith.constant 48 : index
      %swap3A_323 = tpu.vector_load %arg7[%swap3A_322] {strides = array<i32>} : memref<128xi32, #tpu.memory_space<vmem>>, vector<16xi32>,
      %swap3A_324 = vector.shape_cast %swap3A_323 : vector<16xi32> to vector<16xi32>
      %swap3A_325 = vector.shape_cast %get3A_321 : vector<16xi32> to vector<16xi32>
      tpu.vector_store %arg7[%swap3A_322], %swap3A_325 {strides = array<i32>} : memref<128xi32, #tpu.memory_space<vmem>>, vector<16xi32>,
      %mul3A_326 = arith.constant 128 : i32
      %mul3A_327 = arith.muli %add3A_192, %mul3A_326 : i32
      %add3A_328 = arith.constant 64 : i32
      %add3A_329 = arith.addi %mul3A_327, %add3A_328 : i32
      %get3A_330 = arith.index_cast %add3A_329 : i32 to index
      %get3A_331 = tpu.vector_load %arg8[%get3A_330] {strides = array<i32>} : memref<10000xi32, #tpu.memory_space<vmem>>, vector<16xi32>,
      %get3A_332 = vector.shape_cast %get3A_331 : vector<16xi32> to vector<16xi32>
      %swap3A_333 = arith.constant 64 : index
      %swap3A_334 = tpu.vector_load %arg7[%swap3A_333] {strides = array<i32>} : memref<128xi32, #tpu.memory_space<vmem>>, vector<16xi32>,
      %swap3A_335 = vector.shape_cast %swap3A_334 : vector<16xi32> to vector<16xi32>
      %swap3A_336 = vector.shape_cast %get3A_332 : vector<16xi32> to vector<16xi32>
      tpu.vector_store %arg7[%swap3A_333], %swap3A_336 {strides = array<i32>} : memref<128xi32, #tpu.memory_space<vmem>>, vector<16xi32>,
      %mul3A_337 = arith.constant 128 : i32
      %mul3A_338 = arith.muli %add3A_192, %mul3A_337 : i32
      %add3A_339 = arith.constant 80 : i32
      %add3A_340 = arith.addi %mul3A_338, %add3A_339 : i32
      %get3A_341 = arith.index_cast %add3A_340 : i32 to index
      %get3A_342 = tpu.vector_load %arg8[%get3A_341] {strides = array<i32>} : memref<10000xi32, #tpu.memory_space<vmem>>, vector<16xi32>,
      %get3A_343 = vector.shape_cast %get3A_342 : vector<16xi32> to vector<16xi32>
      %swap3A_344 = arith.constant 80 : index
      %swap3A_345 = tpu.vector_load %arg7[%swap3A_344] {strides = array<i32>} : memref<128xi32, #tpu.memory_space<vmem>>, vector<16xi32>,
      %swap3A_346 = vector.shape_cast %swap3A_345 : vector<16xi32> to vector<16xi32>
      %swap3A_347 = vector.shape_cast %get3A_343 : vector<16xi32> to vector<16xi32>
      tpu.vector_store %arg7[%swap3A_344], %swap3A_347 {strides = array<i32>} : memref<128xi32, #tpu.memory_space<vmem>>, vector<16xi32>,
      %mul3A_348 = arith.constant 128 : i32
      %mul3A_349 = arith.muli %add3A_192, %mul3A_348 : i32
      %add3A_350 = arith.constant 96 : i32
      %add3A_351 = arith.addi %mul3A_349, %add3A_350 : i32
      %get3A_352 = arith.index_cast %add3A_351 : i32 to index
      %get3A_353 = tpu.vector_load %arg8[%get3A_352] {strides = array<i32>} : memref<10000xi32, #tpu.memory_space<vmem>>, vector<16xi32>,
      %get3A_354 = vector.shape_cast %get3A_353 : vector<16xi32> to vector<16xi32>
      %swap3A_355 = arith.constant 96 : index
      %swap3A_356 = tpu.vector_load %arg7[%swap3A_355] {strides = array<i32>} : memref<128xi32, #tpu.memory_space<vmem>>, vector<16xi32>,
      %swap3A_357 = vector.shape_cast %swap3A_356 : vector<16xi32> to vector<16xi32>
      %swap3A_358 = vector.shape_cast %get3A_354 : vector<16xi32> to vector<16xi32>
      tpu.vector_store %arg7[%swap3A_355], %swap3A_358 {strides = array<i32>} : memref<128xi32, #tpu.memory_space<vmem>>, vector<16xi32>,
      %mul3A_359 = arith.constant 128 : i32
      %mul3A_360 = arith.muli %add3A_192, %mul3A_359 : i32
      %add3A_361 = arith.constant 112 : i32
      %add3A_362 = arith.addi %mul3A_360, %add3A_361 : i32
      %get3A_363 = arith.index_cast %add3A_362 : i32 to index
      %get3A_364 = tpu.vector_load %arg8[%get3A_363] {strides = array<i32>} : memref<10000xi32, #tpu.memory_space<vmem>>, vector<16xi32>,
      %get3A_365 = vector.shape_cast %get3A_364 : vector<16xi32> to vector<16xi32>
      %swap3A_366 = arith.constant 112 : index
      %swap3A_367 = tpu.vector_load %arg7[%swap3A_366] {strides = array<i32>} : memref<128xi32, #tpu.memory_space<vmem>>, vector<16xi32>,
      %swap3A_368 = vector.shape_cast %swap3A_367 : vector<16xi32> to vector<16xi32>
      %swap3A_369 = vector.shape_cast %get3A_365 : vector<16xi32> to vector<16xi32>
      tpu.vector_store %arg7[%swap3A_366], %swap3A_369 {strides = array<i32>} : memref<128xi32, #tpu.memory_space<vmem>>, vector<16xi32>,
      %dma_start3A_370 = arith.constant 0 : i32
      %dma_start3A_371 = tpu.memref_slice %arg9[%dma_start3A_370] : memref<10240xf32, #tpu.memory_space<vmem_shared>> -> memref<10240xf32, #tpu.memory_space<vmem_shared>>
      tpu.enqueue_indirect_dma source(%arg4 : memref<128xf32, #tpu.memory_space<vmem>>) target(%dma_start3A_371 : memref<10240xf32, #tpu.memory_space<vmem_shared>>) offsets(%arg7 : memref<128xi32, #tpu.memory_space<vmem>>) semaphore(%arg11 : memref<!tpu.dma_semaphore, #tpu.memory_space<semaphore_mem>>) {add = true}
      %dma_wait3A = arith.constant 0 : i32
      %dma_wait3A_372 = tpu.memref_slice %arg9[%dma_wait3A] : memref<10240xf32, #tpu.memory_space<vmem_shared>> -> memref<10240xf32, #tpu.memory_space<vmem_shared>>
      tpu.wait_indirect_dma semaphore(%arg10 : memref<!tpu.dma_semaphore, #tpu.memory_space<semaphore_mem>>) src(%arg4 : memref<128xf32, #tpu.memory_space<vmem>>) dst(%dma_wait3A_372 : memref<10240xf32, #tpu.memory_space<vmem_shared>>)
      %dma_wait3A_373 = arith.constant 0 : i32
      %dma_wait3A_374 = tpu.memref_slice %arg9[%dma_wait3A_373] : memref<10240xf32, #tpu.memory_space<vmem_shared>> -> memref<10240xf32, #tpu.memory_space<vmem_shared>>
      tpu.wait_indirect_dma semaphore(%arg11 : memref<!tpu.dma_semaphore, #tpu.memory_space<semaphore_mem>>) src(%arg4 : memref<128xf32, #tpu.memory_space<vmem>>) dst(%dma_wait3A_374 : memref<10240xf32, #tpu.memory_space<vmem_shared>>)
    }
    %scan3A_121 = arith.constant 39 : i32
    %get3A = arith.constant 9984 : index
    %get3A_122 = tpu.vector_load %arg8[%get3A] {strides = array<i32>} : memref<10000xi32, #tpu.memory_space<vmem>>, vector<16xi32>,
    %get3A_123 = vector.shape_cast %get3A_122 : vector<16xi32> to vector<16xi32>
    %swap3A_124 = arith.constant 0 : index
    %swap3A_125 = tpu.vector_load %arg6[%swap3A_124] {strides = array<i32>} : memref<128xi32, #tpu.memory_space<vmem>>, vector<16xi32>,
    %swap3A_126 = vector.shape_cast %swap3A_125 : vector<16xi32> to vector<16xi32>
    %swap3A_127 = vector.shape_cast %get3A_123 : vector<16xi32> to vector<16xi32>
    tpu.vector_store %arg6[%swap3A_124], %swap3A_127 {strides = array<i32>} : memref<128xi32, #tpu.memory_space<vmem>>, vector<16xi32>,
    %iota3A = tpu.iota {dimensions = array<i32: 0>} : vector<16xi32>
    %add3A_128 = arith.constant 10000 : i32
    %add3A_129 = vector.broadcast %add3A_128 : i32 to vector<16xi32>
    %add3A_130 = arith.addi %iota3A, %add3A_129 : vector<16xi32>
    %swap3A_131 = arith.constant 16 : index
    %swap3A_132 = tpu.vector_load %arg6[%swap3A_131] {strides = array<i32>} : memref<128xi32, #tpu.memory_space<vmem>>, vector<16xi32>,
    %swap3A_133 = vector.shape_cast %swap3A_132 : vector<16xi32> to vector<16xi32>
    %swap3A_134 = vector.shape_cast %add3A_130 : vector<16xi32> to vector<16xi32>
    tpu.vector_store %arg6[%swap3A_131], %swap3A_134 {strides = array<i32>} : memref<128xi32, #tpu.memory_space<vmem>>, vector<16xi32>,
    %iota3A_135 = tpu.iota {dimensions = array<i32: 0>} : vector<16xi32>
    %add3A_136 = arith.constant 10016 : i32
    %add3A_137 = vector.broadcast %add3A_136 : i32 to vector<16xi32>
    %add3A_138 = arith.addi %iota3A_135, %add3A_137 : vector<16xi32>
    %swap3A_139 = arith.constant 32 : index
    %swap3A_140 = tpu.vector_load %arg6[%swap3A_139] {strides = array<i32>} : memref<128xi32, #tpu.memory_space<vmem>>, vector<16xi32>,
    %swap3A_141 = vector.shape_cast %swap3A_140 : vector<16xi32> to vector<16xi32>
    %swap3A_142 = vector.shape_cast %add3A_138 : vector<16xi32> to vector<16xi32>
    tpu.vector_store %arg6[%swap3A_139], %swap3A_142 {strides = array<i32>} : memref<128xi32, #tpu.memory_space<vmem>>, vector<16xi32>,
    %iota3A_143 = tpu.iota {dimensions = array<i32: 0>} : vector<16xi32>
    %add3A_144 = arith.constant 10032 : i32
    %add3A_145 = vector.broadcast %add3A_144 : i32 to vector<16xi32>
    %add3A_146 = arith.addi %iota3A_143, %add3A_145 : vector<16xi32>
    %swap3A_147 = arith.constant 48 : index
    %swap3A_148 = tpu.vector_load %arg6[%swap3A_147] {strides = array<i32>} : memref<128xi32, #tpu.memory_space<vmem>>, vector<16xi32>,
    %swap3A_149 = vector.shape_cast %swap3A_148 : vector<16xi32> to vector<16xi32>
    %swap3A_150 = vector.shape_cast %add3A_146 : vector<16xi32> to vector<16xi32>
    tpu.vector_store %arg6[%swap3A_147], %swap3A_150 {strides = array<i32>} : memref<128xi32, #tpu.memory_space<vmem>>, vector<16xi32>,
    %iota3A_151 = tpu.iota {dimensions = array<i32: 0>} : vector<16xi32>
    %add3A_152 = arith.constant 10048 : i32
    %add3A_153 = vector.broadcast %add3A_152 : i32 to vector<16xi32>
    %add3A_154 = arith.addi %iota3A_151, %add3A_153 : vector<16xi32>
    %swap3A_155 = arith.constant 64 : index
    %swap3A_156 = tpu.vector_load %arg6[%swap3A_155] {strides = array<i32>} : memref<128xi32, #tpu.memory_space<vmem>>, vector<16xi32>,
    %swap3A_157 = vector.shape_cast %swap3A_156 : vector<16xi32> to vector<16xi32>
    %swap3A_158 = vector.shape_cast %add3A_154 : vector<16xi32> to vector<16xi32>
    tpu.vector_store %arg6[%swap3A_155], %swap3A_158 {strides = array<i32>} : memref<128xi32, #tpu.memory_space<vmem>>, vector<16xi32>,
    %iota3A_159 = tpu.iota {dimensions = array<i32: 0>} : vector<16xi32>
    %add3A_160 = arith.constant 10064 : i32
    %add3A_161 = vector.broadcast %add3A_160 : i32 to vector<16xi32>
    %add3A_162 = arith.addi %iota3A_159, %add3A_161 : vector<16xi32>
    %swap3A_163 = arith.constant 80 : index
    %swap3A_164 = tpu.vector_load %arg6[%swap3A_163] {strides = array<i32>} : memref<128xi32, #tpu.memory_space<vmem>>, vector<16xi32>,
    %swap3A_165 = vector.shape_cast %swap3A_164 : vector<16xi32> to vector<16xi32>
    %swap3A_166 = vector.shape_cast %add3A_162 : vector<16xi32> to vector<16xi32>
    tpu.vector_store %arg6[%swap3A_163], %swap3A_166 {strides = array<i32>} : memref<128xi32, #tpu.memory_space<vmem>>, vector<16xi32>,
    %iota3A_167 = tpu.iota {dimensions = array<i32: 0>} : vector<16xi32>
    %add3A_168 = arith.constant 10080 : i32
    %add3A_169 = vector.broadcast %add3A_168 : i32 to vector<16xi32>
    %add3A_170 = arith.addi %iota3A_167, %add3A_169 : vector<16xi32>
    %swap3A_171 = arith.constant 96 : index
    %swap3A_172 = tpu.vector_load %arg6[%swap3A_171] {strides = array<i32>} : memref<128xi32, #tpu.memory_space<vmem>>, vector<16xi32>,
    %swap3A_173 = vector.shape_cast %swap3A_172 : vector<16xi32> to vector<16xi32>
    %swap3A_174 = vector.shape_cast %add3A_170 : vector<16xi32> to vector<16xi32>
    tpu.vector_store %arg6[%swap3A_171], %swap3A_174 {strides = array<i32>} : memref<128xi32, #tpu.memory_space<vmem>>, vector<16xi32>,
    %iota3A_175 = tpu.iota {dimensions = array<i32: 0>} : vector<16xi32>
    %add3A_176 = arith.constant 10096 : i32
    %add3A_177 = vector.broadcast %add3A_176 : i32 to vector<16xi32>
    %add3A_178 = arith.addi %iota3A_175, %add3A_177 : vector<16xi32>
    %swap3A_179 = arith.constant 112 : index
    %swap3A_180 = tpu.vector_load %arg6[%swap3A_179] {strides = array<i32>} : memref<128xi32, #tpu.memory_space<vmem>>, vector<16xi32>,
    %swap3A_181 = vector.shape_cast %swap3A_180 : vector<16xi32> to vector<16xi32>
    %swap3A_182 = vector.shape_cast %add3A_178 : vector<16xi32> to vector<16xi32>
    tpu.vector_store %arg6[%swap3A_179], %swap3A_182 {strides = array<i32>} : memref<128xi32, #tpu.memory_space<vmem>>, vector<16xi32>,
    "tpu.region"() ({
      %run_scoped3A_188 = tpu.sem_alloc : memref<!tpu.dma_semaphore, #tpu.memory_space<semaphore_mem>>
      %dma_start3A = arith.constant 0 : i32
      %dma_start3A_189 = tpu.memref_slice %arg9[%dma_start3A] : memref<10240xf32, #tpu.memory_space<vmem_shared>> -> memref<10240xf32, #tpu.memory_space<vmem_shared>>
      tpu.enqueue_indirect_dma source(%arg4 : memref<128xf32, #tpu.memory_space<vmem>>) target(%dma_start3A_189 : memref<10240xf32, #tpu.memory_space<vmem_shared>>) offsets(%arg6 : memref<128xi32, #tpu.memory_space<vmem>>) semaphore(%run_scoped3A_188 : memref<!tpu.dma_semaphore, #tpu.memory_space<semaphore_mem>>) {add = true}
      %dma_wait3A = arith.constant 0 : i32
      %dma_wait3A_190 = tpu.memref_slice %arg9[%dma_wait3A] : memref<10240xf32, #tpu.memory_space<vmem_shared>> -> memref<10240xf32, #tpu.memory_space<vmem_shared>>
      tpu.wait_indirect_dma semaphore(%run_scoped3A_188 : memref<!tpu.dma_semaphore, #tpu.memory_space<semaphore_mem>>) src(%arg4 : memref<128xf32, #tpu.memory_space<vmem>>) dst(%dma_wait3A_190 : memref<10240xf32, #tpu.memory_space<vmem_shared>>)
      tpu.yield
    }) : () -> ()
    %barrier3A_183 = arith.constant 0 : index
    tpu.barrier barrier_id(%barrier3A_183)
    %mul3A_184 = arith.constant 640 : i32
    %mul3A_185 = arith.muli %arg1, %mul3A_184 : i32
    %mul3A_186 = arith.constant 640 : i32
    %mul3A_187 = arith.muli %arg1, %mul3A_186 : i32
    "tpu.region"() ({
      %run_scoped3A_188 = tpu.sem_alloc : memref<!tpu.dma_semaphore, #tpu.memory_space<semaphore_mem>>
      %dma_start3A = tpu.memref_slice %arg3[%arg0, %mul3A_187] : memref<2x10240xf32, #tpu.memory_space<hbm>> -> memref<1x640xf32, #tpu.memory_space<hbm>>
      %dma_start3A_189 = tpu.memref_squeeze %dma_start3A : memref<1x640xf32, #tpu.memory_space<hbm>> -> memref<640xf32, #tpu.memory_space<hbm>>
      %dma_start3A_190 = tpu.memref_slice %arg9[%mul3A_185] : memref<10240xf32, #tpu.memory_space<vmem_shared>> -> memref<640xf32, #tpu.memory_space<vmem_shared>>
      tpu.enqueue_dma source(%dma_start3A_190 : memref<640xf32, #tpu.memory_space<vmem_shared>>) target(%dma_start3A_189 : memref<640xf32, #tpu.memory_space<hbm>>) target_semaphore(%run_scoped3A_188 : memref<!tpu.dma_semaphore, #tpu.memory_space<semaphore_mem>>)
      %dma_wait3A = tpu.memref_slice %arg3[%arg0, %mul3A_187] : memref<2x10240xf32, #tpu.memory_space<hbm>> -> memref<1x640xf32, #tpu.memory_space<hbm>>
      %dma_wait3A_191 = tpu.memref_squeeze %dma_wait3A : memref<1x640xf32, #tpu.memory_space<hbm>> -> memref<640xf32, #tpu.memory_space<hbm>>
      %dma_wait3A_192 = tpu.memref_slice %arg9[%mul3A_185] : memref<10240xf32, #tpu.memory_space<vmem_shared>> -> memref<640xf32, #tpu.memory_space<vmem_shared>>
      tpu.wait_dma2 semaphore(%run_scoped3A_188 : memref<!tpu.dma_semaphore, #tpu.memory_space<semaphore_mem>>) src(%dma_wait3A_192 : memref<640xf32, #tpu.memory_space<vmem_shared>>) dst(%dma_wait3A_191 : memref<640xf32, #tpu.memory_space<hbm>>)
      tpu.yield
    }) : () -> ()
    return
  }
}

#map = affine_map<(d0, d1) -> (0, 0)>
#map1 = affine_map<(d0, d1) -> (0, 0, 0)>
module attributes {stable_mosaic.version = 14 : i64} {
  func.func @_agg_body(%arg0: i32, %arg1: i32, %arg2: memref<10000x128xf32, #tpu.memory_space<hbm>>, %arg3: memref<2x32x10000xi32, #tpu.memory_space<hbm>>, %arg4: memref<640x128xf32, #tpu.memory_space<hbm>>, %arg5: memref<2x10240x128xf32, #tpu.memory_space<hbm>>, %arg6: memref<10000xi32, #tpu.memory_space<vmem>>, %arg7: memref<128xi32, #tpu.memory_space<vmem>>, %arg8: memref<128xi32, #tpu.memory_space<vmem>>, %arg9: memref<128xi32, #tpu.memory_space<vmem>>, %arg10: memref<128xi32, #tpu.memory_space<vmem>>, %arg11: memref<16xi32, #tpu.memory_space<vmem>>, %arg12: memref<128x128xf32, #tpu.memory_space<vmem>>, %arg13: memref<128x128xf32, #tpu.memory_space<vmem>>, %arg14: memref<10240x128xf32, #tpu.memory_space<vmem_shared>>, %arg15: memref<!tpu.dma_semaphore, #tpu.memory_space<semaphore_mem>>, %arg16: memref<!tpu.dma_semaphore, #tpu.memory_space<semaphore_mem>>, %arg17: memref<!tpu.dma_semaphore, #tpu.memory_space<semaphore_mem>>, %arg18: memref<!tpu.dma_semaphore, #tpu.memory_space<semaphore_mem>>) attributes {dimension_semantics = [#tpu.dimension_semantics<core_parallel>, #tpu.dimension_semantics<subcore_parallel>], iteration_bounds = array<i64: 2, 16>, scalar_prefetch = 0 : i64, scratch_operands = 13 : i64, tpu.core_type = #tpu.core_type<sc_vector_subcore>, window_params = [{transform_indices = #map}, {transform_indices = #map1}, {transform_indices = #map}, {transform_indices = #map1}]} {
    %mul3A = arith.constant 2 : i32
    %mul3A_0 = arith.muli %arg1, %mul3A : i32
    %add3A = arith.addi %mul3A_0, %arg0 : i32
    %mul3A_1 = arith.constant 10000 : i32
    %mul3A_2 = arith.muli %add3A, %mul3A_1 : i32
    %eq3A = arith.constant 0 : i32
    %eq3A_3 = arith.cmpi eq, %arg0, %eq3A : i32
    %convert_element_type3A = arith.extui %eq3A_3 : i1 to i32
    %cond3A = arith.constant 0 : i32
    %cond3A_4 = arith.cmpi ne, %convert_element_type3A, %cond3A : i32
    scf.if %cond3A_4 {
      %mul3A_230 = arith.constant 632 : i32
      %mul3A_231 = arith.muli %arg1, %mul3A_230 : i32
      %min3A = arith.constant 9368 : i32
      %min3A_232 = arith.minsi %mul3A_231, %min3A : i32
      "tpu.region"() ({
        %run_scoped3A_233 = tpu.sem_alloc : memref<!tpu.dma_semaphore, #tpu.memory_space<semaphore_mem>>
        %dma_start3A_234 = arith.constant 0 : i32
        %dma_start3A_235 = tpu.memref_slice %arg14[%min3A_232, %dma_start3A_234] : memref<10240x128xf32, #tpu.memory_space<vmem_shared>> -> memref<632x128xf32, #tpu.memory_space<vmem_shared>>
        %dma_start3A_236 = arith.constant 0 : i32
        %dma_start3A_237 = tpu.memref_slice %arg2[%min3A_232, %dma_start3A_236] : memref<10000x128xf32, #tpu.memory_space<hbm>> -> memref<632x128xf32, #tpu.memory_space<hbm>>
        tpu.enqueue_dma source(%dma_start3A_237 : memref<632x128xf32, #tpu.memory_space<hbm>>) target(%dma_start3A_235 : memref<632x128xf32, #tpu.memory_space<vmem_shared>>) target_semaphore(%run_scoped3A_233 : memref<!tpu.dma_semaphore, #tpu.memory_space<semaphore_mem>>)
        %dma_wait3A_238 = arith.constant 0 : i32
        %dma_wait3A_239 = tpu.memref_slice %arg14[%min3A_232, %dma_wait3A_238] : memref<10240x128xf32, #tpu.memory_space<vmem_shared>> -> memref<632x128xf32, #tpu.memory_space<vmem_shared>>
        %dma_wait3A_240 = arith.constant 0 : i32
        %dma_wait3A_241 = tpu.memref_slice %arg2[%min3A_232, %dma_wait3A_240] : memref<10000x128xf32, #tpu.memory_space<hbm>> -> memref<632x128xf32, #tpu.memory_space<hbm>>
        tpu.wait_dma2 semaphore(%run_scoped3A_233 : memref<!tpu.dma_semaphore, #tpu.memory_space<semaphore_mem>>) src(%dma_wait3A_241 : memref<632x128xf32, #tpu.memory_space<hbm>>) dst(%dma_wait3A_239 : memref<632x128xf32, #tpu.memory_space<vmem_shared>>)
        tpu.yield
      }) : () -> ()
    } else {
    }
    %eq3A_5 = arith.constant 1 : i32
    %eq3A_6 = arith.cmpi eq, %arg0, %eq3A_5 : i32
    %convert_element_type3A_7 = arith.extui %eq3A_6 : i1 to i32
    %cond3A_8 = arith.constant 0 : i32
    %cond3A_9 = arith.cmpi ne, %convert_element_type3A_7, %cond3A_8 : i32
    scf.if %cond3A_9 {
      %mul3A_230 = arith.constant 640 : i32
      %mul3A_231 = arith.muli %arg1, %mul3A_230 : i32
      "tpu.region"() ({
        %run_scoped3A_232 = tpu.sem_alloc : memref<!tpu.dma_semaphore, #tpu.memory_space<semaphore_mem>>
        %dma_start3A_233 = arith.constant 0 : i32
        %dma_start3A_234 = tpu.memref_slice %arg14[%mul3A_231, %dma_start3A_233] : memref<10240x128xf32, #tpu.memory_space<vmem_shared>> -> memref<640x128xf32, #tpu.memory_space<vmem_shared>>
        tpu.enqueue_dma source(%arg4 : memref<640x128xf32, #tpu.memory_space<hbm>>) target(%dma_start3A_234 : memref<640x128xf32, #tpu.memory_space<vmem_shared>>) target_semaphore(%run_scoped3A_232 : memref<!tpu.dma_semaphore, #tpu.memory_space<semaphore_mem>>)
        %dma_wait3A_235 = arith.constant 0 : i32
        %dma_wait3A_236 = tpu.memref_slice %arg14[%mul3A_231, %dma_wait3A_235] : memref<10240x128xf32, #tpu.memory_space<vmem_shared>> -> memref<640x128xf32, #tpu.memory_space<vmem_shared>>
        tpu.wait_dma2 semaphore(%run_scoped3A_232 : memref<!tpu.dma_semaphore, #tpu.memory_space<semaphore_mem>>) src(%arg4 : memref<640x128xf32, #tpu.memory_space<hbm>>) dst(%dma_wait3A_236 : memref<640x128xf32, #tpu.memory_space<vmem_shared>>)
        tpu.yield
      }) : () -> ()
    } else {
    }
    %run_scoped3A = arith.constant 0 : i32
    "tpu.region"() ({
      %run_scoped3A_230 = tpu.sem_alloc : memref<!tpu.dma_semaphore, #tpu.memory_space<semaphore_mem>>
      %dma_start3A_231 = arith.constant 0 : i32
      %dma_start3A_232 = tpu.memref_slice %arg3[%run_scoped3A, %add3A, %dma_start3A_231] : memref<2x32x10000xi32, #tpu.memory_space<hbm>> -> memref<1x1x10000xi32, #tpu.memory_space<hbm>>
      %dma_start3A_233 = tpu.memref_squeeze %dma_start3A_232 : memref<1x1x10000xi32, #tpu.memory_space<hbm>> -> memref<10000xi32, #tpu.memory_space<hbm>>
      %dma_start3A_234 = arith.constant 0 : i32
      %dma_start3A_235 = tpu.memref_slice %arg3[%run_scoped3A, %add3A, %dma_start3A_234] : memref<2x32x10000xi32, #tpu.memory_space<hbm>> -> memref<1x1x10000xi32, #tpu.memory_space<hbm>>
      %dma_start3A_236 = tpu.memref_squeeze %dma_start3A_235 : memref<1x1x10000xi32, #tpu.memory_space<hbm>> -> memref<10000xi32, #tpu.memory_space<hbm>>
      tpu.enqueue_dma source(%dma_start3A_236 : memref<10000xi32, #tpu.memory_space<hbm>>) target(%arg6 : memref<10000xi32, #tpu.memory_space<vmem>>) target_semaphore(%run_scoped3A_230 : memref<!tpu.dma_semaphore, #tpu.memory_space<semaphore_mem>>)
      %dma_wait3A_237 = arith.constant 0 : i32
      %dma_wait3A_238 = tpu.memref_slice %arg3[%run_scoped3A, %add3A, %dma_wait3A_237] : memref<2x32x10000xi32, #tpu.memory_space<hbm>> -> memref<1x1x10000xi32, #tpu.memory_space<hbm>>
      %dma_wait3A_239 = tpu.memref_squeeze %dma_wait3A_238 : memref<1x1x10000xi32, #tpu.memory_space<hbm>> -> memref<10000xi32, #tpu.memory_space<hbm>>
      %dma_wait3A_240 = arith.constant 0 : i32
      %dma_wait3A_241 = tpu.memref_slice %arg3[%run_scoped3A, %add3A, %dma_wait3A_240] : memref<2x32x10000xi32, #tpu.memory_space<hbm>> -> memref<1x1x10000xi32, #tpu.memory_space<hbm>>
      %dma_wait3A_242 = tpu.memref_squeeze %dma_wait3A_241 : memref<1x1x10000xi32, #tpu.memory_space<hbm>> -> memref<10000xi32, #tpu.memory_space<hbm>>
      tpu.wait_dma2 semaphore(%run_scoped3A_230 : memref<!tpu.dma_semaphore, #tpu.memory_space<semaphore_mem>>) src(%dma_wait3A_242 : memref<10000xi32, #tpu.memory_space<hbm>>) dst(%arg6 : memref<10000xi32, #tpu.memory_space<vmem>>)
      tpu.yield
    }) : () -> ()
    %get3A = arith.constant 9984 : index
    %get3A_10 = tpu.vector_load %arg6[%get3A] {strides = array<i32>} : memref<10000xi32, #tpu.memory_space<vmem>>, vector<16xi32>,
    %get3A_11 = vector.shape_cast %get3A_10 : vector<16xi32> to vector<16xi32>
    %swap3A = arith.constant 0 : index
    %swap3A_12 = tpu.vector_load %arg7[%swap3A] {strides = array<i32>} : memref<128xi32, #tpu.memory_space<vmem>>, vector<16xi32>,
    %swap3A_13 = vector.shape_cast %swap3A_12 : vector<16xi32> to vector<16xi32>
    %swap3A_14 = vector.shape_cast %get3A_11 : vector<16xi32> to vector<16xi32>
    tpu.vector_store %arg7[%swap3A], %swap3A_14 {strides = array<i32>} : memref<128xi32, #tpu.memory_space<vmem>>, vector<16xi32>,
    %iota3A = tpu.iota {dimensions = array<i32: 0>} : vector<16xi32>
    %add3A_15 = arith.constant 16 : i32
    %add3A_16 = vector.broadcast %add3A_15 : i32 to vector<16xi32>
    %add3A_17 = arith.addi %iota3A, %add3A_16 : vector<16xi32>
    %mul3A_18 = arith.constant 89 : i32
    %mul3A_19 = vector.broadcast %mul3A_18 : i32 to vector<16xi32>
    %mul3A_20 = arith.muli %add3A_17, %mul3A_19 : vector<16xi32>
    %swap3A_21 = arith.constant 16 : index
    %swap3A_22 = tpu.vector_load %arg7[%swap3A_21] {strides = array<i32>} : memref<128xi32, #tpu.memory_space<vmem>>, vector<16xi32>,
    %swap3A_23 = vector.shape_cast %swap3A_22 : vector<16xi32> to vector<16xi32>
    %swap3A_24 = vector.shape_cast %mul3A_20 : vector<16xi32> to vector<16xi32>
    tpu.vector_store %arg7[%swap3A_21], %swap3A_24 {strides = array<i32>} : memref<128xi32, #tpu.memory_space<vmem>>, vector<16xi32>,
    %iota3A_25 = tpu.iota {dimensions = array<i32: 0>} : vector<16xi32>
    %add3A_26 = arith.constant 32 : i32
    %add3A_27 = vector.broadcast %add3A_26 : i32 to vector<16xi32>
    %add3A_28 = arith.addi %iota3A_25, %add3A_27 : vector<16xi32>
    %mul3A_29 = arith.constant 89 : i32
    %mul3A_30 = vector.broadcast %mul3A_29 : i32 to vector<16xi32>
    %mul3A_31 = arith.muli %add3A_28, %mul3A_30 : vector<16xi32>
    %swap3A_32 = arith.constant 32 : index
    %swap3A_33 = tpu.vector_load %arg7[%swap3A_32] {strides = array<i32>} : memref<128xi32, #tpu.memory_space<vmem>>, vector<16xi32>,
    %swap3A_34 = vector.shape_cast %swap3A_33 : vector<16xi32> to vector<16xi32>
    %swap3A_35 = vector.shape_cast %mul3A_31 : vector<16xi32> to vector<16xi32>
    tpu.vector_store %arg7[%swap3A_32], %swap3A_35 {strides = array<i32>} : memref<128xi32, #tpu.memory_space<vmem>>, vector<16xi32>,
    %iota3A_36 = tpu.iota {dimensions = array<i32: 0>} : vector<16xi32>
    %add3A_37 = arith.constant 48 : i32
    %add3A_38 = vector.broadcast %add3A_37 : i32 to vector<16xi32>
    %add3A_39 = arith.addi %iota3A_36, %add3A_38 : vector<16xi32>
    %mul3A_40 = arith.constant 89 : i32
    %mul3A_41 = vector.broadcast %mul3A_40 : i32 to vector<16xi32>
    %mul3A_42 = arith.muli %add3A_39, %mul3A_41 : vector<16xi32>
    %swap3A_43 = arith.constant 48 : index
    %swap3A_44 = tpu.vector_load %arg7[%swap3A_43] {strides = array<i32>} : memref<128xi32, #tpu.memory_space<vmem>>, vector<16xi32>,
    %swap3A_45 = vector.shape_cast %swap3A_44 : vector<16xi32> to vector<16xi32>
    %swap3A_46 = vector.shape_cast %mul3A_42 : vector<16xi32> to vector<16xi32>
    tpu.vector_store %arg7[%swap3A_43], %swap3A_46 {strides = array<i32>} : memref<128xi32, #tpu.memory_space<vmem>>, vector<16xi32>,
    %iota3A_47 = tpu.iota {dimensions = array<i32: 0>} : vector<16xi32>
    %add3A_48 = arith.constant 64 : i32
    %add3A_49 = vector.broadcast %add3A_48 : i32 to vector<16xi32>
    %add3A_50 = arith.addi %iota3A_47, %add3A_49 : vector<16xi32>
    %mul3A_51 = arith.constant 89 : i32
    %mul3A_52 = vector.broadcast %mul3A_51 : i32 to vector<16xi32>
    %mul3A_53 = arith.muli %add3A_50, %mul3A_52 : vector<16xi32>
    %swap3A_54 = arith.constant 64 : index
    %swap3A_55 = tpu.vector_load %arg7[%swap3A_54] {strides = array<i32>} : memref<128xi32, #tpu.memory_space<vmem>>, vector<16xi32>,
    %swap3A_56 = vector.shape_cast %swap3A_55 : vector<16xi32> to vector<16xi32>
    %swap3A_57 = vector.shape_cast %mul3A_53 : vector<16xi32> to vector<16xi32>
    tpu.vector_store %arg7[%swap3A_54], %swap3A_57 {strides = array<i32>} : memref<128xi32, #tpu.memory_space<vmem>>, vector<16xi32>,
    %iota3A_58 = tpu.iota {dimensions = array<i32: 0>} : vector<16xi32>
    %add3A_59 = arith.constant 80 : i32
    %add3A_60 = vector.broadcast %add3A_59 : i32 to vector<16xi32>
    %add3A_61 = arith.addi %iota3A_58, %add3A_60 : vector<16xi32>
    %mul3A_62 = arith.constant 89 : i32
    %mul3A_63 = vector.broadcast %mul3A_62 : i32 to vector<16xi32>
    %mul3A_64 = arith.muli %add3A_61, %mul3A_63 : vector<16xi32>
    %swap3A_65 = arith.constant 80 : index
    %swap3A_66 = tpu.vector_load %arg7[%swap3A_65] {strides = array<i32>} : memref<128xi32, #tpu.memory_space<vmem>>, vector<16xi32>,
    %swap3A_67 = vector.shape_cast %swap3A_66 : vector<16xi32> to vector<16xi32>
    %swap3A_68 = vector.shape_cast %mul3A_64 : vector<16xi32> to vector<16xi32>
    tpu.vector_store %arg7[%swap3A_65], %swap3A_68 {strides = array<i32>} : memref<128xi32, #tpu.memory_space<vmem>>, vector<16xi32>,
    %iota3A_69 = tpu.iota {dimensions = array<i32: 0>} : vector<16xi32>
    %add3A_70 = arith.constant 96 : i32
    %add3A_71 = vector.broadcast %add3A_70 : i32 to vector<16xi32>
    %add3A_72 = arith.addi %iota3A_69, %add3A_71 : vector<16xi32>
    %mul3A_73 = arith.constant 89 : i32
    %mul3A_74 = vector.broadcast %mul3A_73 : i32 to vector<16xi32>
    %mul3A_75 = arith.muli %add3A_72, %mul3A_74 : vector<16xi32>
    %swap3A_76 = arith.constant 96 : index
    %swap3A_77 = tpu.vector_load %arg7[%swap3A_76] {strides = array<i32>} : memref<128xi32, #tpu.memory_space<vmem>>, vector<16xi32>,
    %swap3A_78 = vector.shape_cast %swap3A_77 : vector<16xi32> to vector<16xi32>
    %swap3A_79 = vector.shape_cast %mul3A_75 : vector<16xi32> to vector<16xi32>
    tpu.vector_store %arg7[%swap3A_76], %swap3A_79 {strides = array<i32>} : memref<128xi32, #tpu.memory_space<vmem>>, vector<16xi32>,
    %iota3A_80 = tpu.iota {dimensions = array<i32: 0>} : vector<16xi32>
    %add3A_81 = arith.constant 112 : i32
    %add3A_82 = vector.broadcast %add3A_81 : i32 to vector<16xi32>
    %add3A_83 = arith.addi %iota3A_80, %add3A_82 : vector<16xi32>
    %mul3A_84 = arith.constant 89 : i32
    %mul3A_85 = vector.broadcast %mul3A_84 : i32 to vector<16xi32>
    %mul3A_86 = arith.muli %add3A_83, %mul3A_85 : vector<16xi32>
    %swap3A_87 = arith.constant 112 : index
    %swap3A_88 = tpu.vector_load %arg7[%swap3A_87] {strides = array<i32>} : memref<128xi32, #tpu.memory_space<vmem>>, vector<16xi32>,
    %swap3A_89 = vector.shape_cast %swap3A_88 : vector<16xi32> to vector<16xi32>
    %swap3A_90 = vector.shape_cast %mul3A_86 : vector<16xi32> to vector<16xi32>
    tpu.vector_store %arg7[%swap3A_87], %swap3A_90 {strides = array<i32>} : memref<128xi32, #tpu.memory_space<vmem>>, vector<16xi32>,
    %iota3A_91 = tpu.iota {dimensions = array<i32: 0>} : vector<16xi32>
    %add3A_92 = arith.constant 10000 : i32
    %add3A_93 = vector.broadcast %add3A_92 : i32 to vector<16xi32>
    %add3A_94 = arith.addi %iota3A_91, %add3A_93 : vector<16xi32>
    %swap3A_95 = arith.constant 16 : index
    %swap3A_96 = tpu.vector_load %arg10[%swap3A_95] {strides = array<i32>} : memref<128xi32, #tpu.memory_space<vmem>>, vector<16xi32>,
    %swap3A_97 = vector.shape_cast %swap3A_96 : vector<16xi32> to vector<16xi32>
    %swap3A_98 = vector.shape_cast %add3A_94 : vector<16xi32> to vector<16xi32>
    tpu.vector_store %arg10[%swap3A_95], %swap3A_98 {strides = array<i32>} : memref<128xi32, #tpu.memory_space<vmem>>, vector<16xi32>,
    %iota3A_99 = tpu.iota {dimensions = array<i32: 0>} : vector<16xi32>
    %add3A_100 = arith.constant 10016 : i32
    %add3A_101 = vector.broadcast %add3A_100 : i32 to vector<16xi32>
    %add3A_102 = arith.addi %iota3A_99, %add3A_101 : vector<16xi32>
    %swap3A_103 = arith.constant 32 : index
    %swap3A_104 = tpu.vector_load %arg10[%swap3A_103] {strides = array<i32>} : memref<128xi32, #tpu.memory_space<vmem>>, vector<16xi32>,
    %swap3A_105 = vector.shape_cast %swap3A_104 : vector<16xi32> to vector<16xi32>
    %swap3A_106 = vector.shape_cast %add3A_102 : vector<16xi32> to vector<16xi32>
    tpu.vector_store %arg10[%swap3A_103], %swap3A_106 {strides = array<i32>} : memref<128xi32, #tpu.memory_space<vmem>>, vector<16xi32>,
    %iota3A_107 = tpu.iota {dimensions = array<i32: 0>} : vector<16xi32>
    %add3A_108 = arith.constant 10032 : i32
    %add3A_109 = vector.broadcast %add3A_108 : i32 to vector<16xi32>
    %add3A_110 = arith.addi %iota3A_107, %add3A_109 : vector<16xi32>
    %swap3A_111 = arith.constant 48 : index
    %swap3A_112 = tpu.vector_load %arg10[%swap3A_111] {strides = array<i32>} : memref<128xi32, #tpu.memory_space<vmem>>, vector<16xi32>,
    %swap3A_113 = vector.shape_cast %swap3A_112 : vector<16xi32> to vector<16xi32>
    %swap3A_114 = vector.shape_cast %add3A_110 : vector<16xi32> to vector<16xi32>
    tpu.vector_store %arg10[%swap3A_111], %swap3A_114 {strides = array<i32>} : memref<128xi32, #tpu.memory_space<vmem>>, vector<16xi32>,
    %iota3A_115 = tpu.iota {dimensions = array<i32: 0>} : vector<16xi32>
    %add3A_116 = arith.constant 10048 : i32
    %add3A_117 = vector.broadcast %add3A_116 : i32 to vector<16xi32>
    %add3A_118 = arith.addi %iota3A_115, %add3A_117 : vector<16xi32>
    %swap3A_119 = arith.constant 64 : index
    %swap3A_120 = tpu.vector_load %arg10[%swap3A_119] {strides = array<i32>} : memref<128xi32, #tpu.memory_space<vmem>>, vector<16xi32>,
    %swap3A_121 = vector.shape_cast %swap3A_120 : vector<16xi32> to vector<16xi32>
    %swap3A_122 = vector.shape_cast %add3A_118 : vector<16xi32> to vector<16xi32>
    tpu.vector_store %arg10[%swap3A_119], %swap3A_122 {strides = array<i32>} : memref<128xi32, #tpu.memory_space<vmem>>, vector<16xi32>,
    %iota3A_123 = tpu.iota {dimensions = array<i32: 0>} : vector<16xi32>
    %add3A_124 = arith.constant 10064 : i32
    %add3A_125 = vector.broadcast %add3A_124 : i32 to vector<16xi32>
    %add3A_126 = arith.addi %iota3A_123, %add3A_125 : vector<16xi32>
    %swap3A_127 = arith.constant 80 : index
    %swap3A_128 = tpu.vector_load %arg10[%swap3A_127] {strides = array<i32>} : memref<128xi32, #tpu.memory_space<vmem>>, vector<16xi32>,
    %swap3A_129 = vector.shape_cast %swap3A_128 : vector<16xi32> to vector<16xi32>
    %swap3A_130 = vector.shape_cast %add3A_126 : vector<16xi32> to vector<16xi32>
    tpu.vector_store %arg10[%swap3A_127], %swap3A_130 {strides = array<i32>} : memref<128xi32, #tpu.memory_space<vmem>>, vector<16xi32>,
    %iota3A_131 = tpu.iota {dimensions = array<i32: 0>} : vector<16xi32>
    %add3A_132 = arith.constant 10080 : i32
    %add3A_133 = vector.broadcast %add3A_132 : i32 to vector<16xi32>
    %add3A_134 = arith.addi %iota3A_131, %add3A_133 : vector<16xi32>
    %swap3A_135 = arith.constant 96 : index
    %swap3A_136 = tpu.vector_load %arg10[%swap3A_135] {strides = array<i32>} : memref<128xi32, #tpu.memory_space<vmem>>, vector<16xi32>,
    %swap3A_137 = vector.shape_cast %swap3A_136 : vector<16xi32> to vector<16xi32>
    %swap3A_138 = vector.shape_cast %add3A_134 : vector<16xi32> to vector<16xi32>
    tpu.vector_store %arg10[%swap3A_135], %swap3A_138 {strides = array<i32>} : memref<128xi32, #tpu.memory_space<vmem>>, vector<16xi32>,
    %iota3A_139 = tpu.iota {dimensions = array<i32: 0>} : vector<16xi32>
    %add3A_140 = arith.constant 10096 : i32
    %add3A_141 = vector.broadcast %add3A_140 : i32 to vector<16xi32>
    %add3A_142 = arith.addi %iota3A_139, %add3A_141 : vector<16xi32>
    %swap3A_143 = arith.constant 112 : index
    %swap3A_144 = tpu.vector_load %arg10[%swap3A_143] {strides = array<i32>} : memref<128xi32, #tpu.memory_space<vmem>>, vector<16xi32>,
    %swap3A_145 = vector.shape_cast %swap3A_144 : vector<16xi32> to vector<16xi32>
    %swap3A_146 = vector.shape_cast %add3A_142 : vector<16xi32> to vector<16xi32>
    tpu.vector_store %arg10[%swap3A_143], %swap3A_146 {strides = array<i32>} : memref<128xi32, #tpu.memory_space<vmem>>, vector<16xi32>,
    %barrier3A = arith.constant 0 : index
    tpu.barrier barrier_id(%barrier3A)
    %dma_start3A = arith.constant 1 : i32
    %dma_start3A_147 = arith.constant 0 : i32
    %dma_start3A_148 = tpu.memref_slice %arg3[%dma_start3A, %add3A, %dma_start3A_147] : memref<2x32x10000xi32, #tpu.memory_space<hbm>> -> memref<1x1x128xi32, #tpu.memory_space<hbm>>
    %dma_start3A_149 = tpu.memref_squeeze %dma_start3A_148 : memref<1x1x128xi32, #tpu.memory_space<hbm>> -> memref<128xi32, #tpu.memory_space<hbm>>
    %dma_start3A_150 = arith.constant 0 : i32
    %dma_start3A_151 = tpu.memref_slice %arg3[%dma_start3A, %add3A, %dma_start3A_150] : memref<2x32x10000xi32, #tpu.memory_space<hbm>> -> memref<1x1x128xi32, #tpu.memory_space<hbm>>
    %dma_start3A_152 = tpu.memref_squeeze %dma_start3A_151 : memref<1x1x128xi32, #tpu.memory_space<hbm>> -> memref<128xi32, #tpu.memory_space<hbm>>
    tpu.enqueue_dma source(%dma_start3A_152 : memref<128xi32, #tpu.memory_space<hbm>>) target(%arg8 : memref<128xi32, #tpu.memory_space<vmem>>) target_semaphore(%arg17 : memref<!tpu.dma_semaphore, #tpu.memory_space<semaphore_mem>>)
    %dma_start3A_153 = arith.constant 0 : i32
    %dma_start3A_154 = tpu.memref_slice %arg6[%dma_start3A_153] : memref<10000xi32, #tpu.memory_space<vmem>> -> memref<128xi32, #tpu.memory_space<vmem>>
    %dma_start3A_155 = arith.constant 0 : i32
    %dma_start3A_156 = arith.constant 0 : i32
    %dma_start3A_157 = tpu.memref_slice %arg2[%dma_start3A_155, %dma_start3A_156] : memref<10000x128xf32, #tpu.memory_space<hbm>> -> memref<10000x128xf32, #tpu.memory_space<hbm>>
    tpu.enqueue_indirect_dma source(%dma_start3A_157 : memref<10000x128xf32, #tpu.memory_space<hbm>>) target(%arg12 : memref<128x128xf32, #tpu.memory_space<vmem>>) offsets(%dma_start3A_154 : memref<128xi32, #tpu.memory_space<vmem>>) semaphore(%arg15 : memref<!tpu.dma_semaphore, #tpu.memory_space<semaphore_mem>>)
    %scan3A = arith.constant 0 : i32
    %scan3A_158 = arith.constant 0 : i32
    %scan3A_159 = arith.constant 38 : i32
    %scan3A_160 = arith.addi %scan3A_158, %scan3A_159 : i32
    %scan3A_161 = arith.constant 1 : i32
    scf.for %scan3A_230 = %scan3A_158 to %scan3A_160 step %scan3A_161  : i32 {
      %mul3A_231 = arith.constant 2 : i32
      %mul3A_232 = arith.muli %mul3A_231, %scan3A_230 : i32
      %add3A_233 = arith.constant 1 : i32
      %add3A_234 = arith.addi %mul3A_232, %add3A_233 : i32
      %add3A_235 = arith.constant 2 : i32
      %add3A_236 = arith.addi %mul3A_232, %add3A_235 : i32
      %mul3A_237 = arith.constant 128 : i32
      %mul3A_238 = arith.muli %add3A_234, %mul3A_237 : i32
      %dma_start3A_239 = arith.constant 1 : i32
      %dma_start3A_240 = tpu.memref_slice %arg3[%dma_start3A_239, %add3A, %mul3A_238] : memref<2x32x10000xi32, #tpu.memory_space<hbm>> -> memref<1x1x128xi32, #tpu.memory_space<hbm>>
      %dma_start3A_241 = tpu.memref_squeeze %dma_start3A_240 : memref<1x1x128xi32, #tpu.memory_space<hbm>> -> memref<128xi32, #tpu.memory_space<hbm>>
      %dma_start3A_242 = tpu.memref_slice %arg3[%dma_start3A_239, %add3A, %mul3A_238] : memref<2x32x10000xi32, #tpu.memory_space<hbm>> -> memref<1x1x128xi32, #tpu.memory_space<hbm>>
      %dma_start3A_243 = tpu.memref_squeeze %dma_start3A_242 : memref<1x1x128xi32, #tpu.memory_space<hbm>> -> memref<128xi32, #tpu.memory_space<hbm>>
      tpu.enqueue_dma source(%dma_start3A_243 : memref<128xi32, #tpu.memory_space<hbm>>) target(%arg9 : memref<128xi32, #tpu.memory_space<vmem>>) target_semaphore(%arg18 : memref<!tpu.dma_semaphore, #tpu.memory_space<semaphore_mem>>)
      %mul3A_244 = arith.constant 128 : i32
      %mul3A_245 = arith.muli %add3A_234, %mul3A_244 : i32
      %dma_start3A_246 = tpu.memref_slice %arg6[%mul3A_245] : memref<10000xi32, #tpu.memory_space<vmem>> -> memref<128xi32, #tpu.memory_space<vmem>>
      %dma_start3A_247 = arith.constant 0 : i32
      %dma_start3A_248 = arith.constant 0 : i32
      %dma_start3A_249 = tpu.memref_slice %arg2[%dma_start3A_247, %dma_start3A_248] : memref<10000x128xf32, #tpu.memory_space<hbm>> -> memref<10000x128xf32, #tpu.memory_space<hbm>>
      tpu.enqueue_indirect_dma source(%dma_start3A_249 : memref<10000x128xf32, #tpu.memory_space<hbm>>) target(%arg13 : memref<128x128xf32, #tpu.memory_space<vmem>>) offsets(%dma_start3A_246 : memref<128xi32, #tpu.memory_space<vmem>>) semaphore(%arg16 : memref<!tpu.dma_semaphore, #tpu.memory_space<semaphore_mem>>)
      %mul3A_250 = arith.constant 128 : i32
      %mul3A_251 = arith.muli %mul3A_232, %mul3A_250 : i32
      %dma_wait3A_252 = tpu.memref_slice %arg6[%mul3A_251] : memref<10000xi32, #tpu.memory_space<vmem>> -> memref<128xi32, #tpu.memory_space<vmem>>
      %dma_wait3A_253 = arith.constant 0 : i32
      %dma_wait3A_254 = arith.constant 0 : i32
      %dma_wait3A_255 = tpu.memref_slice %arg2[%dma_wait3A_253, %dma_wait3A_254] : memref<10000x128xf32, #tpu.memory_space<hbm>> -> memref<10000x128xf32, #tpu.memory_space<hbm>>
      tpu.wait_indirect_dma semaphore(%arg15 : memref<!tpu.dma_semaphore, #tpu.memory_space<semaphore_mem>>) src(%dma_wait3A_255 : memref<10000x128xf32, #tpu.memory_space<hbm>>) dst(%arg12 : memref<128x128xf32, #tpu.memory_space<vmem>>)
      %mul3A_256 = arith.constant 128 : i32
      %mul3A_257 = arith.muli %mul3A_232, %mul3A_256 : i32
      %dma_wait3A_258 = arith.constant 1 : i32
      %dma_wait3A_259 = tpu.memref_slice %arg3[%dma_wait3A_258, %add3A, %mul3A_257] : memref<2x32x10000xi32, #tpu.memory_space<hbm>> -> memref<1x1x128xi32, #tpu.memory_space<hbm>>
      %dma_wait3A_260 = tpu.memref_squeeze %dma_wait3A_259 : memref<1x1x128xi32, #tpu.memory_space<hbm>> -> memref<128xi32, #tpu.memory_space<hbm>>
      %dma_wait3A_261 = tpu.memref_slice %arg3[%dma_wait3A_258, %add3A, %mul3A_257] : memref<2x32x10000xi32, #tpu.memory_space<hbm>> -> memref<1x1x128xi32, #tpu.memory_space<hbm>>
      %dma_wait3A_262 = tpu.memref_squeeze %dma_wait3A_261 : memref<1x1x128xi32, #tpu.memory_space<hbm>> -> memref<128xi32, #tpu.memory_space<hbm>>
      tpu.wait_dma2 semaphore(%arg17 : memref<!tpu.dma_semaphore, #tpu.memory_space<semaphore_mem>>) src(%dma_wait3A_262 : memref<128xi32, #tpu.memory_space<hbm>>) dst(%arg8 : memref<128xi32, #tpu.memory_space<vmem>>)
      "tpu.region"() ({
        %run_scoped3A_289 = tpu.sem_alloc : memref<!tpu.dma_semaphore, #tpu.memory_space<semaphore_mem>>
        %dma_start3A_290 = arith.constant 0 : i32
        %dma_start3A_291 = arith.constant 0 : i32
        %dma_start3A_292 = tpu.memref_slice %arg14[%dma_start3A_290, %dma_start3A_291] : memref<10240x128xf32, #tpu.memory_space<vmem_shared>> -> memref<10240x128xf32, #tpu.memory_space<vmem_shared>>
        tpu.enqueue_indirect_dma source(%arg12 : memref<128x128xf32, #tpu.memory_space<vmem>>) target(%dma_start3A_292 : memref<10240x128xf32, #tpu.memory_space<vmem_shared>>) offsets(%arg8 : memref<128xi32, #tpu.memory_space<vmem>>) semaphore(%run_scoped3A_289 : memref<!tpu.dma_semaphore, #tpu.memory_space<semaphore_mem>>) {add = true}
        %dma_wait3A_293 = arith.constant 0 : i32
        %dma_wait3A_294 = arith.constant 0 : i32
        %dma_wait3A_295 = tpu.memref_slice %arg14[%dma_wait3A_293, %dma_wait3A_294] : memref<10240x128xf32, #tpu.memory_space<vmem_shared>> -> memref<10240x128xf32, #tpu.memory_space<vmem_shared>>
        tpu.wait_indirect_dma semaphore(%run_scoped3A_289 : memref<!tpu.dma_semaphore, #tpu.memory_space<semaphore_mem>>) src(%arg12 : memref<128x128xf32, #tpu.memory_space<vmem>>) dst(%dma_wait3A_295 : memref<10240x128xf32, #tpu.memory_space<vmem_shared>>)
        tpu.yield
      }) : () -> ()
      %mul3A_263 = arith.constant 128 : i32
      %mul3A_264 = arith.muli %add3A_236, %mul3A_263 : i32
      %dma_start3A_265 = arith.constant 1 : i32
      %dma_start3A_266 = tpu.memref_slice %arg3[%dma_start3A_265, %add3A, %mul3A_264] : memref<2x32x10000xi32, #tpu.memory_space<hbm>> -> memref<1x1x128xi32, #tpu.memory_space<hbm>>
      %dma_start3A_267 = tpu.memref_squeeze %dma_start3A_266 : memref<1x1x128xi32, #tpu.memory_space<hbm>> -> memref<128xi32, #tpu.memory_space<hbm>>
      %dma_start3A_268 = tpu.memref_slice %arg3[%dma_start3A_265, %add3A, %mul3A_264] : memref<2x32x10000xi32, #tpu.memory_space<hbm>> -> memref<1x1x128xi32, #tpu.memory_space<hbm>>
      %dma_start3A_269 = tpu.memref_squeeze %dma_start3A_268 : memref<1x1x128xi32, #tpu.memory_space<hbm>> -> memref<128xi32, #tpu.memory_space<hbm>>
      tpu.enqueue_dma source(%dma_start3A_269 : memref<128xi32, #tpu.memory_space<hbm>>) target(%arg8 : memref<128xi32, #tpu.memory_space<vmem>>) target_semaphore(%arg17 : memref<!tpu.dma_semaphore, #tpu.memory_space<semaphore_mem>>)
      %mul3A_270 = arith.constant 128 : i32
      %mul3A_271 = arith.muli %add3A_236, %mul3A_270 : i32
      %dma_start3A_272 = tpu.memref_slice %arg6[%mul3A_271] : memref<10000xi32, #tpu.memory_space<vmem>> -> memref<128xi32, #tpu.memory_space<vmem>>
      %dma_start3A_273 = arith.constant 0 : i32
      %dma_start3A_274 = arith.constant 0 : i32
      %dma_start3A_275 = tpu.memref_slice %arg2[%dma_start3A_273, %dma_start3A_274] : memref<10000x128xf32, #tpu.memory_space<hbm>> -> memref<10000x128xf32, #tpu.memory_space<hbm>>
      tpu.enqueue_indirect_dma source(%dma_start3A_275 : memref<10000x128xf32, #tpu.memory_space<hbm>>) target(%arg12 : memref<128x128xf32, #tpu.memory_space<vmem>>) offsets(%dma_start3A_272 : memref<128xi32, #tpu.memory_space<vmem>>) semaphore(%arg15 : memref<!tpu.dma_semaphore, #tpu.memory_space<semaphore_mem>>)
      %mul3A_276 = arith.constant 128 : i32
      %mul3A_277 = arith.muli %add3A_234, %mul3A_276 : i32
      %dma_wait3A_278 = tpu.memref_slice %arg6[%mul3A_277] : memref<10000xi32, #tpu.memory_space<vmem>> -> memref<128xi32, #tpu.memory_space<vmem>>
      %dma_wait3A_279 = arith.constant 0 : i32
      %dma_wait3A_280 = arith.constant 0 : i32
      %dma_wait3A_281 = tpu.memref_slice %arg2[%dma_wait3A_279, %dma_wait3A_280] : memref<10000x128xf32, #tpu.memory_space<hbm>> -> memref<10000x128xf32, #tpu.memory_space<hbm>>
      tpu.wait_indirect_dma semaphore(%arg16 : memref<!tpu.dma_semaphore, #tpu.memory_space<semaphore_mem>>) src(%dma_wait3A_281 : memref<10000x128xf32, #tpu.memory_space<hbm>>) dst(%arg13 : memref<128x128xf32, #tpu.memory_space<vmem>>)
      %mul3A_282 = arith.constant 128 : i32
      %mul3A_283 = arith.muli %add3A_234, %mul3A_282 : i32
      %dma_wait3A_284 = arith.constant 1 : i32
      %dma_wait3A_285 = tpu.memref_slice %arg3[%dma_wait3A_284, %add3A, %mul3A_283] : memref<2x32x10000xi32, #tpu.memory_space<hbm>> -> memref<1x1x128xi32, #tpu.memory_space<hbm>>
      %dma_wait3A_286 = tpu.memref_squeeze %dma_wait3A_285 : memref<1x1x128xi32, #tpu.memory_space<hbm>> -> memref<128xi32, #tpu.memory_space<hbm>>
      %dma_wait3A_287 = tpu.memref_slice %arg3[%dma_wait3A_284, %add3A, %mul3A_283] : memref<2x32x10000xi32, #tpu.memory_space<hbm>> -> memref<1x1x128xi32, #tpu.memory_space<hbm>>
      %dma_wait3A_288 = tpu.memref_squeeze %dma_wait3A_287 : memref<1x1x128xi32, #tpu.memory_space<hbm>> -> memref<128xi32, #tpu.memory_space<hbm>>
      tpu.wait_dma2 semaphore(%arg18 : memref<!tpu.dma_semaphore, #tpu.memory_space<semaphore_mem>>) src(%dma_wait3A_288 : memref<128xi32, #tpu.memory_space<hbm>>) dst(%arg9 : memref<128xi32, #tpu.memory_space<vmem>>)
      "tpu.region"() ({
        %run_scoped3A_289 = tpu.sem_alloc : memref<!tpu.dma_semaphore, #tpu.memory_space<semaphore_mem>>
        %dma_start3A_290 = arith.constant 0 : i32
        %dma_start3A_291 = arith.constant 0 : i32
        %dma_start3A_292 = tpu.memref_slice %arg14[%dma_start3A_290, %dma_start3A_291] : memref<10240x128xf32, #tpu.memory_space<vmem_shared>> -> memref<10240x128xf32, #tpu.memory_space<vmem_shared>>
        tpu.enqueue_indirect_dma source(%arg13 : memref<128x128xf32, #tpu.memory_space<vmem>>) target(%dma_start3A_292 : memref<10240x128xf32, #tpu.memory_space<vmem_shared>>) offsets(%arg9 : memref<128xi32, #tpu.memory_space<vmem>>) semaphore(%run_scoped3A_289 : memref<!tpu.dma_semaphore, #tpu.memory_space<semaphore_mem>>) {add = true}
        %dma_wait3A_293 = arith.constant 0 : i32
        %dma_wait3A_294 = arith.constant 0 : i32
        %dma_wait3A_295 = tpu.memref_slice %arg14[%dma_wait3A_293, %dma_wait3A_294] : memref<10240x128xf32, #tpu.memory_space<vmem_shared>> -> memref<10240x128xf32, #tpu.memory_space<vmem_shared>>
        tpu.wait_indirect_dma semaphore(%run_scoped3A_289 : memref<!tpu.dma_semaphore, #tpu.memory_space<semaphore_mem>>) src(%arg13 : memref<128x128xf32, #tpu.memory_space<vmem>>) dst(%dma_wait3A_295 : memref<10240x128xf32, #tpu.memory_space<vmem_shared>>)
        tpu.yield
      }) : () -> ()
    }
    %scan3A_162 = arith.constant 38 : i32
    %dma_start3A_163 = arith.constant 1 : i32
    %dma_start3A_164 = arith.constant 9856 : i32
    %dma_start3A_165 = tpu.memref_slice %arg3[%dma_start3A_163, %add3A, %dma_start3A_164] : memref<2x32x10000xi32, #tpu.memory_space<hbm>> -> memref<1x1x128xi32, #tpu.memory_space<hbm>>
    %dma_start3A_166 = tpu.memref_squeeze %dma_start3A_165 : memref<1x1x128xi32, #tpu.memory_space<hbm>> -> memref<128xi32, #tpu.memory_space<hbm>>
    %dma_start3A_167 = arith.constant 9856 : i32
    %dma_start3A_168 = tpu.memref_slice %arg3[%dma_start3A_163, %add3A, %dma_start3A_167] : memref<2x32x10000xi32, #tpu.memory_space<hbm>> -> memref<1x1x128xi32, #tpu.memory_space<hbm>>
    %dma_start3A_169 = tpu.memref_squeeze %dma_start3A_168 : memref<1x1x128xi32, #tpu.memory_space<hbm>> -> memref<128xi32, #tpu.memory_space<hbm>>
    tpu.enqueue_dma source(%dma_start3A_169 : memref<128xi32, #tpu.memory_space<hbm>>) target(%arg9 : memref<128xi32, #tpu.memory_space<vmem>>) target_semaphore(%arg18 : memref<!tpu.dma_semaphore, #tpu.memory_space<semaphore_mem>>)
    %dma_start3A_170 = arith.constant 9856 : i32
    %dma_start3A_171 = tpu.memref_slice %arg6[%dma_start3A_170] : memref<10000xi32, #tpu.memory_space<vmem>> -> memref<128xi32, #tpu.memory_space<vmem>>
    %dma_start3A_172 = arith.constant 0 : i32
    %dma_start3A_173 = arith.constant 0 : i32
    %dma_start3A_174 = tpu.memref_slice %arg2[%dma_start3A_172, %dma_start3A_173] : memref<10000x128xf32, #tpu.memory_space<hbm>> -> memref<10000x128xf32, #tpu.memory_space<hbm>>
    tpu.enqueue_indirect_dma source(%dma_start3A_174 : memref<10000x128xf32, #tpu.memory_space<hbm>>) target(%arg13 : memref<128x128xf32, #tpu.memory_space<vmem>>) offsets(%dma_start3A_171 : memref<128xi32, #tpu.memory_space<vmem>>) semaphore(%arg16 : memref<!tpu.dma_semaphore, #tpu.memory_space<semaphore_mem>>)
    %dma_wait3A = arith.constant 9728 : i32
    %dma_wait3A_175 = tpu.memref_slice %arg6[%dma_wait3A] : memref<10000xi32, #tpu.memory_space<vmem>> -> memref<128xi32, #tpu.memory_space<vmem>>
    %dma_wait3A_176 = arith.constant 0 : i32
    %dma_wait3A_177 = arith.constant 0 : i32
    %dma_wait3A_178 = tpu.memref_slice %arg2[%dma_wait3A_176, %dma_wait3A_177] : memref<10000x128xf32, #tpu.memory_space<hbm>> -> memref<10000x128xf32, #tpu.memory_space<hbm>>
    tpu.wait_indirect_dma semaphore(%arg15 : memref<!tpu.dma_semaphore, #tpu.memory_space<semaphore_mem>>) src(%dma_wait3A_178 : memref<10000x128xf32, #tpu.memory_space<hbm>>) dst(%arg12 : memref<128x128xf32, #tpu.memory_space<vmem>>)
    %dma_wait3A_179 = arith.constant 1 : i32
    %dma_wait3A_180 = arith.constant 9728 : i32
    %dma_wait3A_181 = tpu.memref_slice %arg3[%dma_wait3A_179, %add3A, %dma_wait3A_180] : memref<2x32x10000xi32, #tpu.memory_space<hbm>> -> memref<1x1x128xi32, #tpu.memory_space<hbm>>
    %dma_wait3A_182 = tpu.memref_squeeze %dma_wait3A_181 : memref<1x1x128xi32, #tpu.memory_space<hbm>> -> memref<128xi32, #tpu.memory_space<hbm>>
    %dma_wait3A_183 = arith.constant 9728 : i32
    %dma_wait3A_184 = tpu.memref_slice %arg3[%dma_wait3A_179, %add3A, %dma_wait3A_183] : memref<2x32x10000xi32, #tpu.memory_space<hbm>> -> memref<1x1x128xi32, #tpu.memory_space<hbm>>
    %dma_wait3A_185 = tpu.memref_squeeze %dma_wait3A_184 : memref<1x1x128xi32, #tpu.memory_space<hbm>> -> memref<128xi32, #tpu.memory_space<hbm>>
    tpu.wait_dma2 semaphore(%arg17 : memref<!tpu.dma_semaphore, #tpu.memory_space<semaphore_mem>>) src(%dma_wait3A_185 : memref<128xi32, #tpu.memory_space<hbm>>) dst(%arg8 : memref<128xi32, #tpu.memory_space<vmem>>)
    "tpu.region"() ({
      %run_scoped3A_230 = tpu.sem_alloc : memref<!tpu.dma_semaphore, #tpu.memory_space<semaphore_mem>>
      %dma_start3A_231 = arith.constant 0 : i32
      %dma_start3A_232 = arith.constant 0 : i32
      %dma_start3A_233 = tpu.memref_slice %arg14[%dma_start3A_231, %dma_start3A_232] : memref<10240x128xf32, #tpu.memory_space<vmem_shared>> -> memref<10240x128xf32, #tpu.memory_space<vmem_shared>>
      tpu.enqueue_indirect_dma source(%arg12 : memref<128x128xf32, #tpu.memory_space<vmem>>) target(%dma_start3A_233 : memref<10240x128xf32, #tpu.memory_space<vmem_shared>>) offsets(%arg8 : memref<128xi32, #tpu.memory_space<vmem>>) semaphore(%run_scoped3A_230 : memref<!tpu.dma_semaphore, #tpu.memory_space<semaphore_mem>>) {add = true}
      %dma_wait3A_234 = arith.constant 0 : i32
      %dma_wait3A_235 = arith.constant 0 : i32
      %dma_wait3A_236 = tpu.memref_slice %arg14[%dma_wait3A_234, %dma_wait3A_235] : memref<10240x128xf32, #tpu.memory_space<vmem_shared>> -> memref<10240x128xf32, #tpu.memory_space<vmem_shared>>
      tpu.wait_indirect_dma semaphore(%run_scoped3A_230 : memref<!tpu.dma_semaphore, #tpu.memory_space<semaphore_mem>>) src(%arg12 : memref<128x128xf32, #tpu.memory_space<vmem>>) dst(%dma_wait3A_236 : memref<10240x128xf32, #tpu.memory_space<vmem_shared>>)
      tpu.yield
    }) : () -> ()
    %dma_start3A_186 = arith.constant 0 : i32
    %dma_start3A_187 = arith.constant 0 : i32
    %dma_start3A_188 = tpu.memref_slice %arg2[%dma_start3A_186, %dma_start3A_187] : memref<10000x128xf32, #tpu.memory_space<hbm>> -> memref<10000x128xf32, #tpu.memory_space<hbm>>
    tpu.enqueue_indirect_dma source(%dma_start3A_188 : memref<10000x128xf32, #tpu.memory_space<hbm>>) target(%arg12 : memref<128x128xf32, #tpu.memory_space<vmem>>) offsets(%arg7 : memref<128xi32, #tpu.memory_space<vmem>>) semaphore(%arg15 : memref<!tpu.dma_semaphore, #tpu.memory_space<semaphore_mem>>)
    %dma_start3A_189 = arith.constant 1 : i32
    %dma_start3A_190 = arith.constant 9984 : i32
    %dma_start3A_191 = tpu.memref_slice %arg3[%dma_start3A_189, %add3A, %dma_start3A_190] : memref<2x32x10000xi32, #tpu.memory_space<hbm>> -> memref<1x1x16xi32, #tpu.memory_space<hbm>>
    %dma_start3A_192 = tpu.memref_squeeze %dma_start3A_191 : memref<1x1x16xi32, #tpu.memory_space<hbm>> -> memref<16xi32, #tpu.memory_space<hbm>>
    %dma_start3A_193 = arith.constant 9984 : i32
    %dma_start3A_194 = tpu.memref_slice %arg3[%dma_start3A_189, %add3A, %dma_start3A_193] : memref<2x32x10000xi32, #tpu.memory_space<hbm>> -> memref<1x1x16xi32, #tpu.memory_space<hbm>>
    %dma_start3A_195 = tpu.memref_squeeze %dma_start3A_194 : memref<1x1x16xi32, #tpu.memory_space<hbm>> -> memref<16xi32, #tpu.memory_space<hbm>>
    tpu.enqueue_dma source(%dma_start3A_195 : memref<16xi32, #tpu.memory_space<hbm>>) target(%arg11 : memref<16xi32, #tpu.memory_space<vmem>>) target_semaphore(%arg17 : memref<!tpu.dma_semaphore, #tpu.memory_space<semaphore_mem>>)
    %dma_wait3A_196 = arith.constant 9856 : i32
    %dma_wait3A_197 = tpu.memref_slice %arg6[%dma_wait3A_196] : memref<10000xi32, #tpu.memory_space<vmem>> -> memref<128xi32, #tpu.memory_space<vmem>>
    %dma_wait3A_198 = arith.constant 0 : i32
    %dma_wait3A_199 = arith.constant 0 : i32
    %dma_wait3A_200 = tpu.memref_slice %arg2[%dma_wait3A_198, %dma_wait3A_199] : memref<10000x128xf32, #tpu.memory_space<hbm>> -> memref<10000x128xf32, #tpu.memory_space<hbm>>
    tpu.wait_indirect_dma semaphore(%arg16 : memref<!tpu.dma_semaphore, #tpu.memory_space<semaphore_mem>>) src(%dma_wait3A_200 : memref<10000x128xf32, #tpu.memory_space<hbm>>) dst(%arg13 : memref<128x128xf32, #tpu.memory_space<vmem>>)
    %dma_wait3A_201 = arith.constant 1 : i32
    %dma_wait3A_202 = arith.constant 9856 : i32
    %dma_wait3A_203 = tpu.memref_slice %arg3[%dma_wait3A_201, %add3A, %dma_wait3A_202] : memref<2x32x10000xi32, #tpu.memory_space<hbm>> -> memref<1x1x128xi32, #tpu.memory_space<hbm>>
    %dma_wait3A_204 = tpu.memref_squeeze %dma_wait3A_203 : memref<1x1x128xi32, #tpu.memory_space<hbm>> -> memref<128xi32, #tpu.memory_space<hbm>>
    %dma_wait3A_205 = arith.constant 9856 : i32
    %dma_wait3A_206 = tpu.memref_slice %arg3[%dma_wait3A_201, %add3A, %dma_wait3A_205] : memref<2x32x10000xi32, #tpu.memory_space<hbm>> -> memref<1x1x128xi32, #tpu.memory_space<hbm>>
    %dma_wait3A_207 = tpu.memref_squeeze %dma_wait3A_206 : memref<1x1x128xi32, #tpu.memory_space<hbm>> -> memref<128xi32, #tpu.memory_space<hbm>>
    tpu.wait_dma2 semaphore(%arg18 : memref<!tpu.dma_semaphore, #tpu.memory_space<semaphore_mem>>) src(%dma_wait3A_207 : memref<128xi32, #tpu.memory_space<hbm>>) dst(%arg9 : memref<128xi32, #tpu.memory_space<vmem>>)
    "tpu.region"() ({
      %run_scoped3A_230 = tpu.sem_alloc : memref<!tpu.dma_semaphore, #tpu.memory_space<semaphore_mem>>
      %dma_start3A_231 = arith.constant 0 : i32
      %dma_start3A_232 = arith.constant 0 : i32
      %dma_start3A_233 = tpu.memref_slice %arg14[%dma_start3A_231, %dma_start3A_232] : memref<10240x128xf32, #tpu.memory_space<vmem_shared>> -> memref<10240x128xf32, #tpu.memory_space<vmem_shared>>
      tpu.enqueue_indirect_dma source(%arg13 : memref<128x128xf32, #tpu.memory_space<vmem>>) target(%dma_start3A_233 : memref<10240x128xf32, #tpu.memory_space<vmem_shared>>) offsets(%arg9 : memref<128xi32, #tpu.memory_space<vmem>>) semaphore(%run_scoped3A_230 : memref<!tpu.dma_semaphore, #tpu.memory_space<semaphore_mem>>) {add = true}
      %dma_wait3A_234 = arith.constant 0 : i32
      %dma_wait3A_235 = arith.constant 0 : i32
      %dma_wait3A_236 = tpu.memref_slice %arg14[%dma_wait3A_234, %dma_wait3A_235] : memref<10240x128xf32, #tpu.memory_space<vmem_shared>> -> memref<10240x128xf32, #tpu.memory_space<vmem_shared>>
      tpu.wait_indirect_dma semaphore(%run_scoped3A_230 : memref<!tpu.dma_semaphore, #tpu.memory_space<semaphore_mem>>) src(%arg13 : memref<128x128xf32, #tpu.memory_space<vmem>>) dst(%dma_wait3A_236 : memref<10240x128xf32, #tpu.memory_space<vmem_shared>>)
      tpu.yield
    }) : () -> ()
    %dma_wait3A_208 = arith.constant 0 : i32
    %dma_wait3A_209 = arith.constant 0 : i32
    %dma_wait3A_210 = tpu.memref_slice %arg2[%dma_wait3A_208, %dma_wait3A_209] : memref<10000x128xf32, #tpu.memory_space<hbm>> -> memref<10000x128xf32, #tpu.memory_space<hbm>>
    tpu.wait_indirect_dma semaphore(%arg15 : memref<!tpu.dma_semaphore, #tpu.memory_space<semaphore_mem>>) src(%dma_wait3A_210 : memref<10000x128xf32, #tpu.memory_space<hbm>>) dst(%arg12 : memref<128x128xf32, #tpu.memory_space<vmem>>)
    %dma_wait3A_211 = arith.constant 1 : i32
    %dma_wait3A_212 = arith.constant 9984 : i32
    %dma_wait3A_213 = tpu.memref_slice %arg3[%dma_wait3A_211, %add3A, %dma_wait3A_212] : memref<2x32x10000xi32, #tpu.memory_space<hbm>> -> memref<1x1x16xi32, #tpu.memory_space<hbm>>
    %dma_wait3A_214 = tpu.memref_squeeze %dma_wait3A_213 : memref<1x1x16xi32, #tpu.memory_space<hbm>> -> memref<16xi32, #tpu.memory_space<hbm>>
    %dma_wait3A_215 = arith.constant 9984 : i32
    %dma_wait3A_216 = tpu.memref_slice %arg3[%dma_wait3A_211, %add3A, %dma_wait3A_215] : memref<2x32x10000xi32, #tpu.memory_space<hbm>> -> memref<1x1x16xi32, #tpu.memory_space<hbm>>
    %dma_wait3A_217 = tpu.memref_squeeze %dma_wait3A_216 : memref<1x1x16xi32, #tpu.memory_space<hbm>> -> memref<16xi32, #tpu.memory_space<hbm>>
    tpu.wait_dma2 semaphore(%arg17 : memref<!tpu.dma_semaphore, #tpu.memory_space<semaphore_mem>>) src(%dma_wait3A_217 : memref<16xi32, #tpu.memory_space<hbm>>) dst(%arg11 : memref<16xi32, #tpu.memory_space<vmem>>)
    %get3A_218 = arith.constant 0 : index
    %get3A_219 = tpu.vector_load %arg11[%get3A_218] {strides = array<i32>} : memref<16xi32, #tpu.memory_space<vmem>>, vector<16xi32>,
    %get3A_220 = vector.shape_cast %get3A_219 : vector<16xi32> to vector<16xi32>
    %swap3A_221 = arith.constant 0 : index
    %swap3A_222 = tpu.vector_load %arg10[%swap3A_221] {strides = array<i32>} : memref<128xi32, #tpu.memory_space<vmem>>, vector<16xi32>,
    %swap3A_223 = vector.shape_cast %swap3A_222 : vector<16xi32> to vector<16xi32>
    %swap3A_224 = vector.shape_cast %get3A_220 : vector<16xi32> to vector<16xi32>
    tpu.vector_store %arg10[%swap3A_221], %swap3A_224 {strides = array<i32>} : memref<128xi32, #tpu.memory_space<vmem>>, vector<16xi32>,
    "tpu.region"() ({
      %run_scoped3A_230 = tpu.sem_alloc : memref<!tpu.dma_semaphore, #tpu.memory_space<semaphore_mem>>
      %dma_start3A_231 = arith.constant 0 : i32
      %dma_start3A_232 = arith.constant 0 : i32
      %dma_start3A_233 = tpu.memref_slice %arg14[%dma_start3A_231, %dma_start3A_232] : memref<10240x128xf32, #tpu.memory_space<vmem_shared>> -> memref<10240x128xf32, #tpu.memory_space<vmem_shared>>
      tpu.enqueue_indirect_dma source(%arg12 : memref<128x128xf32, #tpu.memory_space<vmem>>) target(%dma_start3A_233 : memref<10240x128xf32, #tpu.memory_space<vmem_shared>>) offsets(%arg10 : memref<128xi32, #tpu.memory_space<vmem>>) semaphore(%run_scoped3A_230 : memref<!tpu.dma_semaphore, #tpu.memory_space<semaphore_mem>>) {add = true}
      %dma_wait3A_234 = arith.constant 0 : i32
      %dma_wait3A_235 = arith.constant 0 : i32
      %dma_wait3A_236 = tpu.memref_slice %arg14[%dma_wait3A_234, %dma_wait3A_235] : memref<10240x128xf32, #tpu.memory_space<vmem_shared>> -> memref<10240x128xf32, #tpu.memory_space<vmem_shared>>
      tpu.wait_indirect_dma semaphore(%run_scoped3A_230 : memref<!tpu.dma_semaphore, #tpu.memory_space<semaphore_mem>>) src(%arg12 : memref<128x128xf32, #tpu.memory_space<vmem>>) dst(%dma_wait3A_236 : memref<10240x128xf32, #tpu.memory_space<vmem_shared>>)
      tpu.yield
    }) : () -> ()
    %barrier3A_225 = arith.constant 0 : index
    tpu.barrier barrier_id(%barrier3A_225)
    %mul3A_226 = arith.constant 640 : i32
    %mul3A_227 = arith.muli %arg1, %mul3A_226 : i32
    %mul3A_228 = arith.constant 640 : i32
    %mul3A_229 = arith.muli %arg1, %mul3A_228 : i32
    "tpu.region"() ({
      %run_scoped3A_230 = tpu.sem_alloc : memref<!tpu.dma_semaphore, #tpu.memory_space<semaphore_mem>>
      %dma_start3A_231 = arith.constant 0 : i32
      %dma_start3A_232 = tpu.memref_slice %arg5[%arg0, %mul3A_229, %dma_start3A_231] : memref<2x10240x128xf32, #tpu.memory_space<hbm>> -> memref<1x640x128xf32, #tpu.memory_space<hbm>>
      %dma_start3A_233 = tpu.memref_squeeze %dma_start3A_232 : memref<1x640x128xf32, #tpu.memory_space<hbm>> -> memref<640x128xf32, #tpu.memory_space<hbm>>
      %dma_start3A_234 = arith.constant 0 : i32
      %dma_start3A_235 = tpu.memref_slice %arg14[%mul3A_227, %dma_start3A_234] : memref<10240x128xf32, #tpu.memory_space<vmem_shared>> -> memref<640x128xf32, #tpu.memory_space<vmem_shared>>
      tpu.enqueue_dma source(%dma_start3A_235 : memref<640x128xf32, #tpu.memory_space<vmem_shared>>) target(%dma_start3A_233 : memref<640x128xf32, #tpu.memory_space<hbm>>) target_semaphore(%run_scoped3A_230 : memref<!tpu.dma_semaphore, #tpu.memory_space<semaphore_mem>>)
      %dma_wait3A_236 = arith.constant 0 : i32
      %dma_wait3A_237 = tpu.memref_slice %arg5[%arg0, %mul3A_229, %dma_wait3A_236] : memref<2x10240x128xf32, #tpu.memory_space<hbm>> -> memref<1x640x128xf32, #tpu.memory_space<hbm>>
      %dma_wait3A_238 = tpu.memref_squeeze %dma_wait3A_237 : memref<1x640x128xf32, #tpu.memory_space<hbm>> -> memref<640x128xf32, #tpu.memory_space<hbm>>
      %dma_wait3A_239 = arith.constant 0 : i32
      %dma_wait3A_240 = tpu.memref_slice %arg14[%mul3A_227, %dma_wait3A_239] : memref<10240x128xf32, #tpu.memory_space<vmem_shared>> -> memref<640x128xf32, #tpu.memory_space<vmem_shared>>
      tpu.wait_dma2 semaphore(%run_scoped3A_230 : memref<!tpu.dma_semaphore, #tpu.memory_space<semaphore_mem>>) src(%dma_wait3A_240 : memref<640x128xf32, #tpu.memory_space<vmem_shared>>) dst(%dma_wait3A_238 : memref<640x128xf32, #tpu.memory_space<hbm>>)
      tpu.yield
    }) : () -> ()
    return
  }
}

module attributes {stable_mosaic.version = 14 : i64} {
  func.func @_tc1_body(%arg0: i32, %arg1: memref<2000x128xf32, #tpu.memory_space<vmem>>, %arg2: memref<128x128xf32, #tpu.memory_space<vmem>>, %arg3: memref<1x2000x1xf32, #tpu.memory_space<vmem>>, %arg4: memref<1x2000x1xf32, #tpu.memory_space<vmem>>, %arg5: memref<2000x128xf32, #tpu.memory_space<vmem>>) attributes {dimension_semantics = [#tpu.dimension_semantics<arbitrary>], iteration_bounds = array<i64: 5>, scalar_prefetch = 0 : i64, scratch_operands = 0 : i64, tpu.core_type = #tpu.core_type<tc>, window_params = [{transform_indices = @transform_0, window_bounds = array<i64: 2000, 128>}, {pipeline_mode = #tpu.pipeline_mode<synchronous>, transform_indices = @transform_1, window_bounds = array<i64: 128, 128>}, {transform_indices = @transform_2, window_bounds = array<i64: 1, 2000, 1>}, {transform_indices = @transform_3, window_bounds = array<i64: 1, 2000, 1>}, {transform_indices = @transform_4, window_bounds = array<i64: 2000, 128>}]} {
    %get3A = arith.constant 0 : index
    %get3A_0 = arith.constant 0 : index
    %get3A_1 = vector.load %arg1[%get3A, %get3A_0] : memref<2000x128xf32, #tpu.memory_space<vmem>>, vector<2000x128xf32>
    %get3A_2 = arith.constant 0 : index
    %get3A_3 = arith.constant 0 : index
    %get3A_4 = vector.load %arg2[%get3A_2, %get3A_3] : memref<128x128xf32, #tpu.memory_space<vmem>>, vector<128x128xf32>
    %dot_general3A = arith.constant dense<0.000000e+00> : vector<2000x128xf32>
    %dot_general3A_5 = tpu.matmul %get3A_1, %get3A_4, %dot_general3A {dimension_numbers = #tpu.dot_dimension_numbers<[1], [0], [0], [1], [0, 0, 1, 1], [], []>, transpose_lhs_hint = false} : vector<2000x128xf32>, vector<128x128xf32>, vector<2000x128xf32> -> vector<2000x128xf32>
    %get3A_6 = arith.constant 0 : index
    %get3A_7 = arith.constant 0 : index
    %get3A_8 = arith.constant 0 : index
    %get3A_9 = vector.load %arg3[%get3A_6, %get3A_7, %get3A_8] : memref<1x2000x1xf32, #tpu.memory_space<vmem>>, vector<1x2000x1xf32>
    %get3A_10 = vector.shape_cast %get3A_9 : vector<1x2000x1xf32> to vector<2000x1xf32>
    %get3A_11 = arith.constant 0 : index
    %get3A_12 = arith.constant 0 : index
    %get3A_13 = arith.constant 0 : index
    %get3A_14 = vector.load %arg4[%get3A_11, %get3A_12, %get3A_13] : memref<1x2000x1xf32, #tpu.memory_space<vmem>>, vector<1x2000x1xf32>
    %get3A_15 = vector.shape_cast %get3A_14 : vector<1x2000x1xf32> to vector<2000x1xf32>
    %add3A = arith.addf %get3A_10, %get3A_15 : vector<2000x1xf32>
    %add3A_16 = arith.constant 1.000000e+00 : f32
    %add3A_17 = vector.broadcast %add3A_16 : f32 to vector<2000x1xf32>
    %add3A_18 = arith.addf %add3A, %add3A_17 : vector<2000x1xf32>
    %rsqrt3A = math.rsqrt %add3A_18 : vector<2000x1xf32>
    %mul3A = vector.broadcast %rsqrt3A : vector<2000x1xf32> to vector<2000x128xf32>
    %mul3A_19 = arith.mulf %dot_general3A_5, %mul3A : vector<2000x128xf32>
    %swap3A = arith.constant 0 : index
    %swap3A_20 = arith.constant 0 : index
    %swap3A_21 = vector.load %arg5[%swap3A, %swap3A_20] : memref<2000x128xf32, #tpu.memory_space<vmem>>, vector<2000x128xf32>
    tpu.vector_store %arg5[%swap3A, %swap3A_20], %mul3A_19 {strides = array<i32>} : memref<2000x128xf32, #tpu.memory_space<vmem>>, vector<2000x128xf32>,
    return
  }
  func.func @transform_0(%arg0: i32) -> (i32, i32) {
    %c0_i32 = arith.constant 0 : i32
    %c0_i32_0 = arith.constant 0 : i32
    return %arg0, %c0_i32 : i32, i32
  }
  func.func @transform_1(%arg0: i32) -> (i32, i32) {
    %c0_i32 = arith.constant 0 : i32
    %c0_i32_0 = arith.constant 0 : i32
    %c0_i32_1 = arith.constant 0 : i32
    return %c0_i32, %c0_i32_0 : i32, i32
  }
  func.func @transform_2(%arg0: i32) -> (i32, i32, i32) {
    %c0_i32 = arith.constant 0 : i32
    %c0_i32_0 = arith.constant 0 : i32
    %c0_i32_1 = arith.constant 0 : i32
    return %c0_i32, %arg0, %c0_i32_0 : i32, i32, i32
  }
  func.func @transform_3(%arg0: i32) -> (i32, i32, i32) {
    %c1_i32 = arith.constant 1 : i32
    %c0_i32 = arith.constant 0 : i32
    %c0_i32_0 = arith.constant 0 : i32
    return %c1_i32, %arg0, %c0_i32 : i32, i32, i32
  }
  func.func @transform_4(%arg0: i32) -> (i32, i32) {
    %c0_i32 = arith.constant 0 : i32
    %c0_i32_0 = arith.constant 0 : i32
    return %arg0, %c0_i32 : i32, i32
  }
}

module attributes {stable_mosaic.version = 14 : i64} {
  func.func @_tc2_body(%arg0: i32, %arg1: memref<1x2000x128xf32, #tpu.memory_space<vmem>>, %arg2: memref<1x2000x128xf32, #tpu.memory_space<vmem>>, %arg3: memref<1x2000x1xf32, #tpu.memory_space<vmem>>, %arg4: memref<1x2000x1xf32, #tpu.memory_space<vmem>>, %arg5: memref<1x128xf32, #tpu.memory_space<vmem>>, %arg6: memref<128x128xf32, #tpu.memory_space<vmem>>, %arg7: memref<2000x128xf32, #tpu.memory_space<vmem>>) attributes {dimension_semantics = [#tpu.dimension_semantics<arbitrary>], iteration_bounds = array<i64: 5>, scalar_prefetch = 0 : i64, scratch_operands = 0 : i64, tpu.core_type = #tpu.core_type<tc>, window_params = [{transform_indices = @transform_0, window_bounds = array<i64: 1, 2000, 128>}, {transform_indices = @transform_1, window_bounds = array<i64: 1, 2000, 128>}, {transform_indices = @transform_2, window_bounds = array<i64: 1, 2000, 1>}, {transform_indices = @transform_3, window_bounds = array<i64: 1, 2000, 1>}, {pipeline_mode = #tpu.pipeline_mode<synchronous>, transform_indices = @transform_4, window_bounds = array<i64: 1, 128>}, {pipeline_mode = #tpu.pipeline_mode<synchronous>, transform_indices = @transform_5, window_bounds = array<i64: 128, 128>}, {transform_indices = @transform_6, window_bounds = array<i64: 2000, 128>}]} {
    %get3A = arith.constant 0 : index
    %get3A_0 = arith.constant 0 : index
    %get3A_1 = arith.constant 0 : index
    %get3A_2 = vector.load %arg3[%get3A, %get3A_0, %get3A_1] : memref<1x2000x1xf32, #tpu.memory_space<vmem>>, vector<1x2000x1xf32>
    %get3A_3 = vector.shape_cast %get3A_2 : vector<1x2000x1xf32> to vector<2000x1xf32>
    %get3A_4 = arith.constant 0 : index
    %get3A_5 = arith.constant 0 : index
    %get3A_6 = arith.constant 0 : index
    %get3A_7 = vector.load %arg4[%get3A_4, %get3A_5, %get3A_6] : memref<1x2000x1xf32, #tpu.memory_space<vmem>>, vector<1x2000x1xf32>
    %get3A_8 = vector.shape_cast %get3A_7 : vector<1x2000x1xf32> to vector<2000x1xf32>
    %add3A = arith.addf %get3A_3, %get3A_8 : vector<2000x1xf32>
    %add3A_9 = arith.constant 1.000000e+00 : f32
    %add3A_10 = vector.broadcast %add3A_9 : f32 to vector<2000x1xf32>
    %add3A_11 = arith.addf %add3A, %add3A_10 : vector<2000x1xf32>
    %rsqrt3A = math.rsqrt %add3A_11 : vector<2000x1xf32>
    %get3A_12 = arith.constant 0 : index
    %get3A_13 = arith.constant 0 : index
    %get3A_14 = arith.constant 0 : index
    %get3A_15 = vector.load %arg1[%get3A_12, %get3A_13, %get3A_14] : memref<1x2000x128xf32, #tpu.memory_space<vmem>>, vector<1x2000x128xf32>
    %get3A_16 = vector.shape_cast %get3A_15 : vector<1x2000x128xf32> to vector<2000x128xf32>
    %get3A_17 = arith.constant 0 : index
    %get3A_18 = arith.constant 0 : index
    %get3A_19 = arith.constant 0 : index
    %get3A_20 = vector.load %arg2[%get3A_17, %get3A_18, %get3A_19] : memref<1x2000x128xf32, #tpu.memory_space<vmem>>, vector<1x2000x128xf32>
    %get3A_21 = vector.shape_cast %get3A_20 : vector<1x2000x128xf32> to vector<2000x128xf32>
    %add3A_22 = arith.addf %get3A_16, %get3A_21 : vector<2000x128xf32>
    %mul3A = vector.broadcast %rsqrt3A : vector<2000x1xf32> to vector<2000x128xf32>
    %mul3A_23 = arith.mulf %add3A_22, %mul3A : vector<2000x128xf32>
    %get3A_24 = arith.constant 0 : index
    %get3A_25 = arith.constant 0 : index
    %get3A_26 = vector.load %arg5[%get3A_24, %get3A_25] : memref<1x128xf32, #tpu.memory_space<vmem>>, vector<1x128xf32>
    %add3A_27 = vector.broadcast %get3A_26 : vector<1x128xf32> to vector<2000x128xf32>
    %add3A_28 = arith.addf %mul3A_23, %add3A_27 : vector<2000x128xf32>
    %max3A = arith.constant 0.000000e+00 : f32
    %max3A_29 = vector.broadcast %max3A : f32 to vector<2000x128xf32>
    %max3A_30 = arith.maximumf %add3A_28, %max3A_29 : vector<2000x128xf32>
    %get3A_31 = arith.constant 0 : index
    %get3A_32 = arith.constant 0 : index
    %get3A_33 = vector.load %arg6[%get3A_31, %get3A_32] : memref<128x128xf32, #tpu.memory_space<vmem>>, vector<128x128xf32>
    %dot_general3A = arith.constant dense<0.000000e+00> : vector<2000x128xf32>
    %dot_general3A_34 = tpu.matmul %max3A_30, %get3A_33, %dot_general3A {dimension_numbers = #tpu.dot_dimension_numbers<[1], [0], [0], [1], [0, 0, 1, 1], [], []>, transpose_lhs_hint = false} : vector<2000x128xf32>, vector<128x128xf32>, vector<2000x128xf32> -> vector<2000x128xf32>
    %mul3A_35 = vector.broadcast %rsqrt3A : vector<2000x1xf32> to vector<2000x128xf32>
    %mul3A_36 = arith.mulf %dot_general3A_34, %mul3A_35 : vector<2000x128xf32>
    %swap3A = arith.constant 0 : index
    %swap3A_37 = arith.constant 0 : index
    %swap3A_38 = vector.load %arg7[%swap3A, %swap3A_37] : memref<2000x128xf32, #tpu.memory_space<vmem>>, vector<2000x128xf32>
    tpu.vector_store %arg7[%swap3A, %swap3A_37], %mul3A_36 {strides = array<i32>} : memref<2000x128xf32, #tpu.memory_space<vmem>>, vector<2000x128xf32>,
    return
  }
  func.func @transform_0(%arg0: i32) -> (i32, i32, i32) {
    %c0_i32 = arith.constant 0 : i32
    %c0_i32_0 = arith.constant 0 : i32
    %c0_i32_1 = arith.constant 0 : i32
    return %c0_i32, %arg0, %c0_i32_0 : i32, i32, i32
  }
  func.func @transform_1(%arg0: i32) -> (i32, i32, i32) {
    %c1_i32 = arith.constant 1 : i32
    %c0_i32 = arith.constant 0 : i32
    %c0_i32_0 = arith.constant 0 : i32
    return %c1_i32, %arg0, %c0_i32 : i32, i32, i32
  }
  func.func @transform_2(%arg0: i32) -> (i32, i32, i32) {
    %c0_i32 = arith.constant 0 : i32
    %c0_i32_0 = arith.constant 0 : i32
    %c0_i32_1 = arith.constant 0 : i32
    return %c0_i32, %arg0, %c0_i32_0 : i32, i32, i32
  }
  func.func @transform_3(%arg0: i32) -> (i32, i32, i32) {
    %c1_i32 = arith.constant 1 : i32
    %c0_i32 = arith.constant 0 : i32
    %c0_i32_0 = arith.constant 0 : i32
    return %c1_i32, %arg0, %c0_i32 : i32, i32, i32
  }
  func.func @transform_4(%arg0: i32) -> (i32, i32) {
    %c0_i32 = arith.constant 0 : i32
    %c0_i32_0 = arith.constant 0 : i32
    %c0_i32_1 = arith.constant 0 : i32
    return %c0_i32, %c0_i32_0 : i32, i32
  }
  func.func @transform_5(%arg0: i32) -> (i32, i32) {
    %c0_i32 = arith.constant 0 : i32
    %c0_i32_0 = arith.constant 0 : i32
    %c0_i32_1 = arith.constant 0 : i32
    return %c0_i32, %c0_i32_0 : i32, i32
  }
  func.func @transform_6(%arg0: i32) -> (i32, i32) {
    %c0_i32 = arith.constant 0 : i32
    %c0_i32_0 = arith.constant 0 : i32
    return %arg0, %c0_i32 : i32, i32
  }
}

module attributes {stable_mosaic.version = 14 : i64} {
  func.func @_tc3_body(%arg0: i32, %arg1: memref<1x2000x128xf32, #tpu.memory_space<vmem>>, %arg2: memref<1x2000x128xf32, #tpu.memory_space<vmem>>, %arg3: memref<1x2000x1xf32, #tpu.memory_space<vmem>>, %arg4: memref<1x2000x1xf32, #tpu.memory_space<vmem>>, %arg5: memref<1x128xf32, #tpu.memory_space<vmem>>, %arg6: memref<128x128xf32, #tpu.memory_space<vmem>>, %arg7: memref<1x128xf32, #tpu.memory_space<vmem>>, %arg8: memref<2000x128xf32, #tpu.memory_space<vmem>>) attributes {dimension_semantics = [#tpu.dimension_semantics<arbitrary>], iteration_bounds = array<i64: 5>, scalar_prefetch = 0 : i64, scratch_operands = 0 : i64, tpu.core_type = #tpu.core_type<tc>, window_params = [{transform_indices = @transform_0, window_bounds = array<i64: 1, 2000, 128>}, {transform_indices = @transform_1, window_bounds = array<i64: 1, 2000, 128>}, {transform_indices = @transform_2, window_bounds = array<i64: 1, 2000, 1>}, {transform_indices = @transform_3, window_bounds = array<i64: 1, 2000, 1>}, {pipeline_mode = #tpu.pipeline_mode<synchronous>, transform_indices = @transform_4, window_bounds = array<i64: 1, 128>}, {pipeline_mode = #tpu.pipeline_mode<synchronous>, transform_indices = @transform_5, window_bounds = array<i64: 128, 128>}, {pipeline_mode = #tpu.pipeline_mode<synchronous>, transform_indices = @transform_6, window_bounds = array<i64: 1, 128>}, {transform_indices = @transform_7, window_bounds = array<i64: 2000, 128>}]} {
    %get3A = arith.constant 0 : index
    %get3A_0 = arith.constant 0 : index
    %get3A_1 = arith.constant 0 : index
    %get3A_2 = vector.load %arg3[%get3A, %get3A_0, %get3A_1] : memref<1x2000x1xf32, #tpu.memory_space<vmem>>, vector<1x2000x1xf32>
    %get3A_3 = vector.shape_cast %get3A_2 : vector<1x2000x1xf32> to vector<2000x1xf32>
    %get3A_4 = arith.constant 0 : index
    %get3A_5 = arith.constant 0 : index
    %get3A_6 = arith.constant 0 : index
    %get3A_7 = vector.load %arg4[%get3A_4, %get3A_5, %get3A_6] : memref<1x2000x1xf32, #tpu.memory_space<vmem>>, vector<1x2000x1xf32>
    %get3A_8 = vector.shape_cast %get3A_7 : vector<1x2000x1xf32> to vector<2000x1xf32>
    %add3A = arith.addf %get3A_3, %get3A_8 : vector<2000x1xf32>
    %add3A_9 = arith.constant 1.000000e+00 : f32
    %add3A_10 = vector.broadcast %add3A_9 : f32 to vector<2000x1xf32>
    %add3A_11 = arith.addf %add3A, %add3A_10 : vector<2000x1xf32>
    %rsqrt3A = math.rsqrt %add3A_11 : vector<2000x1xf32>
    %get3A_12 = arith.constant 0 : index
    %get3A_13 = arith.constant 0 : index
    %get3A_14 = arith.constant 0 : index
    %get3A_15 = vector.load %arg1[%get3A_12, %get3A_13, %get3A_14] : memref<1x2000x128xf32, #tpu.memory_space<vmem>>, vector<1x2000x128xf32>
    %get3A_16 = vector.shape_cast %get3A_15 : vector<1x2000x128xf32> to vector<2000x128xf32>
    %get3A_17 = arith.constant 0 : index
    %get3A_18 = arith.constant 0 : index
    %get3A_19 = arith.constant 0 : index
    %get3A_20 = vector.load %arg2[%get3A_17, %get3A_18, %get3A_19] : memref<1x2000x128xf32, #tpu.memory_space<vmem>>, vector<1x2000x128xf32>
    %get3A_21 = vector.shape_cast %get3A_20 : vector<1x2000x128xf32> to vector<2000x128xf32>
    %add3A_22 = arith.addf %get3A_16, %get3A_21 : vector<2000x128xf32>
    %mul3A = vector.broadcast %rsqrt3A : vector<2000x1xf32> to vector<2000x128xf32>
    %mul3A_23 = arith.mulf %add3A_22, %mul3A : vector<2000x128xf32>
    %get3A_24 = arith.constant 0 : index
    %get3A_25 = arith.constant 0 : index
    %get3A_26 = vector.load %arg5[%get3A_24, %get3A_25] : memref<1x128xf32, #tpu.memory_space<vmem>>, vector<1x128xf32>
    %add3A_27 = vector.broadcast %get3A_26 : vector<1x128xf32> to vector<2000x128xf32>
    %add3A_28 = arith.addf %mul3A_23, %add3A_27 : vector<2000x128xf32>
    %max3A = arith.constant 0.000000e+00 : f32
    %max3A_29 = vector.broadcast %max3A : f32 to vector<2000x128xf32>
    %max3A_30 = arith.maximumf %add3A_28, %max3A_29 : vector<2000x128xf32>
    %get3A_31 = arith.constant 0 : index
    %get3A_32 = arith.constant 0 : index
    %get3A_33 = vector.load %arg6[%get3A_31, %get3A_32] : memref<128x128xf32, #tpu.memory_space<vmem>>, vector<128x128xf32>
    %dot_general3A = arith.constant dense<0.000000e+00> : vector<2000x128xf32>
    %dot_general3A_34 = tpu.matmul %max3A_30, %get3A_33, %dot_general3A {dimension_numbers = #tpu.dot_dimension_numbers<[1], [0], [0], [1], [0, 0, 1, 1], [], []>, transpose_lhs_hint = false} : vector<2000x128xf32>, vector<128x128xf32>, vector<2000x128xf32> -> vector<2000x128xf32>
    %get3A_35 = arith.constant 0 : index
    %get3A_36 = arith.constant 0 : index
    %get3A_37 = vector.load %arg7[%get3A_35, %get3A_36] : memref<1x128xf32, #tpu.memory_space<vmem>>, vector<1x128xf32>
    %add3A_38 = vector.broadcast %get3A_37 : vector<1x128xf32> to vector<2000x128xf32>
    %add3A_39 = arith.addf %dot_general3A_34, %add3A_38 : vector<2000x128xf32>
    %swap3A = arith.constant 0 : index
    %swap3A_40 = arith.constant 0 : index
    %swap3A_41 = vector.load %arg8[%swap3A, %swap3A_40] : memref<2000x128xf32, #tpu.memory_space<vmem>>, vector<2000x128xf32>
    tpu.vector_store %arg8[%swap3A, %swap3A_40], %add3A_39 {strides = array<i32>} : memref<2000x128xf32, #tpu.memory_space<vmem>>, vector<2000x128xf32>,
    return
  }
  func.func @transform_0(%arg0: i32) -> (i32, i32, i32) {
    %c0_i32 = arith.constant 0 : i32
    %c0_i32_0 = arith.constant 0 : i32
    %c0_i32_1 = arith.constant 0 : i32
    return %c0_i32, %arg0, %c0_i32_0 : i32, i32, i32
  }
  func.func @transform_1(%arg0: i32) -> (i32, i32, i32) {
    %c1_i32 = arith.constant 1 : i32
    %c0_i32 = arith.constant 0 : i32
    %c0_i32_0 = arith.constant 0 : i32
    return %c1_i32, %arg0, %c0_i32 : i32, i32, i32
  }
  func.func @transform_2(%arg0: i32) -> (i32, i32, i32) {
    %c0_i32 = arith.constant 0 : i32
    %c0_i32_0 = arith.constant 0 : i32
    %c0_i32_1 = arith.constant 0 : i32
    return %c0_i32, %arg0, %c0_i32_0 : i32, i32, i32
  }
  func.func @transform_3(%arg0: i32) -> (i32, i32, i32) {
    %c1_i32 = arith.constant 1 : i32
    %c0_i32 = arith.constant 0 : i32
    %c0_i32_0 = arith.constant 0 : i32
    return %c1_i32, %arg0, %c0_i32 : i32, i32, i32
  }
  func.func @transform_4(%arg0: i32) -> (i32, i32) {
    %c0_i32 = arith.constant 0 : i32
    %c0_i32_0 = arith.constant 0 : i32
    %c0_i32_1 = arith.constant 0 : i32
    return %c0_i32, %c0_i32_0 : i32, i32
  }
  func.func @transform_5(%arg0: i32) -> (i32, i32) {
    %c0_i32 = arith.constant 0 : i32
    %c0_i32_0 = arith.constant 0 : i32
    %c0_i32_1 = arith.constant 0 : i32
    return %c0_i32, %c0_i32_0 : i32, i32
  }
  func.func @transform_6(%arg0: i32) -> (i32, i32) {
    %c0_i32 = arith.constant 0 : i32
    %c0_i32_0 = arith.constant 0 : i32
    %c0_i32_1 = arith.constant 0 : i32
    return %c0_i32, %c0_i32_0 : i32, i32
  }
  func.func @transform_7(%arg0: i32) -> (i32, i32) {
    %c0_i32 = arith.constant 0 : i32
    %c0_i32_0 = arith.constant 0 : i32
    return %arg0, %c0_i32 : i32, i32
  }
}

</mosaic_0001>

<sc_bundles>
// kernel: kernel.11.cloned.1.call-start
scs
__scs_entry_jumppad:
0x0: {  	(pc) =	sbr.rel $0x88, $3  }
0x1: {  	(tag) =	ssettag $0x0;
	lr =	simm.s32 $0x1  }
0x2: {  	[smem:$0x3F99] =	sst lr;
	_ =	strace $0xD0000000  }
0x3: {  	_ = 	snop  }
0x4: {  	_ = 	snop  }
0x5: {  	_ = 	snop  }
0x6: {  	_ = 	snop  }
0x7: {  	_ = 	snop  }
__scs_overlays_trampoline_lowered:
0x8: {  	[smem:$0x3FA8] =	sst s0  }
0x9: {  	[smem:$0x3FA9] =	sst s1  }
0xa: {  	[smem:$0x3FAA] =	sst s2  }
0xb: {  	[smem:$0x3FAB] =	sst s3  }
0xc: {  	[smem:$0x3FAC] =	sst s4  }
0xd: {  	[smem:$0x3FAD] =	sst s5  }
0xe: {  	[smem:$0x3FAE] =	sst s6  }
0xf: {  	[smem:$0x3FAF] =	sst s7  }
0x10: {  	[smem:$0x3FB0] =	sst s8  }
0x11: {  	[smem:$0x3FB1] =	sst s9;
	s0 =	simm.s32 @!p0 $0x0  }
0x12: {  	s1 =	sld [smem:$0x3F97];
	s0 =	simm.s32 @p0 $0x1  }
0x13: {  	[smem:$0x3FB2] =	sst s0;
	s0 =	simm.s32 @!p1 $0x0  }
0x14: {  	s2 =	sld [smem:$0x3F96];
	s0 =	simm.s32 @p1 $0x1  }
0x15: {  	[smem:$0x3FB3] =	sst s0;
	s0 =	simm.s32 @!p2 $0x0  }
0x16: {  	s3 =	sld [smem:$0x3FDB];
	s0 =	simm.s32 @p2 $0x1  }
0x17: {  	s4 =	simm.s32 $0x1BF5;
	[smem:$0x3FB5] =	sst s0  }
0x18: {  	s0 =	sld [smem:$0x3F98];
	_ =	swait.ge [sflag:s4], $0x0  }
0x19: {  	s7 =	sld [smem:$0x3F99]  }
0x1a: {  	s8 =	sadd.s32 $0xFFFFE003, lr  }
0x1b: {  	s9 =	sadd.s32 $0xFFFFFEF7, lr;
	s5 =	simm.s32 $0xFFFFFFFF;
	p2 =	slt.u32 s8, $0xFFFFF086  }
0x1c: {  	p1 =	slt.u32 s9, $0xF7A;
	s5 =	simm.s32 @!p2 $0x0  }
0x1d: {  	s5 =	simm.s32 @p1 $0x1;
	p0 =	seq.s32 s7, s2  }
0x1e: {  	s7 =	smul.u32 @!p0 $0xF7A, s2;
	p2 =	seq.s32 @!p0 s5, $0x0  }
0x1f: {  	s9 =	smul.u32 $0xF7A, s1;
	s8 =	simm.s32 @!p0 $0x1BF5;
	p2 =	por !p2, p0  }
0x20: {  	[sflag:s8] =	ssyncset.s32 @!p0 $0xFFFFF086;
	s6 =	sadd.s32 @!p0 s3, s7;
	s7 =	simm.s32 @!p0 $0x108  }
0x21: {  	s3 =	sadd.s32 s3, s9;
	s6 =	sadd.s32 @!p0 $0x88, s6;
	s7 =	simm.s32 @p2 $0x1082  }
0x22: {  	[simem:s7], [sflag:s8] =	dma.local @!p0 [hbm:s6], $0xF7A  }
0x23: {  	s9 =	sor.u32 $0xD0000000, s2;
	s6 =	simm.s32 $0x108;
	_ =	swait.ge @!p0 [sflag:s8], $0x0  }
0x24: {  	s3 =	sadd.s32 $0x88, s3;
	s6 =	simm.s32 @!p1 $0x1082;
	[sflag:s4] =	ssyncset.s32 $0xFFFFF086  }
0x25: {  	[simem:s6], [sflag:s4] =	dma.local [hbm:s3], $0xF7A  }
0x26: {  	[smem:$0x3F99] =	sst s1;
	(tag) =	ssettag s2;
	_ =	strace s9  }
0x27: {  	s1 =	sld [smem:$0x3FA9]  }
0x28: {  	s2 =	sld [smem:$0x3FAA]  }
0x29: {  	s4 =	sld [smem:$0x3FAC]  }
0x2a: {  	p0 =	seq.s32 s5, $0x0;
	s5 =	sld [smem:$0x3FAD]  }
0x2b: {  	s6 =	sld [smem:$0x3FAE]  }
0x2c: {  	s7 =	sld [smem:$0x3FAF]  }
0x2d: {  	s3 =	simm.s32 $0x108;
	s8 =	sld [smem:$0x3FB0]  }
0x2e: {  	s3 =	simm.s32 @!p0 $0x1082;
	s9 =	sld [smem:$0x3FB1]  }
0x2f: {  	lr =	sadd.s32 s0, s3;
	s0 =	sld [smem:$0x3FA8]  }
0x30: {  	s3 =	sld [smem:$0x3FAB]  }
0x31: {  	[smem:$0x3FB4] =	sst s10  }
0x32: {  	s10 =	sld [smem:$0x3FB2];
	_ =	sdelay $0x3  }
0x33: {  	p0 =	seq.s32 s10, $0x1;
	s10 =	sld [smem:$0x3FB4];
	_ =	sdelay $0x3  }
0x34: {  	[smem:$0x3FB4] =	sst s10  }
0x35: {  	s10 =	sld [smem:$0x3FB3];
	_ =	sdelay $0x3  }
0x36: {  	p1 =	seq.s32 s10, $0x1;
	s10 =	sld [smem:$0x3FB4];
	_ =	sdelay $0x3  }
0x37: {  	[smem:$0x3FB4] =	sst s10  }
0x38: {  	s10 =	sld [smem:$0x3FB5]  }
0x39: {  	_ = 	snop;
	(pc) =	sbr.ind lr, $3  }
0x3a: {  	_ = 	snop  }
0x3b: {  	_ = 	snop  }
0x3c: {  	p2 =	seq.s32 s10, $0x1;
	s10 =	sld [smem:$0x3FB4]  }
0x3d: {  	_ =	shalt  }
0x3e: {  	_ =	shalt  }
0x3f: {  	_ =	shalt  }
0x40: {  	_ =	shalt  }
0x41: {  	_ =	shalt  }
0x42: {  	_ =	shalt  }
0x43: {  	_ =	shalt  }
0x44: {  	_ =	shalt  }
0x45: {  	_ =	shalt  }
0x46: {  	_ =	shalt  }
0x47: {  	_ =	shalt  }
0x48: {  	_ =	shalt  }
0x49: {  	_ =	shalt  }
0x4a: {  	_ =	shalt  }
0x4b: {  	_ =	shalt  }
0x4c: {  	_ =	shalt  }
0x4d: {  	_ =	shalt  }
0x4e: {  	_ =	shalt  }
0x4f: {  	_ =	shalt  }
0x50: {  	_ =	shalt  }
0x51: {  	_ =	shalt  }
0x52: {  	_ =	shalt  }
0x53: {  	_ =	shalt  }
0x54: {  	_ =	shalt  }
0x55: {  	_ =	shalt  }
0x56: {  	_ =	shalt  }
0x57: {  	_ =	shalt  }
0x58: {  	_ =	shalt  }
0x59: {  	_ =	shalt  }
0x5a: {  	_ =	shalt  }
0x5b: {  	_ =	shalt  }
0x5c: {  	_ =	shalt  }
0x5d: {  	_ =	shalt  }
0x5e: {  	_ =	shalt  }
0x5f: {  	_ =	shalt  }
0x60: {  	_ =	shalt  }
0x61: {  	_ =	shalt  }
0x62: {  	_ =	shalt  }
0x63: {  	_ =	shalt  }
0x64: {  	_ =	shalt  }
0x65: {  	_ =	shalt  }
0x66: {  	_ =	shalt  }
0x67: {  	_ =	shalt  }
0x68: {  	_ =	shalt  }
0x69: {  	_ =	shalt  }
0x6a: {  	_ =	shalt  }
0x6b: {  	_ =	shalt  }
0x6c: {  	_ =	shalt  }
0x6d: {  	_ =	shalt  }
0x6e: {  	_ =	shalt  }
0x6f: {  	_ =	shalt  }
0x70: {  	_ =	shalt  }
0x71: {  	_ =	shalt  }
0x72: {  	_ =	shalt  }
0x73: {  	_ =	shalt  }
0x74: {  	_ =	shalt  }
0x75: {  	_ =	shalt  }
0x76: {  	_ =	shalt  }
0x77: {  	_ =	shalt  }
0x78: {  	_ =	shalt  }
0x79: {  	_ =	shalt  }
0x7a: {  	_ =	shalt  }
0x7b: {  	_ =	shalt  }
0x7c: {  	_ =	shalt  }
0x7d: {  	_ =	shalt  }
0x7e: {  	_ =	shalt  }
0x7f: {  	_ =	shalt  }
0x80: {  	_ =	shalt  }
0x81: {  	_ =	shalt  }
0x82: {  	_ =	shalt  }
0x83: {  	_ =	shalt  }
0x84: {  	_ =	shalt  }
0x85: {  	_ =	shalt  }
0x86: {  	_ =	shalt  }
0x87: {  	_ =	shalt  }
.Lfunc_end0:
.L_simem_size_0:
called_computation.1_lowered:
.L_overlay_start_0:
0x88: {  	s2 =	sld [smem:$0x3FD9]  }
0x89: {  	s3 =	sld [smem:$0x3FFE];
	_ =	sdelay $0x1  }
0x8a: {  	s1 =	srdreg.scid  }
0x8b: {  	s0 =	sand.u32 $0x1, s1  }
0x8c: {  	s17 =	sshll.u32 s0, $0xA;
	s2 =	sadd.s32 s3, s2  }
0x8d: {  	s2 =	sadd.s32 s2, s17  }
0x8e: {  	[smem:$0x3FC0] =	sst s2  }
0x8f: {  	_ = 	snop  }
0x90: {  	s2 =	sld [smem:$0x3FD0];
	(tm) =	ssettm $0x1  }
0x91: {  	s18 =	sld [smem:$0x3FFB];
	_ =	sdelay $0x3  }
0x92: {  	_ =	strace s18  }
0x93: {  	s3 =	sld [smem:$0x3FFC];
	_ =	sdelay $0x3  }
0x94: {  	_ =	strace s3  }
0x95: {  	s3 =	sld [smem:$0x3FFD];
	_ =	sdelay $0x3  }
0x96: {  	_ =	strace s3  }
0x97: {  	_ =	strace $0x8FFFFFFF  }
0x98: {  	s19 =	sld [smem:$0x3FDB];
	_ =	sdelay $0x1  }
0x99: {  	s4 =	simm.s32 $_scs_section_size  }
0x9a: {  	s5 =	simm.s32 $_size__tile_overlayer_lowered;
	s6 =	simm.s32 $_tile_overlayer_lowered  }
0x9b: {  	s22 =	simm.s32 $0x1BFF;
	s21 =	sshll.u32 s6, $0x1;
	s3 =	sadd.s32 s4, s19  }
0x9c: {  	s7 =	simm.s32 $0x0;
	s20 =	sshll.u32 s5, $0x1;
	s5 =	sadd.s32 s21, s3  }
0x9d: {  	[timem:s7], [sflag:s22] =	dma.local [hbm:s5], s20  }
0x9e: {  	_ =	swait.ge [sflag:s22], s20  }
0x9f: {  	s4 =	ssub.s32 $0x0, s20;
	[sflag:s22] =	ssyncset.done $0x0  }
0xa0: {  	[sflag:s22] =	ssyncadd.s32 s4;
	_ =	sdelay $0x1  }
0xa1: {  	s23 =	simm.s32 $0x1B8B  }
0xa2: {  	_ =	swait.ge [sflag:s23], $0x1  }
0xa3: {  	[sflag:s23] =	ssyncset.done $0x0  }
0xa4: {  	s25 =	simm.s32 $0x1B8E;
	s24 =	sld [smem:$0x3FFE];
	[sflag:s23] =	ssyncadd.s32 $0xFFFFFFFF  }
0xa5: {  	s26 =	simm.s32 $execute0_lowered;
	[smem:$0x3FD2] =	sst s25  }
0xa6: {  	s5 =	sshll.u32 s26, $0x1;
	_ =	strace $0x80000049;
	[dreg:$0x1] =	wrdreg $0xFFFFFFFF  }
0xa7: {  	s28 =	simm.s32 $_size_execute0_lowered;
	s3 =	sadd.s32 s3, s5;
	[dreg:$0x0] =	wrdreg $0x0  }
0xa8: {  	s5 =	sshll.u32 s28, $0x1;
	[dreg:$0x2] =	wrdreg s3  }
0xa9: {  	[dreg:$0x3] =	wrdreg s5  }
0xaa: {  	[dreg:$0x4] =	wrdreg $0xC0  }
0xab: {  	_ =	task [dreg:s7], $0x5FFFF  }
0xac: {  	[dreg:$0x1] =	wrdreg $0xFFFFFFFF  }
0xad: {  	[dreg:$0x0] =	wrdreg $0x60  }
0xae: {  	[dreg:$0x2] =	wrdreg s24  }
0xaf: {  	[dreg:$0x3] =	wrdreg s2  }
0xb0: {  	[dreg:$0x4] =	wrdreg $0xAA000  }
0xb1: {  	[dreg:$0x5] =	wrdreg $0x9  }
0xb2: {  	_ =	task.clear_ibuf [dreg:s7], $0x6FFFF;
	_ =	strace $0x90000049  }
0xb3: {  	s29 =	simm.s32 $0x9;
	_ =	strace $0x8000004B  }
0xb4: {  	_ =	swait.ge [sflag:s29], $0x1  }
0xb5: {  	[sflag:s29] =	ssyncadd.s32 $0xFFFFFFFF  }
0xb6: {  	_ =	strace $0x9000004B  }
0xb7: {  	_ =	sfence  }
0xb8: {  	s30 =	sld [smem:$0x0];
	_ =	sdelay $0x2  }
0xb9: {  	s31 =	sshll.u32 s1, $0xD;
	s1 =	sshrl.u32 s1, $0x2  }
0xba: {  	s3 =	sand.u32 $0x4000, s31;
	s1 =	sadd.s32 s1, s30  }
0xbb: {  	s0 =	sor.u32 s3, s0;
	s1 =	sshll.u32 s1, $0x11  }
0xbc: {  	s0 =	sor.u32 s1, s0  }
0xbd: {  	s0 =	sadd.s32 $0x8F2B, s0  }
0xbe: {  	[sflag:s0] =	ssyncadd.remote.s32 $0x1  }
0xbf: {  	_ =	sfence.sel $0xFFFF  }
0xc0: {  	[dreg:$0x0] =	wrdreg $0xFFFFFFFF;
	(pc) =	sbr.abs _section_cstart, $3  }
0xc1: {  	[dreg:$0x1] =	wrdreg $0xFFFFFFFF  }
0xc2: {  	_ =	task.clear_ibuf [dreg:s7], $0x2FFFF;
	_ =	strace $0x9FFFFFFF  }
0xc3: {  	(tm) =	ssettm $0x7FFFFFFF  }
tec
execute0_lowered:
.L_overlay_start_1:
0x0: {  	(tag) =	ssettag $0x1  }
0x1: {  	s0 =	rddreg [dreg:$0x0]  }
0x2: {  	s2 =	rddreg [dreg:$0x2]  }
0x3: {  	s1 =	srdreg.scid;
	s4 =	simm.s32 $0x0;
	s18 =	stileid.u32  }
0x4: {  	s28 =	simm.s32 $0x1;
	s29 =	simm.s32 $0x3;
	s30 =	simm.s32 $0x2  }
0x5: {  	s31 =	simm.s32 $0x4;
	s1 =	sand.u32 $0x1, s1;
	s6 =	smul.u32 $0x14000, s18  }
0x6: {  	[smem:$0x7FF] =	sst s4;
	s5 =	sadd.s32 $0x66600, s0;
	s8 =	smul.u32 $0x278, s18  }
0x7: {  	s14 =	sadd.s32 $0x2A00, s0;
	s25 =	sshrl.u32 s18, $0x2;
	s16 =	smul.u32 $0x50000, s18  }
0x8: {  	s26 =	sshll.u32 s18, $0x8;
	s3 =	smul.u32 $0x140000, s1;
	_ =	strace $0x8000004A  }
0x9: {  	s23 =	ssub.s32 $0x2, s1;
	s10 =	smul.u32 $0x13C00, s25;
	s11 =	sshll.u32 s1, $0x7  }
0xa: {  	s12 =	sand.u32 $0x300, s26;
	p0 =	seq.s32 s1, $0x1;
	s7 =	sshrl.u32 s23, $0x1  }
0xb: {  	s24 =	smin.u32 s8, $0x2498;
	s15 =	sor.u32 s11, s12;
	s8 =	sshrl.u32 s16, $0x2  }
0xc: {  	s3 =	sadd.s32 s6, s3;
	s9 =	sshll.u32 s24, $0x7;
	s6 =	sshll.u32 s24, $0x4  }
0xd: {  	s13 =	sor.u32 s10, s15;
	s10 =	sor.u32 s12, s10;
	s3 =	sshrl.u32 s3, $0x3  }
0xe: {  	s1 =	sadd.s32 s9, s2;
	s6 =	sadd.s32 s5, s6;
	s9 =	sshrl.u32 s13, $0x3  }
0xf: {  	s20 =	sadd.s32 $0x62400, s13;
	s22 =	sor.u32 s11, s10;
	s0 =	sadd.s32 s3, s0  }
0x10: {  	s3 =	ssub.s32 s23, s7;
	[dreg:$0x4] =	wrdreg s6;
	s7 =	sadd.s32 $0x4F000, s13  }
0x11: {  	s17 =	sadd.s32 s14, s9;
	s13 =	sadd.s32 $0x62800, s13;
	s21 =	sshrl.u32 s20, $0x3  }
0x12: {  	s23 =	sadd.s32 $0x4F000, s22;
	s24 =	sadd.s32 $0x4F400, s22;
	s22 =	simm.s32 $0x2800  }
0x13: {  	s15 =	sshrl.u32 s7, $0x3;
	s7 =	sadd.s32 s8, s2;
	[dreg:$0x5] =	wrdreg s17  }
0x14: {  	s13 =	sshrl.u32 s13, $0x3;
	s10 =	sadd.s32 s14, s21;
	s12 =	sadd.s32 $0x8D800, s0  }
0x15: {  	s25 =	sshrl.u32 s23, $0x3;
	s0 =	sshrl.u32 s24, $0x3;
	s21 =	simm.s32 $0x5  }
0x16: {  	v13 =	vlaneseq.u32;
	s23 =	simm.s32 $0x2A00;
	s24 =	simm.s32 $0x2880;
	s19 =	sadd.s32 s14, s15  }
0x17: {  	v6 =	vmul.u32 $0x59, v13;
	v7 =	vor.u32 $0x2710, v13;
	v8 =	vor.u32 $0x2720, v13;
	s11 =	sadd.s32 s14, s13;
	s13 =	smax.u32 s3, $0x1;
	s26 =	sadd.s32 s25, s14  }
0x18: {  	v9 =	vor.u32 $0x2730, v13;
	v10 =	vor.u32 $0x2740, v13;
	v11 =	vor.u32 $0x2750, v13;
	s14 =	sadd.s32 s0, s14;
	s0 =	sshll.u32 @p0 s18, $0x6;
	s17 =	sshrl.u32 @p0 s7, $0x3  }
0x19: {  	v12 =	vor.u32 $0x2760, v13;
	v13 =	vor.u32 $0x2770, v13;
	v0 =	vadd.s32 $0x590, v6;
	s25 =	simm.s32 $0x80;
	[dreg:$0x6] =	wrdreg s19;
	s15 =	sadd.s32 $0x100, s26  }
0x1a: {  	v1 =	vadd.s32 $0xB20, v6;
	v2 =	vadd.s32 $0x10B0, v6;
	v3 =	vadd.s32 $0x1640, v6;
	s16 =	sor.u32 @p0 $0x1C05, s0;
	s0 =	sshll.u32 @!p0 s18, $0x6;
	s19 =	sshrl.u32 @!p0 s1, $0x3  }
0x1b: {  	v4 =	vadd.s32 $0x1BD0, v6;
	v5 =	vadd.s32 $0x2160, v6;
	v6 =	vadd.s32 $0x26F0, v6;
	s26 =	simm.s32 $0x6A00;
	s18 =	sor.u32 @!p0 $0x1C05, s0;
	s0 =	simm.s32 $0x0  }
.LBB2_1:
0x1c: {  	s1 =	rddreg [dreg:$0x1]  }
0x1d: {  	[spmem:s17], [sflag:s16] =	dma.local @p0 [hbm:s1], $0x2800  }
0x1e: {  	s1 =	simm.s32 @p0 $0x5  }
0x1f: {  	_ =	swait.ge @p0 [sflag:s1], $0x2800  }
0x20: {  	[sflag:s1] =	ssyncset.done @p0 $0x0  }
0x21: {  	[sflag:s1] =	ssyncadd.s32 @p0 $0xFFFFD800;
	s1 =	rddreg [dreg:$0x4]  }
0x22: {  	[spmem:s19], [sflag:s18] =	dma.local @!p0 [hbm:s1], $0x2780  }
0x23: {  	s1 =	simm.s32 @!p0 $0x5  }
0x24: {  	_ =	swait.ge @!p0 [sflag:s1], $0x2780  }
0x25: {  	[sflag:s1] =	ssyncset.done @!p0 $0x0  }
0x26: {  	s3 =	simm.s32 $0x400;
	s20 =	rddreg [dreg:$0x5];
	[sflag:s1] =	ssyncadd.s32 @!p0 $0xFFFFD880  }
0x27: {  	[tilespmem:s4], [sflag:$0x5] =	stream.strided.gather [hbm4b:s20+s25], $0x2780, s3, s25, $0x38;
	[tilespmem:$0x1EA00] =	vst v63  }
0x28: {  	_ =	swait.ge [sflag:s21], $0x2780  }
0x29: {  	[sflag:s21] =	ssyncset.done $0x0  }
0x2a: {  	[sflag:s21] =	ssyncadd.s32 $0xFFFFD880  }
0x2b: {  	[tilespmem:$0x2790] =	vst v0  }
0x2c: {  	[tilespmem:$0x27A0] =	vst v1  }
0x2d: {  	[tilespmem:$0x27B0] =	vst v2  }
0x2e: {  	[tilespmem:$0x27C0] =	vst v3  }
0x2f: {  	[tilespmem:$0x27D0] =	vst v4  }
0x30: {  	[tilespmem:$0x27E0] =	vst v5  }
0x31: {  	[tilespmem:$0x27F0] =	vst v6  }
0x32: {  	[tilespmem:$0x2910] =	vst v7  }
0x33: {  	[tilespmem:$0x2920] =	vst v8  }
0x34: {  	v14 =	vld [tilespmem:$0x2700];
	[tilespmem:$0x2930] =	vst v9  }
0x35: {  	[tilespmem:$0x2940] =	vst v10  }
0x36: {  	[tilespmem:$0x2950] =	vst v11  }
0x37: {  	[tilespmem:$0x2960] =	vst v12  }
0x38: {  	[tilespmem:$0x2970] =	vst v13  }
0x39: {  	[tilespmem:$0x2780] =	vst v14  }
0x3a: {  	[bflag:$0x0] =	sbarrier.arrive $0xFFFF  }
0x3b: {  	s6 =	rddreg [dreg:$0x6]  }
0x3c: {  	[tilespmem:s22], [sflag:$0x3] =	stream.linear.gather [hbm4b:s6+s4], $0x80, $0x38;
	[tilespmem:$0x1EA00] =	vst v63  }
0x3d: {  	_ = 	snop  }
0x3e: {  	[tilespmem:s23], [sflag:$0x1] =	stream.indirect.gather [hbm4b:s5+s25], $0x80, s4, s25, $0xb8;
	[tilespmem:$0x1EA00] =	vst v63  }
0x3f: {  	s8 =	sadd.s32 $0x0, s14  }
0x40: {  	[tilespmem:s24], [sflag:$0x4] =	stream.linear.gather [hbm4b:s8+s4], $0x80, $0x38;
	[tilespmem:$0x1EA00] =	vst v63  }
0x41: {  	_ = 	snop  }
0x42: {  	[tilespmem:s26], [sflag:$0x2] =	stream.indirect.gather [hbm4b:s5+s25], $0x80, s25, s25, $0xb8;
	[tilespmem:$0x1EA00] =	vst v63  }
0x43: {  	_ =	swait.ge [sflag:s28], $0x4000  }
0x44: {  	[sflag:s28] =	ssyncset.done $0x0  }
0x45: {  	[sflag:s28] =	ssyncadd.s32 $0xFFFFC000  }
0x46: {  	_ =	swait.ge [sflag:s29], $0x80  }
0x47: {  	[sflag:s29] =	ssyncset.done $0x0  }
0x48: {  	[sflag:s29] =	ssyncadd.s32 $0xFFFFFF80  }
0x49: {  	[spmem:s2] =	stream.indirect.scatter.add.f32 [tilespmem:s23], [sflag:$0x5], $0x80, s22, s25, $0xb8;
	[tilespmem:$0x1EA00] =	vst v63  }
0x4a: {  	_ =	swait.ge [sflag:s21], $0x4000  }
0x4b: {  	[sflag:s21] =	ssyncset.done $0x0  }
0x4c: {  	s9 =	sadd.s32 $0x0, s15;
	[sflag:s21] =	ssyncadd.s32 $0xFFFFC000  }
0x4d: {  	[tilespmem:s22], [sflag:$0x3] =	stream.linear.gather [hbm4b:s9+s4], $0x80, $0x38;
	[tilespmem:$0x1EA00] =	vst v63  }
0x4e: {  	s20 =	simm.s32 $0x100  }
0x4f: {  	[tilespmem:s23], [sflag:$0x1] =	stream.indirect.gather [hbm4b:s5+s25], $0x80, s20, s25, $0xb8;
	[tilespmem:$0x1EA00] =	vst v63  }
0x50: {  	_ =	swait.ge [sflag:s30], $0x4000  }
0x51: {  	[sflag:s30] =	ssyncset.done $0x0  }
0x52: {  	[sflag:s30] =	ssyncadd.s32 $0xFFFFC000  }
0x53: {  	_ =	swait.ge [sflag:s31], $0x80  }
0x54: {  	[sflag:s31] =	ssyncset.done $0x0  }
0x55: {  	[sflag:s31] =	ssyncadd.s32 $0xFFFFFF80  }
0x56: {  	[spmem:s2] =	stream.indirect.scatter.add.f32 [tilespmem:s26], [sflag:$0x5], $0x80, s24, s25, $0xb8;
	[tilespmem:$0x1EA00] =	vst v63  }
0x57: {  	s1 =	simm.s32 $0x100;
	_ =	swait.ge [sflag:s21], $0x4000  }
0x58: {  	s3 =	simm.s32 $0x180;
	s20 =	simm.s32 $0x200;
	[sflag:s21] =	ssyncset.done $0x0  }
.LBB2_2:
0x59: {  	s6 =	sadd.s32 s1, s14  }
0x5a: {  	[sflag:s21] =	ssyncadd.s32 $0xFFFFC000;
	s8 =	smov.u32 s20;
	s9 =	sadd.s32 $0x100, s20  }
0x5b: {  	[tilespmem:s24], [sflag:$0x4] =	stream.linear.gather [hbm4b:s6+s4], $0x80, $0x38;
	[tilespmem:$0x1EA00] =	vst v63  }
0x5c: {  	p1 =	sne.s32 s20, $0x2500  }
0x5d: {  	[tilespmem:s26], [sflag:$0x2] =	stream.indirect.gather [hbm4b:s5+s25], $0x80, s3, s25, $0xb8;
	[tilespmem:$0x1EA00] =	vst v63  }
0x5e: {  	_ =	swait.ge [sflag:s28], $0x4000  }
0x5f: {  	[sflag:s28] =	ssyncset.done $0x0  }
0x60: {  	[sflag:s28] =	ssyncadd.s32 $0xFFFFC000  }
0x61: {  	_ =	swait.ge [sflag:s29], $0x80  }
0x62: {  	[sflag:s29] =	ssyncset.done $0x0  }
0x63: {  	[sflag:s29] =	ssyncadd.s32 $0xFFFFFF80  }
0x64: {  	[spmem:s2] =	stream.indirect.scatter.add.f32 [tilespmem:s23], [sflag:$0x5], $0x80, s22, s25, $0xb8;
	[tilespmem:$0x1EA00] =	vst v63  }
0x65: {  	_ =	swait.ge [sflag:s21], $0x4000  }
0x66: {  	[sflag:s21] =	ssyncset.done $0x0  }
0x67: {  	s6 =	sadd.s32 s1, s15;
	s1 =	smov.u32 s8;
	[sflag:s21] =	ssyncadd.s32 $0xFFFFC000  }
0x68: {  	[tilespmem:s22], [sflag:$0x3] =	stream.linear.gather [hbm4b:s6+s4], $0x80, $0x38;
	[tilespmem:$0x1EA00] =	vst v63  }
0x69: {  	s6 =	sadd.s32 $0x80, s3  }
0x6a: {  	[tilespmem:s23], [sflag:$0x1] =	stream.indirect.gather [hbm4b:s5+s25], $0x80, s6, s25, $0xb8;
	[tilespmem:$0x1EA00] =	vst v63  }
0x6b: {  	_ =	swait.ge [sflag:s30], $0x4000  }
0x6c: {  	[sflag:s30] =	ssyncset.done $0x0  }
0x6d: {  	[sflag:s30] =	ssyncadd.s32 $0xFFFFC000  }
0x6e: {  	_ =	swait.ge [sflag:s31], $0x80  }
.Ltmp0:
0x6f: {  	[sflag:s31] =	ssyncset.done $0x0;
	(pc) =	sbr.rel @p1 .LBB2_2-.Ltmp0, $4  }
0x70: {  	[sflag:s31] =	ssyncadd.s32 $0xFFFFFF80  }
0x71: {  	[spmem:s2] =	stream.indirect.scatter.add.f32 [tilespmem:s26], [sflag:$0x5], $0x80, s24, s25, $0xb8;
	[tilespmem:$0x1EA00] =	vst v63  }
0x72: {  	_ =	swait.ge [sflag:s21], $0x4000  }
0x73: {  	s20 =	smov.u32 s9;
	s3 =	sadd.s32 $0x100, s3;
	[sflag:s21] =	ssyncset.done $0x0  }
0x74: {  	s6 =	sadd.s32 s1, s14;
	[sflag:s21] =	ssyncadd.s32 $0xFFFFC000  }
0x75: {  	[tilespmem:s24], [sflag:$0x4] =	stream.linear.gather [hbm4b:s6+s4], $0x80, $0x38;
	[tilespmem:$0x1EA00] =	vst v63  }
0x76: {  	_ = 	snop  }
0x77: {  	[tilespmem:s26], [sflag:$0x2] =	stream.indirect.gather [hbm4b:s5+s25], $0x80, s3, s25, $0xb8;
	[tilespmem:$0x1EA00] =	vst v63  }
0x78: {  	_ =	swait.ge [sflag:s28], $0x4000  }
0x79: {  	[sflag:s28] =	ssyncset.done $0x0  }
0x7a: {  	[sflag:s28] =	ssyncadd.s32 $0xFFFFC000  }
0x7b: {  	_ =	swait.ge [sflag:s29], $0x80  }
0x7c: {  	[sflag:s29] =	ssyncset.done $0x0  }
0x7d: {  	[sflag:s29] =	ssyncadd.s32 $0xFFFFFF80  }
0x7e: {  	[spmem:s2] =	stream.indirect.scatter.add.f32 [tilespmem:s23], [sflag:$0x5], $0x80, s22, s25, $0xb8;
	[tilespmem:$0x1EA00] =	vst v63  }
0x7f: {  	_ =	swait.ge [sflag:s21], $0x4000  }
0x80: {  	[sflag:s21] =	ssyncset.done $0x0  }
0x81: {  	s8 =	sadd.s32 s1, s15;
	[sflag:s21] =	ssyncadd.s32 $0xFFFFC000  }
0x82: {  	[tilespmem:s22], [sflag:$0x3] =	stream.linear.gather [hbm4b:s8+s4], $0x80, $0x38;
	[tilespmem:$0x1EA00] =	vst v63  }
0x83: {  	s9 =	sadd.s32 $0x80, s3  }
0x84: {  	[tilespmem:s23], [sflag:$0x1] =	stream.indirect.gather [hbm4b:s5+s25], $0x80, s9, s25, $0xb8;
	[tilespmem:$0x1EA00] =	vst v63  }
0x85: {  	_ =	swait.ge [sflag:s30], $0x4000  }
0x86: {  	[sflag:s30] =	ssyncset.done $0x0  }
0x87: {  	[sflag:s30] =	ssyncadd.s32 $0xFFFFC000  }
0x88: {  	_ =	swait.ge [sflag:s31], $0x80  }
0x89: {  	[sflag:s31] =	ssyncset.done $0x0  }
0x8a: {  	[sflag:s31] =	ssyncadd.s32 $0xFFFFFF80  }
0x8b: {  	[spmem:s2] =	stream.indirect.scatter.add.f32 [tilespmem:s26], [sflag:$0x5], $0x80, s24, s25, $0xb8;
	[tilespmem:$0x1EA00] =	vst v63  }
0x8c: {  	_ =	swait.ge [sflag:s21], $0x4000  }
0x8d: {  	[sflag:s21] =	ssyncset.done $0x0  }
0x8e: {  	[sflag:s21] =	ssyncadd.s32 $0xFFFFC000  }
0x8f: {  	[tilespmem:s24], [sflag:$0x4] =	stream.linear.gather [hbm4b:s10+s4], $0x80, $0x38;
	[tilespmem:$0x1EA00] =	vst v63  }
0x90: {  	s20 =	simm.s32 $0x2680  }
0x91: {  	[tilespmem:s26], [sflag:$0x2] =	stream.indirect.gather [hbm4b:s5+s25], $0x80, s20, s25, $0xb8;
	[tilespmem:$0x1EA00] =	vst v63  }
0x92: {  	_ =	swait.ge [sflag:s28], $0x4000  }
0x93: {  	[sflag:s28] =	ssyncset.done $0x0  }
0x94: {  	[sflag:s28] =	ssyncadd.s32 $0xFFFFC000  }
0x95: {  	_ =	swait.ge [sflag:s29], $0x80  }
0x96: {  	[sflag:s29] =	ssyncset.done $0x0  }
0x97: {  	[sflag:s29] =	ssyncadd.s32 $0xFFFFFF80  }
0x98: {  	[spmem:s2] =	stream.indirect.scatter.add.f32 [tilespmem:s23], [sflag:$0x5], $0x80, s22, s25, $0xb8;
	[tilespmem:$0x1EA00] =	vst v63  }
0x99: {  	_ =	swait.ge [sflag:s21], $0x4000  }
0x9a: {  	[sflag:s21] =	ssyncset.done $0x0  }
0x9b: {  	s3 =	simm.s32 $0x2780;
	[sflag:s21] =	ssyncadd.s32 $0xFFFFC000  }
0x9c: {  	[tilespmem:s23], [sflag:$0x1] =	stream.indirect.gather [hbm4b:s5+s25], $0x80, s3, s25, $0xb8;
	[tilespmem:$0x1EA00] =	vst v63  }
0x9d: {  	s6 =	simm.s32 $0x2980  }
0x9e: {  	[tilespmem:s6], [sflag:$0x3] =	stream.linear.gather [hbm4b:s11+s4], $0x80, $0x38;
	[tilespmem:$0x1EA00] =	vst v63  }
0x9f: {  	_ =	swait.ge [sflag:s30], $0x4000  }
0xa0: {  	[sflag:s30] =	ssyncset.done $0x0  }
0xa1: {  	[sflag:s30] =	ssyncadd.s32 $0xFFFFC000  }
0xa2: {  	_ =	swait.ge [sflag:s31], $0x80  }
0xa3: {  	[sflag:s31] =	ssyncset.done $0x0  }
0xa4: {  	[sflag:s31] =	ssyncadd.s32 $0xFFFFFF80  }
0xa5: {  	[spmem:s2] =	stream.indirect.scatter.add.f32 [tilespmem:s26], [sflag:$0x5], $0x80, s24, s25, $0xb8;
	[tilespmem:$0x1EA00] =	vst v63  }
0xa6: {  	_ =	swait.ge [sflag:s21], $0x4000  }
0xa7: {  	[sflag:s21] =	ssyncset.done $0x0  }
0xa8: {  	[sflag:s21] =	ssyncadd.s32 $0xFFFFC000  }
0xa9: {  	_ =	swait.ge [sflag:s28], $0x4000  }
0xaa: {  	[sflag:s28] =	ssyncset.done $0x0  }
0xab: {  	[sflag:s28] =	ssyncadd.s32 $0xFFFFC000  }
0xac: {  	_ =	swait.ge [sflag:s29], $0x80  }
0xad: {  	[sflag:s29] =	ssyncset.done $0x0  }
0xae: {  	[sflag:s29] =	ssyncadd.s32 $0xFFFFFF80  }
0xaf: {  	v14 =	vld [tilespmem:$0x2980];
	_ =	sdelay $0x4  }
0xb0: {  	s8 =	simm.s32 $0x2900;
	[tilespmem:$0x2900] =	vst v14  }
0xb1: {  	[spmem:s2] =	stream.indirect.scatter.add.f32 [tilespmem:s23], [sflag:$0x5], $0x80, s8, s25, $0xb8;
	[tilespmem:$0x1EA00] =	vst v63  }
0xb2: {  	s9 =	stileid.u32;
	_ =	swait.ge [sflag:s21], $0x4000  }
0xb3: {  	s0 =	sadd.s32 $0x1, s0;
	s1 =	sshll.u32 s9, $0x6;
	[sflag:s21] =	ssyncset.done $0x0  }
0xb4: {  	p1 =	sne.s32 s0, s13;
	s1 =	sor.u32 $0x1C05, s1;
	[sflag:s21] =	ssyncadd.s32 $0xFFFFC000  }
.Ltmp1:
0xb5: {  	s20 =	sshrl.u32 s7, $0x3;
	[bflag:$0x0] =	sbarrier.arrive $0xFFFF;
	(pc) =	sbr.rel @p1 .LBB2_1-.Ltmp1, $4  }
0xb6: {  	[hbm:s12], [sflag:s1] =	dma.local [spmem:s20], $0x2800  }
0xb7: {  	_ =	swait.ge [sflag:s21], $0x2800  }
0xb8: {  	[sflag:s21] =	ssyncset.done $0x0  }
0xb9: {  	[sflag:s21] =	ssyncadd.s32 $0xFFFFD800  }
0xba: {  	_ =	sfence.sel $0x180000  }
0xbb: {  	[bflag:$0x0] =	sbarrier.arrive $0xFFFF  }
0xbc: {  	_ =	strace $0x9000004A  }
0xbd: {  	s0 =	stileid.u32;
	[bflag:$0x2] =	sbarrier.arrive $0xFFFF  }
0xbe: {  	p0 =	sne.s32 s0, $0x0;
	s0 =	rddreg [dreg:$0x3]  }
0xbf: {  	s0 =	sadd.s32 @!p0 $0x100000, s0  }
0xc0: {  	[sflag:s0] =	ssyncadd.tile.s32 @!p0 $0x1;
	_ =	shalt  }
.Lfunc_end2:
_tile_overlayer_lowered:
.L_overlay_start_2:
0xc1: {  	(tag) =	ssettag $0x2  }
0xc2: {  	s0 =	rddreg [dreg:$0x0];
	s2 =	stileid.u32  }
0xc3: {  	s1 =	rddreg [dreg:$0x1];
	p0 =	sne.s32 s2, $0x0  }
0xc4: {  	s3 =	rddreg [dreg:$0x2];
	[bflag:$0x3] =	sbarrier.arrive $0xFFFF;
	s2 =	simm.s32 @!p0 $0x1C05  }
0xc5: {  	[timem:s3], [sflag:s2] =	dma.local @!p0 [hbm:s0], s1  }
0xc6: {  	s0 =	simm.s32 @!p0 $0x5  }
0xc7: {  	_ =	swait.ge @!p0 [sflag:s0], s1  }
0xc8: {  	s1 =	ssub.s32 @!p0 $0x0, s1;
	[sflag:s0] =	ssyncset.done @!p0 $0x0  }
0xc9: {  	[sflag:s0] =	ssyncadd.s32 @!p0 s1  }
0xca: {  	[bflag:$0x3] =	sbarrier.arrive $0xFFFF  }
0xcb: {  	_ =	shalt  }

// kernel: kernel.14.cloned.1.call-start
scs
__scs_entry_jumppad:
0x0: {  	(pc) =	sbr.rel $0x88, $3  }
0x1: {  	(tag) =	ssettag $0x0;
	lr =	simm.s32 $0x1  }
0x2: {  	[smem:$0x3F99] =	sst lr;
	_ =	strace $0xD0000000  }
0x3: {  	_ = 	snop  }
0x4: {  	_ = 	snop  }
0x5: {  	_ = 	snop  }
0x6: {  	_ = 	snop  }
0x7: {  	_ = 	snop  }
__scs_overlays_trampoline_lowered:
0x8: {  	[smem:$0x3FA8] =	sst s0  }
0x9: {  	[smem:$0x3FA9] =	sst s1  }
0xa: {  	[smem:$0x3FAA] =	sst s2  }
0xb: {  	[smem:$0x3FAB] =	sst s3  }
0xc: {  	[smem:$0x3FAC] =	sst s4  }
0xd: {  	[smem:$0x3FAD] =	sst s5  }
0xe: {  	[smem:$0x3FAE] =	sst s6  }
0xf: {  	[smem:$0x3FAF] =	sst s7  }
0x10: {  	[smem:$0x3FB0] =	sst s8  }
0x11: {  	[smem:$0x3FB1] =	sst s9;
	s0 =	simm.s32 @!p0 $0x0  }
0x12: {  	s1 =	sld [smem:$0x3F97];
	s0 =	simm.s32 @p0 $0x1  }
0x13: {  	[smem:$0x3FB2] =	sst s0;
	s0 =	simm.s32 @!p1 $0x0  }
0x14: {  	s2 =	sld [smem:$0x3F96];
	s0 =	simm.s32 @p1 $0x1  }
0x15: {  	[smem:$0x3FB3] =	sst s0;
	s0 =	simm.s32 @!p2 $0x0  }
0x16: {  	s3 =	sld [smem:$0x3FDB];
	s0 =	simm.s32 @p2 $0x1  }
0x17: {  	s4 =	simm.s32 $0x1BF5;
	[smem:$0x3FB5] =	sst s0  }
0x18: {  	s0 =	sld [smem:$0x3F98];
	_ =	swait.ge [sflag:s4], $0x0  }
0x19: {  	s7 =	sld [smem:$0x3F99]  }
0x1a: {  	s8 =	sadd.s32 $0xFFFFE003, lr  }
0x1b: {  	s9 =	sadd.s32 $0xFFFFFEF7, lr;
	s5 =	simm.s32 $0xFFFFFFFF;
	p2 =	slt.u32 s8, $0xFFFFF086  }
0x1c: {  	p1 =	slt.u32 s9, $0xF7A;
	s5 =	simm.s32 @!p2 $0x0  }
0x1d: {  	s5 =	simm.s32 @p1 $0x1;
	p0 =	seq.s32 s7, s2  }
0x1e: {  	s7 =	smul.u32 @!p0 $0xF7A, s2;
	p2 =	seq.s32 @!p0 s5, $0x0  }
0x1f: {  	s9 =	smul.u32 $0xF7A, s1;
	s8 =	simm.s32 @!p0 $0x1BF5;
	p2 =	por !p2, p0  }
0x20: {  	[sflag:s8] =	ssyncset.s32 @!p0 $0xFFFFF086;
	s6 =	sadd.s32 @!p0 s3, s7;
	s7 =	simm.s32 @!p0 $0x108  }
0x21: {  	s3 =	sadd.s32 s3, s9;
	s6 =	sadd.s32 @!p0 $0x88, s6;
	s7 =	simm.s32 @p2 $0x1082  }
0x22: {  	[simem:s7], [sflag:s8] =	dma.local @!p0 [hbm:s6], $0xF7A  }
0x23: {  	s9 =	sor.u32 $0xD0000000, s2;
	s6 =	simm.s32 $0x108;
	_ =	swait.ge @!p0 [sflag:s8], $0x0  }
0x24: {  	s3 =	sadd.s32 $0x88, s3;
	s6 =	simm.s32 @!p1 $0x1082;
	[sflag:s4] =	ssyncset.s32 $0xFFFFF086  }
0x25: {  	[simem:s6], [sflag:s4] =	dma.local [hbm:s3], $0xF7A  }
0x26: {  	[smem:$0x3F99] =	sst s1;
	(tag) =	ssettag s2;
	_ =	strace s9  }
0x27: {  	s1 =	sld [smem:$0x3FA9]  }
0x28: {  	s2 =	sld [smem:$0x3FAA]  }
0x29: {  	s4 =	sld [smem:$0x3FAC]  }
0x2a: {  	p0 =	seq.s32 s5, $0x0;
	s5 =	sld [smem:$0x3FAD]  }
0x2b: {  	s6 =	sld [smem:$0x3FAE]  }
0x2c: {  	s7 =	sld [smem:$0x3FAF]  }
0x2d: {  	s3 =	simm.s32 $0x108;
	s8 =	sld [smem:$0x3FB0]  }
0x2e: {  	s3 =	simm.s32 @!p0 $0x1082;
	s9 =	sld [smem:$0x3FB1]  }
0x2f: {  	lr =	sadd.s32 s0, s3;
	s0 =	sld [smem:$0x3FA8]  }
0x30: {  	s3 =	sld [smem:$0x3FAB]  }
0x31: {  	[smem:$0x3FB4] =	sst s10  }
0x32: {  	s10 =	sld [smem:$0x3FB2];
	_ =	sdelay $0x3  }
0x33: {  	p0 =	seq.s32 s10, $0x1;
	s10 =	sld [smem:$0x3FB4];
	_ =	sdelay $0x3  }
0x34: {  	[smem:$0x3FB4] =	sst s10  }
0x35: {  	s10 =	sld [smem:$0x3FB3];
	_ =	sdelay $0x3  }
0x36: {  	p1 =	seq.s32 s10, $0x1;
	s10 =	sld [smem:$0x3FB4];
	_ =	sdelay $0x3  }
0x37: {  	[smem:$0x3FB4] =	sst s10  }
0x38: {  	s10 =	sld [smem:$0x3FB5]  }
0x39: {  	_ = 	snop;
	(pc) =	sbr.ind lr, $3  }
0x3a: {  	_ = 	snop  }
0x3b: {  	_ = 	snop  }
0x3c: {  	p2 =	seq.s32 s10, $0x1;
	s10 =	sld [smem:$0x3FB4]  }
0x3d: {  	_ =	shalt  }
0x3e: {  	_ =	shalt  }
0x3f: {  	_ =	shalt  }
0x40: {  	_ =	shalt  }
0x41: {  	_ =	shalt  }
0x42: {  	_ =	shalt  }
0x43: {  	_ =	shalt  }
0x44: {  	_ =	shalt  }
0x45: {  	_ =	shalt  }
0x46: {  	_ =	shalt  }
0x47: {  	_ =	shalt  }
0x48: {  	_ =	shalt  }
0x49: {  	_ =	shalt  }
0x4a: {  	_ =	shalt  }
0x4b: {  	_ =	shalt  }
0x4c: {  	_ =	shalt  }
0x4d: {  	_ =	shalt  }
0x4e: {  	_ =	shalt  }
0x4f: {  	_ =	shalt  }
0x50: {  	_ =	shalt  }
0x51: {  	_ =	shalt  }
0x52: {  	_ =	shalt  }
0x53: {  	_ =	shalt  }
0x54: {  	_ =	shalt  }
0x55: {  	_ =	shalt  }
0x56: {  	_ =	shalt  }
0x57: {  	_ =	shalt  }
0x58: {  	_ =	shalt  }
0x59: {  	_ =	shalt  }
0x5a: {  	_ =	shalt  }
0x5b: {  	_ =	shalt  }
0x5c: {  	_ =	shalt  }
0x5d: {  	_ =	shalt  }
0x5e: {  	_ =	shalt  }
0x5f: {  	_ =	shalt  }
0x60: {  	_ =	shalt  }
0x61: {  	_ =	shalt  }
0x62: {  	_ =	shalt  }
0x63: {  	_ =	shalt  }
0x64: {  	_ =	shalt  }
0x65: {  	_ =	shalt  }
0x66: {  	_ =	shalt  }
0x67: {  	_ =	shalt  }
0x68: {  	_ =	shalt  }
0x69: {  	_ =	shalt  }
0x6a: {  	_ =	shalt  }
0x6b: {  	_ =	shalt  }
0x6c: {  	_ =	shalt  }
0x6d: {  	_ =	shalt  }
0x6e: {  	_ =	shalt  }
0x6f: {  	_ =	shalt  }
0x70: {  	_ =	shalt  }
0x71: {  	_ =	shalt  }
0x72: {  	_ =	shalt  }
0x73: {  	_ =	shalt  }
0x74: {  	_ =	shalt  }
0x75: {  	_ =	shalt  }
0x76: {  	_ =	shalt  }
0x77: {  	_ =	shalt  }
0x78: {  	_ =	shalt  }
0x79: {  	_ =	shalt  }
0x7a: {  	_ =	shalt  }
0x7b: {  	_ =	shalt  }
0x7c: {  	_ =	shalt  }
0x7d: {  	_ =	shalt  }
0x7e: {  	_ =	shalt  }
0x7f: {  	_ =	shalt  }
0x80: {  	_ =	shalt  }
0x81: {  	_ =	shalt  }
0x82: {  	_ =	shalt  }
0x83: {  	_ =	shalt  }
0x84: {  	_ =	shalt  }
0x85: {  	_ =	shalt  }
0x86: {  	_ =	shalt  }
0x87: {  	_ =	shalt  }
.Lfunc_end0:
.L_simem_size_0:
called_computation.2_lowered:
.L_overlay_start_0:
0x88: {  	s2 =	sld [smem:$0x3FD9]  }
0x89: {  	s3 =	sld [smem:$0x3FFE];
	_ =	sdelay $0x1  }
0x8a: {  	s1 =	srdreg.scid  }
0x8b: {  	s0 =	sand.u32 $0x1, s1  }
0x8c: {  	s17 =	sshll.u32 s0, $0xA;
	s2 =	sadd.s32 s3, s2  }
0x8d: {  	s2 =	sadd.s32 s2, s17  }
0x8e: {  	[smem:$0x3FC0] =	sst s2  }
0x8f: {  	_ = 	snop  }
0x90: {  	s2 =	sld [smem:$0x3FD0];
	(tm) =	ssettm $0x1  }
0x91: {  	s18 =	sld [smem:$0x3FFB];
	_ =	sdelay $0x3  }
0x92: {  	_ =	strace s18  }
0x93: {  	s3 =	sld [smem:$0x3FFC];
	_ =	sdelay $0x3  }
0x94: {  	_ =	strace s3  }
0x95: {  	s3 =	sld [smem:$0x3FFD];
	_ =	sdelay $0x3  }
0x96: {  	_ =	strace s3  }
0x97: {  	_ =	strace $0x8FFFFFFF  }
0x98: {  	s19 =	sld [smem:$0x3FDB];
	_ =	sdelay $0x1  }
0x99: {  	s4 =	simm.s32 $_scs_section_size  }
0x9a: {  	s5 =	simm.s32 $_size__tile_overlayer_lowered;
	s6 =	simm.s32 $_tile_overlayer_lowered  }
0x9b: {  	s22 =	simm.s32 $0x1BFF;
	s21 =	sshll.u32 s6, $0x1;
	s3 =	sadd.s32 s4, s19  }
0x9c: {  	s7 =	simm.s32 $0x0;
	s20 =	sshll.u32 s5, $0x1;
	s5 =	sadd.s32 s21, s3  }
0x9d: {  	[timem:s7], [sflag:s22] =	dma.local [hbm:s5], s20  }
0x9e: {  	_ =	swait.ge [sflag:s22], s20  }
0x9f: {  	s4 =	ssub.s32 $0x0, s20;
	[sflag:s22] =	ssyncset.done $0x0  }
0xa0: {  	[sflag:s22] =	ssyncadd.s32 s4;
	_ =	sdelay $0x1  }
0xa1: {  	s23 =	simm.s32 $0x1B8B  }
0xa2: {  	_ =	swait.ge [sflag:s23], $0x1  }
0xa3: {  	[sflag:s23] =	ssyncset.done $0x0  }
0xa4: {  	s25 =	simm.s32 $0x1B8E;
	s24 =	sld [smem:$0x3FFE];
	[sflag:s23] =	ssyncadd.s32 $0xFFFFFFFF  }
0xa5: {  	s26 =	simm.s32 $execute0_lowered;
	[smem:$0x3FD2] =	sst s25  }
0xa6: {  	s5 =	sshll.u32 s26, $0x1;
	_ =	strace $0x8000004C;
	[dreg:$0x1] =	wrdreg $0xFFFFFFFF  }
0xa7: {  	s28 =	simm.s32 $_size_execute0_lowered;
	s3 =	sadd.s32 s3, s5;
	[dreg:$0x0] =	wrdreg $0x0  }
0xa8: {  	s5 =	sshll.u32 s28, $0x1;
	[dreg:$0x2] =	wrdreg s3  }
0xa9: {  	[dreg:$0x3] =	wrdreg s5  }
0xaa: {  	[dreg:$0x4] =	wrdreg $0xC0  }
0xab: {  	_ =	task [dreg:s7], $0x5FFFF  }
0xac: {  	[dreg:$0x1] =	wrdreg $0xFFFFFFFF  }
0xad: {  	[dreg:$0x0] =	wrdreg $0x60  }
0xae: {  	[dreg:$0x2] =	wrdreg s24  }
0xaf: {  	[dreg:$0x3] =	wrdreg s2  }
0xb0: {  	[dreg:$0x4] =	wrdreg $0xAA000  }
0xb1: {  	[dreg:$0x5] =	wrdreg $0x9  }
0xb2: {  	_ =	task.clear_ibuf [dreg:s7], $0x6FFFF;
	_ =	strace $0x9000004C  }
0xb3: {  	s29 =	simm.s32 $0x9;
	_ =	strace $0x8000004E  }
0xb4: {  	_ =	swait.ge [sflag:s29], $0x1  }
0xb5: {  	[sflag:s29] =	ssyncadd.s32 $0xFFFFFFFF  }
0xb6: {  	_ =	strace $0x9000004E  }
0xb7: {  	_ =	sfence  }
0xb8: {  	s30 =	sld [smem:$0x0];
	_ =	sdelay $0x2  }
0xb9: {  	s31 =	sshll.u32 s1, $0xD;
	s1 =	sshrl.u32 s1, $0x2  }
0xba: {  	s3 =	sand.u32 $0x4000, s31;
	s1 =	sadd.s32 s1, s30  }
0xbb: {  	s0 =	sor.u32 s3, s0;
	s1 =	sshll.u32 s1, $0x11  }
0xbc: {  	s0 =	sor.u32 s1, s0  }
0xbd: {  	s0 =	sadd.s32 $0x8F2B, s0  }
0xbe: {  	[sflag:s0] =	ssyncadd.remote.s32 $0x1  }
0xbf: {  	_ =	sfence.sel $0xFFFF  }
0xc0: {  	[dreg:$0x0] =	wrdreg $0xFFFFFFFF;
	(pc) =	sbr.abs _section_cstart, $3  }
0xc1: {  	[dreg:$0x1] =	wrdreg $0xFFFFFFFF  }
0xc2: {  	_ =	task.clear_ibuf [dreg:s7], $0x2FFFF;
	_ =	strace $0x9FFFFFFF  }
0xc3: {  	(tm) =	ssettm $0x7FFFFFFF  }
tec
execute0_lowered:
.L_overlay_start_1:
0x0: {  	(tag) =	ssettag $0x1  }
0x1: {  	s0 =	rddreg [dreg:$0x0]  }
0x2: {  	s2 =	rddreg [dreg:$0x2]  }
0x3: {  	s1 =	srdreg.scid;
	s4 =	simm.s32 $0x0;
	s18 =	stileid.u32  }
0x4: {  	s28 =	simm.s32 $0x1;
	s29 =	simm.s32 $0x3;
	s30 =	simm.s32 $0x2  }
0x5: {  	s31 =	simm.s32 $0x4;
	s1 =	sand.u32 $0x1, s1;
	s6 =	smul.u32 $0x14000, s18  }
0x6: {  	[smem:$0x7FF] =	sst s4;
	s5 =	sadd.s32 $0x66600, s0;
	s8 =	smul.u32 $0x278, s18  }
0x7: {  	s14 =	sadd.s32 $0x2A00, s0;
	s25 =	sshrl.u32 s18, $0x2;
	s16 =	smul.u32 $0x50000, s18  }
0x8: {  	s26 =	sshll.u32 s18, $0x8;
	s3 =	smul.u32 $0x140000, s1;
	_ =	strace $0x8000004D  }
0x9: {  	s23 =	ssub.s32 $0x2, s1;
	s10 =	smul.u32 $0x13C00, s25;
	s11 =	sshll.u32 s1, $0x7  }
0xa: {  	s12 =	sand.u32 $0x300, s26;
	p0 =	seq.s32 s1, $0x1;
	s7 =	sshrl.u32 s23, $0x1  }
0xb: {  	s24 =	smin.u32 s8, $0x2498;
	s15 =	sor.u32 s11, s12;
	s8 =	sshrl.u32 s16, $0x2  }
0xc: {  	s3 =	sadd.s32 s6, s3;
	s9 =	sshll.u32 s24, $0x7;
	s6 =	sshll.u32 s24, $0x4  }
0xd: {  	s13 =	sor.u32 s10, s15;
	s10 =	sor.u32 s12, s10;
	s3 =	sshrl.u32 s3, $0x3  }
0xe: {  	s1 =	sadd.s32 s9, s2;
	s6 =	sadd.s32 s5, s6;
	s9 =	sshrl.u32 s13, $0x3  }
0xf: {  	s20 =	sadd.s32 $0x62400, s13;
	s22 =	sor.u32 s11, s10;
	s0 =	sadd.s32 s3, s0  }
0x10: {  	s3 =	ssub.s32 s23, s7;
	[dreg:$0x4] =	wrdreg s6;
	s7 =	sadd.s32 $0x4F000, s13  }
0x11: {  	s17 =	sadd.s32 s14, s9;
	s13 =	sadd.s32 $0x62800, s13;
	s21 =	sshrl.u32 s20, $0x3  }
0x12: {  	s23 =	sadd.s32 $0x4F000, s22;
	s24 =	sadd.s32 $0x4F400, s22;
	s22 =	simm.s32 $0x2800  }
0x13: {  	s15 =	sshrl.u32 s7, $0x3;
	s7 =	sadd.s32 s8, s2;
	[dreg:$0x5] =	wrdreg s17  }
0x14: {  	s13 =	sshrl.u32 s13, $0x3;
	s10 =	sadd.s32 s14, s21;
	s12 =	sadd.s32 $0x8D800, s0  }
0x15: {  	s25 =	sshrl.u32 s23, $0x3;
	s0 =	sshrl.u32 s24, $0x3;
	s21 =	simm.s32 $0x5  }
0x16: {  	v13 =	vlaneseq.u32;
	s23 =	simm.s32 $0x2A00;
	s24 =	simm.s32 $0x2880;
	s19 =	sadd.s32 s14, s15  }
0x17: {  	v6 =	vmul.u32 $0x59, v13;
	v7 =	vor.u32 $0x2710, v13;
	v8 =	vor.u32 $0x2720, v13;
	s11 =	sadd.s32 s14, s13;
	s13 =	smax.u32 s3, $0x1;
	s26 =	sadd.s32 s25, s14  }
0x18: {  	v9 =	vor.u32 $0x2730, v13;
	v10 =	vor.u32 $0x2740, v13;
	v11 =	vor.u32 $0x2750, v13;
	s14 =	sadd.s32 s0, s14;
	s0 =	sshll.u32 @p0 s18, $0x6;
	s17 =	sshrl.u32 @p0 s7, $0x3  }
0x19: {  	v12 =	vor.u32 $0x2760, v13;
	v13 =	vor.u32 $0x2770, v13;
	v0 =	vadd.s32 $0x590, v6;
	s25 =	simm.s32 $0x80;
	[dreg:$0x6] =	wrdreg s19;
	s15 =	sadd.s32 $0x100, s26  }
0x1a: {  	v1 =	vadd.s32 $0xB20, v6;
	v2 =	vadd.s32 $0x10B0, v6;
	v3 =	vadd.s32 $0x1640, v6;
	s16 =	sor.u32 @p0 $0x1C05, s0;
	s0 =	sshll.u32 @!p0 s18, $0x6;
	s19 =	sshrl.u32 @!p0 s1, $0x3  }
0x1b: {  	v4 =	vadd.s32 $0x1BD0, v6;
	v5 =	vadd.s32 $0x2160, v6;
	v6 =	vadd.s32 $0x26F0, v6;
	s26 =	simm.s32 $0x6A00;
	s18 =	sor.u32 @!p0 $0x1C05, s0;
	s0 =	simm.s32 $0x0  }
.LBB2_1:
0x1c: {  	s1 =	rddreg [dreg:$0x1]  }
0x1d: {  	[spmem:s17], [sflag:s16] =	dma.local @p0 [hbm:s1], $0x2800  }
0x1e: {  	s1 =	simm.s32 @p0 $0x5  }
0x1f: {  	_ =	swait.ge @p0 [sflag:s1], $0x2800  }
0x20: {  	[sflag:s1] =	ssyncset.done @p0 $0x0  }
0x21: {  	[sflag:s1] =	ssyncadd.s32 @p0 $0xFFFFD800;
	s1 =	rddreg [dreg:$0x4]  }
0x22: {  	[spmem:s19], [sflag:s18] =	dma.local @!p0 [hbm:s1], $0x2780  }
0x23: {  	s1 =	simm.s32 @!p0 $0x5  }
0x24: {  	_ =	swait.ge @!p0 [sflag:s1], $0x2780  }
0x25: {  	[sflag:s1] =	ssyncset.done @!p0 $0x0  }
0x26: {  	s3 =	simm.s32 $0x400;
	s20 =	rddreg [dreg:$0x5];
	[sflag:s1] =	ssyncadd.s32 @!p0 $0xFFFFD880  }
0x27: {  	[tilespmem:s4], [sflag:$0x5] =	stream.strided.gather [hbm4b:s20+s25], $0x2780, s3, s25, $0x38;
	[tilespmem:$0x1EA00] =	vst v63  }
0x28: {  	_ =	swait.ge [sflag:s21], $0x2780  }
0x29: {  	[sflag:s21] =	ssyncset.done $0x0  }
0x2a: {  	[sflag:s21] =	ssyncadd.s32 $0xFFFFD880  }
0x2b: {  	[tilespmem:$0x2790] =	vst v0  }
0x2c: {  	[tilespmem:$0x27A0] =	vst v1  }
0x2d: {  	[tilespmem:$0x27B0] =	vst v2  }
0x2e: {  	[tilespmem:$0x27C0] =	vst v3  }
0x2f: {  	[tilespmem:$0x27D0] =	vst v4  }
0x30: {  	[tilespmem:$0x27E0] =	vst v5  }
0x31: {  	[tilespmem:$0x27F0] =	vst v6  }
0x32: {  	[tilespmem:$0x2910] =	vst v7  }
0x33: {  	[tilespmem:$0x2920] =	vst v8  }
0x34: {  	v14 =	vld [tilespmem:$0x2700];
	[tilespmem:$0x2930] =	vst v9  }
0x35: {  	[tilespmem:$0x2940] =	vst v10  }
0x36: {  	[tilespmem:$0x2950] =	vst v11  }
0x37: {  	[tilespmem:$0x2960] =	vst v12  }
0x38: {  	[tilespmem:$0x2970] =	vst v13  }
0x39: {  	[tilespmem:$0x2780] =	vst v14  }
0x3a: {  	[bflag:$0x0] =	sbarrier.arrive $0xFFFF  }
0x3b: {  	s6 =	rddreg [dreg:$0x6]  }
0x3c: {  	[tilespmem:s22], [sflag:$0x3] =	stream.linear.gather [hbm4b:s6+s4], $0x80, $0x38;
	[tilespmem:$0x1EA00] =	vst v63  }
0x3d: {  	_ = 	snop  }
0x3e: {  	[tilespmem:s23], [sflag:$0x1] =	stream.indirect.gather [hbm4b:s5+s25], $0x80, s4, s25, $0xb8;
	[tilespmem:$0x1EA00] =	vst v63  }
0x3f: {  	s8 =	sadd.s32 $0x0, s14  }
0x40: {  	[tilespmem:s24], [sflag:$0x4] =	stream.linear.gather [hbm4b:s8+s4], $0x80, $0x38;
	[tilespmem:$0x1EA00] =	vst v63  }
0x41: {  	_ = 	snop  }
0x42: {  	[tilespmem:s26], [sflag:$0x2] =	stream.indirect.gather [hbm4b:s5+s25], $0x80, s25, s25, $0xb8;
	[tilespmem:$0x1EA00] =	vst v63  }
0x43: {  	_ =	swait.ge [sflag:s28], $0x4000  }
0x44: {  	[sflag:s28] =	ssyncset.done $0x0  }
0x45: {  	[sflag:s28] =	ssyncadd.s32 $0xFFFFC000  }
0x46: {  	_ =	swait.ge [sflag:s29], $0x80  }
0x47: {  	[sflag:s29] =	ssyncset.done $0x0  }
0x48: {  	[sflag:s29] =	ssyncadd.s32 $0xFFFFFF80  }
0x49: {  	[spmem:s2] =	stream.indirect.scatter.add.f32 [tilespmem:s23], [sflag:$0x5], $0x80, s22, s25, $0xb8;
	[tilespmem:$0x1EA00] =	vst v63  }
0x4a: {  	_ =	swait.ge [sflag:s21], $0x4000  }
0x4b: {  	[sflag:s21] =	ssyncset.done $0x0  }
0x4c: {  	s9 =	sadd.s32 $0x0, s15;
	[sflag:s21] =	ssyncadd.s32 $0xFFFFC000  }
0x4d: {  	[tilespmem:s22], [sflag:$0x3] =	stream.linear.gather [hbm4b:s9+s4], $0x80, $0x38;
	[tilespmem:$0x1EA00] =	vst v63  }
0x4e: {  	s20 =	simm.s32 $0x100  }
0x4f: {  	[tilespmem:s23], [sflag:$0x1] =	stream.indirect.gather [hbm4b:s5+s25], $0x80, s20, s25, $0xb8;
	[tilespmem:$0x1EA00] =	vst v63  }
0x50: {  	_ =	swait.ge [sflag:s30], $0x4000  }
0x51: {  	[sflag:s30] =	ssyncset.done $0x0  }
0x52: {  	[sflag:s30] =	ssyncadd.s32 $0xFFFFC000  }
0x53: {  	_ =	swait.ge [sflag:s31], $0x80  }
0x54: {  	[sflag:s31] =	ssyncset.done $0x0  }
0x55: {  	[sflag:s31] =	ssyncadd.s32 $0xFFFFFF80  }
0x56: {  	[spmem:s2] =	stream.indirect.scatter.add.f32 [tilespmem:s26], [sflag:$0x5], $0x80, s24, s25, $0xb8;
	[tilespmem:$0x1EA00] =	vst v63  }
0x57: {  	s1 =	simm.s32 $0x100;
	_ =	swait.ge [sflag:s21], $0x4000  }
0x58: {  	s3 =	simm.s32 $0x180;
	s20 =	simm.s32 $0x200;
	[sflag:s21] =	ssyncset.done $0x0  }
.LBB2_2:
0x59: {  	s6 =	sadd.s32 s1, s14  }
0x5a: {  	[sflag:s21] =	ssyncadd.s32 $0xFFFFC000;
	s8 =	smov.u32 s20;
	s9 =	sadd.s32 $0x100, s20  }
0x5b: {  	[tilespmem:s24], [sflag:$0x4] =	stream.linear.gather [hbm4b:s6+s4], $0x80, $0x38;
	[tilespmem:$0x1EA00] =	vst v63  }
0x5c: {  	p1 =	sne.s32 s20, $0x2500  }
0x5d: {  	[tilespmem:s26], [sflag:$0x2] =	stream.indirect.gather [hbm4b:s5+s25], $0x80, s3, s25, $0xb8;
	[tilespmem:$0x1EA00] =	vst v63  }
0x5e: {  	_ =	swait.ge [sflag:s28], $0x4000  }
0x5f: {  	[sflag:s28] =	ssyncset.done $0x0  }
0x60: {  	[sflag:s28] =	ssyncadd.s32 $0xFFFFC000  }
0x61: {  	_ =	swait.ge [sflag:s29], $0x80  }
0x62: {  	[sflag:s29] =	ssyncset.done $0x0  }
0x63: {  	[sflag:s29] =	ssyncadd.s32 $0xFFFFFF80  }
0x64: {  	[spmem:s2] =	stream.indirect.scatter.add.f32 [tilespmem:s23], [sflag:$0x5], $0x80, s22, s25, $0xb8;
	[tilespmem:$0x1EA00] =	vst v63  }
0x65: {  	_ =	swait.ge [sflag:s21], $0x4000  }
0x66: {  	[sflag:s21] =	ssyncset.done $0x0  }
0x67: {  	s6 =	sadd.s32 s1, s15;
	s1 =	smov.u32 s8;
	[sflag:s21] =	ssyncadd.s32 $0xFFFFC000  }
0x68: {  	[tilespmem:s22], [sflag:$0x3] =	stream.linear.gather [hbm4b:s6+s4], $0x80, $0x38;
	[tilespmem:$0x1EA00] =	vst v63  }
0x69: {  	s6 =	sadd.s32 $0x80, s3  }
0x6a: {  	[tilespmem:s23], [sflag:$0x1] =	stream.indirect.gather [hbm4b:s5+s25], $0x80, s6, s25, $0xb8;
	[tilespmem:$0x1EA00] =	vst v63  }
0x6b: {  	_ =	swait.ge [sflag:s30], $0x4000  }
0x6c: {  	[sflag:s30] =	ssyncset.done $0x0  }
0x6d: {  	[sflag:s30] =	ssyncadd.s32 $0xFFFFC000  }
0x6e: {  	_ =	swait.ge [sflag:s31], $0x80  }
.Ltmp0:
0x6f: {  	[sflag:s31] =	ssyncset.done $0x0;
	(pc) =	sbr.rel @p1 .LBB2_2-.Ltmp0, $4  }
0x70: {  	[sflag:s31] =	ssyncadd.s32 $0xFFFFFF80  }
0x71: {  	[spmem:s2] =	stream.indirect.scatter.add.f32 [tilespmem:s26], [sflag:$0x5], $0x80, s24, s25, $0xb8;
	[tilespmem:$0x1EA00] =	vst v63  }
0x72: {  	_ =	swait.ge [sflag:s21], $0x4000  }
0x73: {  	s20 =	smov.u32 s9;
	s3 =	sadd.s32 $0x100, s3;
	[sflag:s21] =	ssyncset.done $0x0  }
0x74: {  	s6 =	sadd.s32 s1, s14;
	[sflag:s21] =	ssyncadd.s32 $0xFFFFC000  }
0x75: {  	[tilespmem:s24], [sflag:$0x4] =	stream.linear.gather [hbm4b:s6+s4], $0x80, $0x38;
	[tilespmem:$0x1EA00] =	vst v63  }
0x76: {  	_ = 	snop  }
0x77: {  	[tilespmem:s26], [sflag:$0x2] =	stream.indirect.gather [hbm4b:s5+s25], $0x80, s3, s25, $0xb8;
	[tilespmem:$0x1EA00] =	vst v63  }
0x78: {  	_ =	swait.ge [sflag:s28], $0x4000  }
0x79: {  	[sflag:s28] =	ssyncset.done $0x0  }
0x7a: {  	[sflag:s28] =	ssyncadd.s32 $0xFFFFC000  }
0x7b: {  	_ =	swait.ge [sflag:s29], $0x80  }
0x7c: {  	[sflag:s29] =	ssyncset.done $0x0  }
0x7d: {  	[sflag:s29] =	ssyncadd.s32 $0xFFFFFF80  }
0x7e: {  	[spmem:s2] =	stream.indirect.scatter.add.f32 [tilespmem:s23], [sflag:$0x5], $0x80, s22, s25, $0xb8;
	[tilespmem:$0x1EA00] =	vst v63  }
0x7f: {  	_ =	swait.ge [sflag:s21], $0x4000  }
0x80: {  	[sflag:s21] =	ssyncset.done $0x0  }
0x81: {  	s8 =	sadd.s32 s1, s15;
	[sflag:s21] =	ssyncadd.s32 $0xFFFFC000  }
0x82: {  	[tilespmem:s22], [sflag:$0x3] =	stream.linear.gather [hbm4b:s8+s4], $0x80, $0x38;
	[tilespmem:$0x1EA00] =	vst v63  }
0x83: {  	s9 =	sadd.s32 $0x80, s3  }
0x84: {  	[tilespmem:s23], [sflag:$0x1] =	stream.indirect.gather [hbm4b:s5+s25], $0x80, s9, s25, $0xb8;
	[tilespmem:$0x1EA00] =	vst v63  }
0x85: {  	_ =	swait.ge [sflag:s30], $0x4000  }
0x86: {  	[sflag:s30] =	ssyncset.done $0x0  }
0x87: {  	[sflag:s30] =	ssyncadd.s32 $0xFFFFC000  }
0x88: {  	_ =	swait.ge [sflag:s31], $0x80  }
0x89: {  	[sflag:s31] =	ssyncset.done $0x0  }
0x8a: {  	[sflag:s31] =	ssyncadd.s32 $0xFFFFFF80  }
0x8b: {  	[spmem:s2] =	stream.indirect.scatter.add.f32 [tilespmem:s26], [sflag:$0x5], $0x80, s24, s25, $0xb8;
	[tilespmem:$0x1EA00] =	vst v63  }
0x8c: {  	_ =	swait.ge [sflag:s21], $0x4000  }
0x8d: {  	[sflag:s21] =	ssyncset.done $0x0  }
0x8e: {  	[sflag:s21] =	ssyncadd.s32 $0xFFFFC000  }
0x8f: {  	[tilespmem:s24], [sflag:$0x4] =	stream.linear.gather [hbm4b:s10+s4], $0x80, $0x38;
	[tilespmem:$0x1EA00] =	vst v63  }
0x90: {  	s20 =	simm.s32 $0x2680  }
0x91: {  	[tilespmem:s26], [sflag:$0x2] =	stream.indirect.gather [hbm4b:s5+s25], $0x80, s20, s25, $0xb8;
	[tilespmem:$0x1EA00] =	vst v63  }
0x92: {  	_ =	swait.ge [sflag:s28], $0x4000  }
0x93: {  	[sflag:s28] =	ssyncset.done $0x0  }
0x94: {  	[sflag:s28] =	ssyncadd.s32 $0xFFFFC000  }
0x95: {  	_ =	swait.ge [sflag:s29], $0x80  }
0x96: {  	[sflag:s29] =	ssyncset.done $0x0  }
0x97: {  	[sflag:s29] =	ssyncadd.s32 $0xFFFFFF80  }
0x98: {  	[spmem:s2] =	stream.indirect.scatter.add.f32 [tilespmem:s23], [sflag:$0x5], $0x80, s22, s25, $0xb8;
	[tilespmem:$0x1EA00] =	vst v63  }
0x99: {  	_ =	swait.ge [sflag:s21], $0x4000  }
0x9a: {  	[sflag:s21] =	ssyncset.done $0x0  }
0x9b: {  	s3 =	simm.s32 $0x2780;
	[sflag:s21] =	ssyncadd.s32 $0xFFFFC000  }
0x9c: {  	[tilespmem:s23], [sflag:$0x1] =	stream.indirect.gather [hbm4b:s5+s25], $0x80, s3, s25, $0xb8;
	[tilespmem:$0x1EA00] =	vst v63  }
0x9d: {  	s6 =	simm.s32 $0x2980  }
0x9e: {  	[tilespmem:s6], [sflag:$0x3] =	stream.linear.gather [hbm4b:s11+s4], $0x80, $0x38;
	[tilespmem:$0x1EA00] =	vst v63  }
0x9f: {  	_ =	swait.ge [sflag:s30], $0x4000  }
0xa0: {  	[sflag:s30] =	ssyncset.done $0x0  }
0xa1: {  	[sflag:s30] =	ssyncadd.s32 $0xFFFFC000  }
0xa2: {  	_ =	swait.ge [sflag:s31], $0x80  }
0xa3: {  	[sflag:s31] =	ssyncset.done $0x0  }
0xa4: {  	[sflag:s31] =	ssyncadd.s32 $0xFFFFFF80  }
0xa5: {  	[spmem:s2] =	stream.indirect.scatter.add.f32 [tilespmem:s26], [sflag:$0x5], $0x80, s24, s25, $0xb8;
	[tilespmem:$0x1EA00] =	vst v63  }
0xa6: {  	_ =	swait.ge [sflag:s21], $0x4000  }
0xa7: {  	[sflag:s21] =	ssyncset.done $0x0  }
0xa8: {  	[sflag:s21] =	ssyncadd.s32 $0xFFFFC000  }
0xa9: {  	_ =	swait.ge [sflag:s28], $0x4000  }
0xaa: {  	[sflag:s28] =	ssyncset.done $0x0  }
0xab: {  	[sflag:s28] =	ssyncadd.s32 $0xFFFFC000  }
0xac: {  	_ =	swait.ge [sflag:s29], $0x80  }
0xad: {  	[sflag:s29] =	ssyncset.done $0x0  }
0xae: {  	[sflag:s29] =	ssyncadd.s32 $0xFFFFFF80  }
0xaf: {  	v14 =	vld [tilespmem:$0x2980];
	_ =	sdelay $0x4  }
0xb0: {  	s8 =	simm.s32 $0x2900;
	[tilespmem:$0x2900] =	vst v14  }
0xb1: {  	[spmem:s2] =	stream.indirect.scatter.add.f32 [tilespmem:s23], [sflag:$0x5], $0x80, s8, s25, $0xb8;
	[tilespmem:$0x1EA00] =	vst v63  }
0xb2: {  	s9 =	stileid.u32;
	_ =	swait.ge [sflag:s21], $0x4000  }
0xb3: {  	s0 =	sadd.s32 $0x1, s0;
	s1 =	sshll.u32 s9, $0x6;
	[sflag:s21] =	ssyncset.done $0x0  }
0xb4: {  	p1 =	sne.s32 s0, s13;
	s1 =	sor.u32 $0x1C05, s1;
	[sflag:s21] =	ssyncadd.s32 $0xFFFFC000  }
.Ltmp1:
0xb5: {  	s20 =	sshrl.u32 s7, $0x3;
	[bflag:$0x0] =	sbarrier.arrive $0xFFFF;
	(pc) =	sbr.rel @p1 .LBB2_1-.Ltmp1, $4  }
0xb6: {  	[hbm:s12], [sflag:s1] =	dma.local [spmem:s20], $0x2800  }
0xb7: {  	_ =	swait.ge [sflag:s21], $0x2800  }
0xb8: {  	[sflag:s21] =	ssyncset.done $0x0  }
0xb9: {  	[sflag:s21] =	ssyncadd.s32 $0xFFFFD800  }
0xba: {  	_ =	sfence.sel $0x180000  }
0xbb: {  	[bflag:$0x0] =	sbarrier.arrive $0xFFFF  }
0xbc: {  	_ =	strace $0x9000004D  }
0xbd: {  	s0 =	stileid.u32;
	[bflag:$0x2] =	sbarrier.arrive $0xFFFF  }
0xbe: {  	p0 =	sne.s32 s0, $0x0;
	s0 =	rddreg [dreg:$0x3]  }
0xbf: {  	s0 =	sadd.s32 @!p0 $0x100000, s0  }
0xc0: {  	[sflag:s0] =	ssyncadd.tile.s32 @!p0 $0x1;
	_ =	shalt  }
.Lfunc_end2:
_tile_overlayer_lowered:
.L_overlay_start_2:
0xc1: {  	(tag) =	ssettag $0x2  }
0xc2: {  	s0 =	rddreg [dreg:$0x0];
	s2 =	stileid.u32  }
0xc3: {  	s1 =	rddreg [dreg:$0x1];
	p0 =	sne.s32 s2, $0x0  }
0xc4: {  	s3 =	rddreg [dreg:$0x2];
	[bflag:$0x3] =	sbarrier.arrive $0xFFFF;
	s2 =	simm.s32 @!p0 $0x1C05  }
0xc5: {  	[timem:s3], [sflag:s2] =	dma.local @!p0 [hbm:s0], s1  }
0xc6: {  	s0 =	simm.s32 @!p0 $0x5  }
0xc7: {  	_ =	swait.ge @!p0 [sflag:s0], s1  }
0xc8: {  	s1 =	ssub.s32 @!p0 $0x0, s1;
	[sflag:s0] =	ssyncset.done @!p0 $0x0  }
0xc9: {  	[sflag:s0] =	ssyncadd.s32 @!p0 s1  }
0xca: {  	[bflag:$0x3] =	sbarrier.arrive $0xFFFF  }
0xcb: {  	_ =	shalt  }

// kernel: kernel.8.cloned.1.call-start
scs
__scs_entry_jumppad:
0x0: {  	(pc) =	sbr.rel $0x88, $3  }
0x1: {  	(tag) =	ssettag $0x0;
	lr =	simm.s32 $0x1  }
0x2: {  	[smem:$0x3F99] =	sst lr;
	_ =	strace $0xD0000000  }
0x3: {  	_ = 	snop  }
0x4: {  	_ = 	snop  }
0x5: {  	_ = 	snop  }
0x6: {  	_ = 	snop  }
0x7: {  	_ = 	snop  }
__scs_overlays_trampoline_lowered:
0x8: {  	[smem:$0x3FA8] =	sst s0  }
0x9: {  	[smem:$0x3FA9] =	sst s1  }
0xa: {  	[smem:$0x3FAA] =	sst s2  }
0xb: {  	[smem:$0x3FAB] =	sst s3  }
0xc: {  	[smem:$0x3FAC] =	sst s4  }
0xd: {  	[smem:$0x3FAD] =	sst s5  }
0xe: {  	[smem:$0x3FAE] =	sst s6  }
0xf: {  	[smem:$0x3FAF] =	sst s7  }
0x10: {  	[smem:$0x3FB0] =	sst s8  }
0x11: {  	[smem:$0x3FB1] =	sst s9;
	s0 =	simm.s32 @!p0 $0x0  }
0x12: {  	s1 =	sld [smem:$0x3F97];
	s0 =	simm.s32 @p0 $0x1  }
0x13: {  	[smem:$0x3FB2] =	sst s0;
	s0 =	simm.s32 @!p1 $0x0  }
0x14: {  	s2 =	sld [smem:$0x3F96];
	s0 =	simm.s32 @p1 $0x1  }
0x15: {  	[smem:$0x3FB3] =	sst s0;
	s0 =	simm.s32 @!p2 $0x0  }
0x16: {  	s3 =	sld [smem:$0x3FDB];
	s0 =	simm.s32 @p2 $0x1  }
0x17: {  	s4 =	simm.s32 $0x1BF5;
	[smem:$0x3FB5] =	sst s0  }
0x18: {  	s0 =	sld [smem:$0x3F98];
	_ =	swait.ge [sflag:s4], $0x0  }
0x19: {  	s7 =	sld [smem:$0x3F99]  }
0x1a: {  	s8 =	sadd.s32 $0xFFFFE003, lr  }
0x1b: {  	s9 =	sadd.s32 $0xFFFFFEF7, lr;
	s5 =	simm.s32 $0xFFFFFFFF;
	p2 =	slt.u32 s8, $0xFFFFF086  }
0x1c: {  	p1 =	slt.u32 s9, $0xF7A;
	s5 =	simm.s32 @!p2 $0x0  }
0x1d: {  	s5 =	simm.s32 @p1 $0x1;
	p0 =	seq.s32 s7, s2  }
0x1e: {  	s7 =	smul.u32 @!p0 $0xF7A, s2;
	p2 =	seq.s32 @!p0 s5, $0x0  }
0x1f: {  	s9 =	smul.u32 $0xF7A, s1;
	s8 =	simm.s32 @!p0 $0x1BF5;
	p2 =	por !p2, p0  }
0x20: {  	[sflag:s8] =	ssyncset.s32 @!p0 $0xFFFFF086;
	s6 =	sadd.s32 @!p0 s3, s7;
	s7 =	simm.s32 @!p0 $0x108  }
0x21: {  	s3 =	sadd.s32 s3, s9;
	s6 =	sadd.s32 @!p0 $0x88, s6;
	s7 =	simm.s32 @p2 $0x1082  }
0x22: {  	[simem:s7], [sflag:s8] =	dma.local @!p0 [hbm:s6], $0xF7A  }
0x23: {  	s9 =	sor.u32 $0xD0000000, s2;
	s6 =	simm.s32 $0x108;
	_ =	swait.ge @!p0 [sflag:s8], $0x0  }
0x24: {  	s3 =	sadd.s32 $0x88, s3;
	s6 =	simm.s32 @!p1 $0x1082;
	[sflag:s4] =	ssyncset.s32 $0xFFFFF086  }
0x25: {  	[simem:s6], [sflag:s4] =	dma.local [hbm:s3], $0xF7A  }
0x26: {  	[smem:$0x3F99] =	sst s1;
	(tag) =	ssettag s2;
	_ =	strace s9  }
0x27: {  	s1 =	sld [smem:$0x3FA9]  }
0x28: {  	s2 =	sld [smem:$0x3FAA]  }
0x29: {  	s4 =	sld [smem:$0x3FAC]  }
0x2a: {  	p0 =	seq.s32 s5, $0x0;
	s5 =	sld [smem:$0x3FAD]  }
0x2b: {  	s6 =	sld [smem:$0x3FAE]  }
0x2c: {  	s7 =	sld [smem:$0x3FAF]  }
0x2d: {  	s3 =	simm.s32 $0x108;
	s8 =	sld [smem:$0x3FB0]  }
0x2e: {  	s3 =	simm.s32 @!p0 $0x1082;
	s9 =	sld [smem:$0x3FB1]  }
0x2f: {  	lr =	sadd.s32 s0, s3;
	s0 =	sld [smem:$0x3FA8]  }
0x30: {  	s3 =	sld [smem:$0x3FAB]  }
0x31: {  	[smem:$0x3FB4] =	sst s10  }
0x32: {  	s10 =	sld [smem:$0x3FB2];
	_ =	sdelay $0x3  }
0x33: {  	p0 =	seq.s32 s10, $0x1;
	s10 =	sld [smem:$0x3FB4];
	_ =	sdelay $0x3  }
0x34: {  	[smem:$0x3FB4] =	sst s10  }
0x35: {  	s10 =	sld [smem:$0x3FB3];
	_ =	sdelay $0x3  }
0x36: {  	p1 =	seq.s32 s10, $0x1;
	s10 =	sld [smem:$0x3FB4];
	_ =	sdelay $0x3  }
0x37: {  	[smem:$0x3FB4] =	sst s10  }
0x38: {  	s10 =	sld [smem:$0x3FB5]  }
0x39: {  	_ = 	snop;
	(pc) =	sbr.ind lr, $3  }
0x3a: {  	_ = 	snop  }
0x3b: {  	_ = 	snop  }
0x3c: {  	p2 =	seq.s32 s10, $0x1;
	s10 =	sld [smem:$0x3FB4]  }
0x3d: {  	_ =	shalt  }
0x3e: {  	_ =	shalt  }
0x3f: {  	_ =	shalt  }
0x40: {  	_ =	shalt  }
0x41: {  	_ =	shalt  }
0x42: {  	_ =	shalt  }
0x43: {  	_ =	shalt  }
0x44: {  	_ =	shalt  }
0x45: {  	_ =	shalt  }
0x46: {  	_ =	shalt  }
0x47: {  	_ =	shalt  }
0x48: {  	_ =	shalt  }
0x49: {  	_ =	shalt  }
0x4a: {  	_ =	shalt  }
0x4b: {  	_ =	shalt  }
0x4c: {  	_ =	shalt  }
0x4d: {  	_ =	shalt  }
0x4e: {  	_ =	shalt  }
0x4f: {  	_ =	shalt  }
0x50: {  	_ =	shalt  }
0x51: {  	_ =	shalt  }
0x52: {  	_ =	shalt  }
0x53: {  	_ =	shalt  }
0x54: {  	_ =	shalt  }
0x55: {  	_ =	shalt  }
0x56: {  	_ =	shalt  }
0x57: {  	_ =	shalt  }
0x58: {  	_ =	shalt  }
0x59: {  	_ =	shalt  }
0x5a: {  	_ =	shalt  }
0x5b: {  	_ =	shalt  }
0x5c: {  	_ =	shalt  }
0x5d: {  	_ =	shalt  }
0x5e: {  	_ =	shalt  }
0x5f: {  	_ =	shalt  }
0x60: {  	_ =	shalt  }
0x61: {  	_ =	shalt  }
0x62: {  	_ =	shalt  }
0x63: {  	_ =	shalt  }
0x64: {  	_ =	shalt  }
0x65: {  	_ =	shalt  }
0x66: {  	_ =	shalt  }
0x67: {  	_ =	shalt  }
0x68: {  	_ =	shalt  }
0x69: {  	_ =	shalt  }
0x6a: {  	_ =	shalt  }
0x6b: {  	_ =	shalt  }
0x6c: {  	_ =	shalt  }
0x6d: {  	_ =	shalt  }
0x6e: {  	_ =	shalt  }
0x6f: {  	_ =	shalt  }
0x70: {  	_ =	shalt  }
0x71: {  	_ =	shalt  }
0x72: {  	_ =	shalt  }
0x73: {  	_ =	shalt  }
0x74: {  	_ =	shalt  }
0x75: {  	_ =	shalt  }
0x76: {  	_ =	shalt  }
0x77: {  	_ =	shalt  }
0x78: {  	_ =	shalt  }
0x79: {  	_ =	shalt  }
0x7a: {  	_ =	shalt  }
0x7b: {  	_ =	shalt  }
0x7c: {  	_ =	shalt  }
0x7d: {  	_ =	shalt  }
0x7e: {  	_ =	shalt  }
0x7f: {  	_ =	shalt  }
0x80: {  	_ =	shalt  }
0x81: {  	_ =	shalt  }
0x82: {  	_ =	shalt  }
0x83: {  	_ =	shalt  }
0x84: {  	_ =	shalt  }
0x85: {  	_ =	shalt  }
0x86: {  	_ =	shalt  }
0x87: {  	_ =	shalt  }
.Lfunc_end0:
.L_simem_size_0:
called_computation_lowered:
.L_overlay_start_0:
0x88: {  	s2 =	sld [smem:$0x3FD9]  }
0x89: {  	s3 =	sld [smem:$0x3FFE];
	_ =	sdelay $0x1  }
0x8a: {  	s1 =	srdreg.scid  }
0x8b: {  	s0 =	sand.u32 $0x1, s1  }
0x8c: {  	s17 =	sshll.u32 s0, $0xA;
	s2 =	sadd.s32 s3, s2  }
0x8d: {  	s2 =	sadd.s32 s2, s17  }
0x8e: {  	[smem:$0x3FC0] =	sst s2  }
0x8f: {  	_ = 	snop  }
0x90: {  	s2 =	sld [smem:$0x3FD0];
	(tm) =	ssettm $0x1  }
0x91: {  	s18 =	sld [smem:$0x3FFB];
	_ =	sdelay $0x3  }
0x92: {  	_ =	strace s18  }
0x93: {  	s3 =	sld [smem:$0x3FFC];
	_ =	sdelay $0x3  }
0x94: {  	_ =	strace s3  }
0x95: {  	s3 =	sld [smem:$0x3FFD];
	_ =	sdelay $0x3  }
0x96: {  	_ =	strace s3  }
0x97: {  	_ =	strace $0x8FFFFFFF  }
0x98: {  	s19 =	sld [smem:$0x3FDB];
	_ =	sdelay $0x1  }
0x99: {  	s4 =	simm.s32 $_scs_section_size  }
0x9a: {  	s5 =	simm.s32 $_size__tile_overlayer_lowered;
	s6 =	simm.s32 $_tile_overlayer_lowered  }
0x9b: {  	s22 =	simm.s32 $0x1BFF;
	s21 =	sshll.u32 s6, $0x1;
	s3 =	sadd.s32 s4, s19  }
0x9c: {  	s7 =	simm.s32 $0x0;
	s20 =	sshll.u32 s5, $0x1;
	s5 =	sadd.s32 s21, s3  }
0x9d: {  	[timem:s7], [sflag:s22] =	dma.local [hbm:s5], s20  }
0x9e: {  	_ =	swait.ge [sflag:s22], s20  }
0x9f: {  	s4 =	ssub.s32 $0x0, s20;
	[sflag:s22] =	ssyncset.done $0x0  }
0xa0: {  	[sflag:s22] =	ssyncadd.s32 s4;
	_ =	sdelay $0x1  }
0xa1: {  	s23 =	simm.s32 $0x1B8B  }
0xa2: {  	_ =	swait.ge [sflag:s23], $0x1  }
0xa3: {  	[sflag:s23] =	ssyncset.done $0x0  }
0xa4: {  	s25 =	simm.s32 $0x1B8E;
	s24 =	sld [smem:$0x3FFE];
	[sflag:s23] =	ssyncadd.s32 $0xFFFFFFFF  }
0xa5: {  	s26 =	simm.s32 $execute0_lowered;
	[smem:$0x3FD2] =	sst s25  }
0xa6: {  	s5 =	sshll.u32 s26, $0x1;
	_ =	strace $0x80000046;
	[dreg:$0x1] =	wrdreg $0xFFFFFFFF  }
0xa7: {  	s28 =	simm.s32 $_size_execute0_lowered;
	s3 =	sadd.s32 s3, s5;
	[dreg:$0x0] =	wrdreg $0x0  }
0xa8: {  	s5 =	sshll.u32 s28, $0x1;
	[dreg:$0x2] =	wrdreg s3  }
0xa9: {  	[dreg:$0x3] =	wrdreg s5  }
0xaa: {  	[dreg:$0x4] =	wrdreg $0xC0  }
0xab: {  	_ =	task [dreg:s7], $0x5FFFF  }
0xac: {  	[dreg:$0x1] =	wrdreg $0xFFFFFFFF  }
0xad: {  	[dreg:$0x0] =	wrdreg $0x60  }
0xae: {  	[dreg:$0x2] =	wrdreg s24  }
0xaf: {  	[dreg:$0x3] =	wrdreg s2  }
0xb0: {  	[dreg:$0x4] =	wrdreg $0x29800  }
0xb1: {  	[dreg:$0x5] =	wrdreg $0x9  }
0xb2: {  	_ =	task.clear_ibuf [dreg:s7], $0x6FFFF;
	_ =	strace $0x90000046  }
0xb3: {  	s29 =	simm.s32 $0x9;
	_ =	strace $0x80000048  }
0xb4: {  	_ =	swait.ge [sflag:s29], $0x1  }
0xb5: {  	[sflag:s29] =	ssyncadd.s32 $0xFFFFFFFF  }
0xb6: {  	_ =	strace $0x90000048  }
0xb7: {  	_ =	sfence  }
0xb8: {  	s30 =	sld [smem:$0x0];
	_ =	sdelay $0x2  }
0xb9: {  	s31 =	sshll.u32 s1, $0xD;
	s1 =	sshrl.u32 s1, $0x2  }
0xba: {  	s3 =	sand.u32 $0x4000, s31;
	s1 =	sadd.s32 s1, s30  }
0xbb: {  	s0 =	sor.u32 s3, s0;
	s1 =	sshll.u32 s1, $0x11  }
0xbc: {  	s0 =	sor.u32 s1, s0  }
0xbd: {  	s0 =	sadd.s32 $0x8F2B, s0  }
0xbe: {  	[sflag:s0] =	ssyncadd.remote.s32 $0x1  }
0xbf: {  	_ =	sfence.sel $0xFFFF  }
0xc0: {  	[dreg:$0x0] =	wrdreg $0xFFFFFFFF;
	(pc) =	sbr.abs _section_cstart, $3  }
0xc1: {  	[dreg:$0x1] =	wrdreg $0xFFFFFFFF  }
0xc2: {  	_ =	task.clear_ibuf [dreg:s7], $0x2FFFF;
	_ =	strace $0x9FFFFFFF  }
0xc3: {  	(tm) =	ssettm $0x7FFFFFFF  }
tec
execute0_lowered:
.L_overlay_start_1:
0x0: {  	(tag) =	ssettag $0x1  }
0x1: {  	s0 =	stileid.u32;
	s4 =	rddreg [dreg:$0x0]  }
0x2: {  	s2 =	srdreg.scid;
	s10 =	rddreg [dreg:$0x1];
	s14 =	simm.s32 $0x400  }
0x3: {  	s15 =	simm.s32 $0x200;
	s16 =	simm.s32 $0x100;
	s17 =	simm.s32 $0x180  }
0x4: {  	s18 =	simm.s32 $0x1;
	s19 =	simm.s32 $0x2;
	s22 =	simm.s32 $0x20  }
0x5: {  	s23 =	simm.s32 $0x10;
	s24 =	simm.s32 $0x0;
	s1 =	sshrl.u32 s0, $0x2  }
0x6: {  	s3 =	sshll.u32 s0, $0x8;
	s5 =	sand.u32 $0x1, s2;
	s8 =	smul.u32 $0xA00, s0  }
0x7: {  	s2 =	rddreg [dreg:$0x2];
	s9 =	smul.u32 $0x500, s0;
	s20 =	sshll.u32 s0, $0x6  }
0x8: {  	s1 =	smul.u32 $0x13C00, s1;
	s3 =	sand.u32 $0x300, s3;
	s7 =	sshll.u32 s5, $0x7  }
0x9: {  	s5 =	ssub.s32 $0x2, s5;
	s20 =	sor.u32 $0x1C03, s20;
	s8 =	sshrl.u32 s8, $0x2  }
0xa: {  	s30 =	sshrl.u32 s5, $0x1;
	s31 =	sor.u32 s7, s9;
	s6 =	sor.u32 s3, s1  }
0xb: {  	s1 =	rddreg [dreg:$0x3];
	s3 =	simm.s32 $0x0;
	s6 =	sor.u32 s7, s6  }
0xc: {  	s12 =	ssub.s32 s5, s30;
	s13 =	sshrl.u32 s31, $0x3;
	s6 =	sadd.s32 $0x4F000, s6  }
0xd: {  	[smem:$0x7FF] =	sst s3;
	s10 =	sadd.s32 s10, s13;
	s6 =	sshrl.u32 s6, $0x3  }
0xe: {  	v8 =	vlaneseq.u32;
	s13 =	simm.s32 $0x3;
	s11 =	sadd.s32 s6, s4;
	s4 =	sadd.s32 s8, s2  }
0xf: {  	v0 =	vimm.f32 $1.000000000e+00;
	v1 =	vimm.f32 $0.0e+00;
	v2 =	vor.u32 $0x2710, v8;
	_ =	strace $0x80000047;
	s5 =	sadd.s32 $0x80, s4;
	s6 =	sadd.s32 $0x100, s4  }
0x10: {  	v3 =	vor.u32 $0x2720, v8;
	v4 =	vor.u32 $0x2730, v8;
	v5 =	vor.u32 $0x2740, v8;
	s7 =	sadd.s32 $0x180, s4;
	s8 =	sadd.s32 $0x200, s4;
	s9 =	sadd.s32 $0x2A00, s11  }
0x11: {  	v6 =	vor.u32 $0x2750, v8;
	v7 =	vor.u32 $0x2760, v8;
	v8 =	vor.u32 $0x2770, v8;
	s11 =	smax.u32 s12, $0x1;
	s12 =	simm.s32 $0x80;
	s21 =	sshrl.u32 s4, $0x3  }
.LBB2_1:
0x12: {  	[tilespmem:$0x0] =	vst v0  }
0x13: {  	[tilespmem:$0x80] =	vst v1  }
0x14: {  	[tilespmem:$0x10] =	vst v0  }
0x15: {  	[tilespmem:$0x90] =	vst v1  }
0x16: {  	[tilespmem:$0x20] =	vst v0  }
0x17: {  	[tilespmem:$0xA0] =	vst v1  }
0x18: {  	[tilespmem:$0x30] =	vst v0  }
0x19: {  	[tilespmem:$0xB0] =	vst v1  }
0x1a: {  	[tilespmem:$0x40] =	vst v0  }
0x1b: {  	[tilespmem:$0xC0] =	vst v1  }
0x1c: {  	[tilespmem:$0x50] =	vst v0  }
0x1d: {  	[tilespmem:$0xD0] =	vst v1  }
0x1e: {  	[tilespmem:$0x60] =	vst v0  }
0x1f: {  	[tilespmem:$0xE0] =	vst v1  }
0x20: {  	[tilespmem:$0x70] =	vst v0  }
0x21: {  	[tilespmem:$0xF0] =	vst v1  }
0x22: {  	[spmem:s4] =	stream.linear.scatter [tilespmem:s12], [sflag:$0x3], $0x80, $0x38;
	[tilespmem:$0x2C00] =	vst v63  }
0x23: {  	_ =	swait.ge [sflag:s13], $0x80  }
0x24: {  	[sflag:s13] =	ssyncset.done $0x0  }
0x25: {  	[sflag:s13] =	ssyncadd.s32 $0xFFFFFF80  }
0x26: {  	[spmem:s5] =	stream.linear.scatter [tilespmem:s12], [sflag:$0x3], $0x80, $0x38;
	[tilespmem:$0x2C00] =	vst v63  }
0x27: {  	_ =	swait.ge [sflag:s13], $0x80  }
0x28: {  	[sflag:s13] =	ssyncset.done $0x0  }
0x29: {  	[sflag:s13] =	ssyncadd.s32 $0xFFFFFF80  }
0x2a: {  	[spmem:s6] =	stream.linear.scatter [tilespmem:s12], [sflag:$0x3], $0x80, $0x38;
	[tilespmem:$0x2C00] =	vst v63  }
0x2b: {  	_ =	swait.ge [sflag:s13], $0x80  }
0x2c: {  	[sflag:s13] =	ssyncset.done $0x0  }
0x2d: {  	[sflag:s13] =	ssyncadd.s32 $0xFFFFFF80  }
0x2e: {  	[spmem:s7] =	stream.linear.scatter [tilespmem:s12], [sflag:$0x3], $0x80, $0x38;
	[tilespmem:$0x2C00] =	vst v63  }
0x2f: {  	_ =	swait.ge [sflag:s13], $0x80  }
0x30: {  	[sflag:s13] =	ssyncset.done $0x0  }
0x31: {  	[sflag:s13] =	ssyncadd.s32 $0xFFFFFF80  }
0x32: {  	[spmem:s8] =	stream.linear.scatter [tilespmem:s12], [sflag:$0x3], $0x80, $0x38;
	[tilespmem:$0x2C00] =	vst v63  }
0x33: {  	_ =	swait.ge [sflag:s13], $0x80  }
0x34: {  	[sflag:s13] =	ssyncset.done $0x0  }
0x35: {  	[sflag:s13] =	ssyncadd.s32 $0xFFFFFF80  }
0x36: {  	[tilespmem:s15], [sflag:$0x3] =	stream.strided.gather [hbm4b:s9+s12], $0x2780, s14, s12, $0x38;
	[tilespmem:$0x2C00] =	vst v63  }
0x37: {  	_ =	swait.ge [sflag:s13], $0x2780  }
0x38: {  	[sflag:s13] =	ssyncset.done $0x0  }
0x39: {  	[sflag:s13] =	ssyncadd.s32 $0xFFFFD880  }
0x3a: {  	s25 =	simm.s32 $0x0;
	[bflag:$0x0] =	sbarrier.arrive $0xFFFF  }
0x3b: {  	v9 =	vld [tilespmem:s25+$0x200];
	_ =	sdelay $0x4  }
0x3c: {  	[tilespmem:$0x100] =	vst v9  }
0x3d: {  	v9 =	vld [tilespmem:s25+$0x210];
	_ =	sdelay $0x4  }
0x3e: {  	[tilespmem:$0x110] =	vst v9  }
0x3f: {  	v9 =	vld [tilespmem:s25+$0x220];
	_ =	sdelay $0x4  }
0x40: {  	[tilespmem:$0x120] =	vst v9  }
0x41: {  	v9 =	vld [tilespmem:s25+$0x230];
	_ =	sdelay $0x4  }
0x42: {  	[tilespmem:$0x130] =	vst v9  }
0x43: {  	v9 =	vld [tilespmem:s25+$0x240];
	_ =	sdelay $0x4  }
0x44: {  	[tilespmem:$0x140] =	vst v9  }
0x45: {  	v9 =	vld [tilespmem:s25+$0x250];
	_ =	sdelay $0x4  }
0x46: {  	[tilespmem:$0x150] =	vst v9  }
0x47: {  	v9 =	vld [tilespmem:s25+$0x260];
	_ =	sdelay $0x4  }
0x48: {  	[tilespmem:$0x160] =	vst v9  }
0x49: {  	v9 =	vld [tilespmem:s25+$0x270];
	_ =	sdelay $0x4  }
0x4a: {  	[tilespmem:$0x170] =	vst v9  }
0x4b: {  	[spmem:s2] =	stream.indirect.scatter.add.f32 [tilespmem:s3], [sflag:$0x1], $0x1, s16, s12, $0xb8;
	[tilespmem:$0x2C00] =	vst v63  }
0x4c: {  	v9 =	vld [tilespmem:s25+$0x280];
	_ =	sdelay $0x4  }
0x4d: {  	[tilespmem:$0x180] =	vst v9  }
0x4e: {  	v9 =	vld [tilespmem:s25+$0x290];
	_ =	sdelay $0x4  }
0x4f: {  	[tilespmem:$0x190] =	vst v9  }
0x50: {  	v9 =	vld [tilespmem:s25+$0x2A0];
	_ =	sdelay $0x4  }
0x51: {  	[tilespmem:$0x1A0] =	vst v9  }
0x52: {  	v9 =	vld [tilespmem:s25+$0x2B0];
	_ =	sdelay $0x4  }
0x53: {  	[tilespmem:$0x1B0] =	vst v9  }
0x54: {  	v9 =	vld [tilespmem:s25+$0x2C0];
	_ =	sdelay $0x4  }
0x55: {  	[tilespmem:$0x1C0] =	vst v9  }
0x56: {  	v9 =	vld [tilespmem:s25+$0x2D0];
	_ =	sdelay $0x4  }
0x57: {  	[tilespmem:$0x1D0] =	vst v9  }
0x58: {  	v9 =	vld [tilespmem:s25+$0x2E0];
	_ =	sdelay $0x4  }
0x59: {  	[tilespmem:$0x1E0] =	vst v9  }
0x5a: {  	v9 =	vld [tilespmem:s25+$0x2F0];
	_ =	sdelay $0x4  }
0x5b: {  	[tilespmem:$0x1F0] =	vst v9  }
0x5c: {  	[spmem:s2] =	stream.indirect.scatter.add.f32 [tilespmem:s3], [sflag:$0x2], $0x1, s17, s12, $0xb8;
	[tilespmem:$0x2C00] =	vst v63  }
0x5d: {  	_ =	swait.ge [sflag:s18], $0x80  }
0x5e: {  	[sflag:s18] =	ssyncset.done $0x0  }
0x5f: {  	[sflag:s18] =	ssyncadd.s32 $0xFFFFFF80  }
0x60: {  	_ =	swait.ge [sflag:s19], $0x80  }
0x61: {  	s29 =	simm.s32 $0x800;
	s25 =	simm.s32 $0x400;
	[sflag:s19] =	ssyncset.done $0x0  }
.LBB2_2:
0x62: {  	s28 =	sshra.s32 s25, $0x2  }
0x63: {  	[sflag:s19] =	ssyncadd.s32 $0xFFFFFF80;
	s25 =	smov.u32 s29;
	s26 =	sadd.s32 $0x400, s29  }
0x64: {  	p0 =	sne.s32 s29, $0x9800;
	v9 =	vld [tilespmem:s28+$0x200];
	_ =	sdelay $0x4  }
0x65: {  	[tilespmem:$0x100] =	vst v9  }
0x66: {  	v9 =	vld [tilespmem:s28+$0x210];
	_ =	sdelay $0x4  }
0x67: {  	[tilespmem:$0x110] =	vst v9  }
0x68: {  	v9 =	vld [tilespmem:s28+$0x220];
	_ =	sdelay $0x4  }
0x69: {  	[tilespmem:$0x120] =	vst v9  }
0x6a: {  	v9 =	vld [tilespmem:s28+$0x230];
	_ =	sdelay $0x4  }
0x6b: {  	[tilespmem:$0x130] =	vst v9  }
0x6c: {  	v9 =	vld [tilespmem:s28+$0x240];
	_ =	sdelay $0x4  }
0x6d: {  	[tilespmem:$0x140] =	vst v9  }
0x6e: {  	v9 =	vld [tilespmem:s28+$0x250];
	_ =	sdelay $0x4  }
0x6f: {  	[tilespmem:$0x150] =	vst v9  }
0x70: {  	v9 =	vld [tilespmem:s28+$0x260];
	_ =	sdelay $0x4  }
0x71: {  	[tilespmem:$0x160] =	vst v9  }
0x72: {  	v9 =	vld [tilespmem:s28+$0x270];
	_ =	sdelay $0x4  }
0x73: {  	[tilespmem:$0x170] =	vst v9  }
0x74: {  	[spmem:s2] =	stream.indirect.scatter.add.f32 [tilespmem:s3], [sflag:$0x1], $0x1, s16, s12, $0xb8;
	[tilespmem:$0x2C00] =	vst v63  }
0x75: {  	v9 =	vld [tilespmem:s28+$0x280];
	_ =	sdelay $0x4  }
0x76: {  	[tilespmem:$0x180] =	vst v9  }
0x77: {  	v9 =	vld [tilespmem:s28+$0x290];
	_ =	sdelay $0x4  }
0x78: {  	[tilespmem:$0x190] =	vst v9  }
0x79: {  	v9 =	vld [tilespmem:s28+$0x2A0];
	_ =	sdelay $0x4  }
0x7a: {  	[tilespmem:$0x1A0] =	vst v9  }
0x7b: {  	v9 =	vld [tilespmem:s28+$0x2B0];
	_ =	sdelay $0x4  }
0x7c: {  	[tilespmem:$0x1B0] =	vst v9  }
0x7d: {  	v9 =	vld [tilespmem:s28+$0x2C0];
	_ =	sdelay $0x4  }
0x7e: {  	[tilespmem:$0x1C0] =	vst v9  }
0x7f: {  	v9 =	vld [tilespmem:s28+$0x2D0];
	_ =	sdelay $0x4  }
0x80: {  	[tilespmem:$0x1D0] =	vst v9  }
0x81: {  	v9 =	vld [tilespmem:s28+$0x2E0];
	_ =	sdelay $0x4  }
0x82: {  	[tilespmem:$0x1E0] =	vst v9  }
0x83: {  	v9 =	vld [tilespmem:s28+$0x2F0];
	_ =	sdelay $0x4  }
0x84: {  	[tilespmem:$0x1F0] =	vst v9  }
0x85: {  	[spmem:s2] =	stream.indirect.scatter.add.f32 [tilespmem:s3], [sflag:$0x2], $0x1, s17, s12, $0xb8;
	[tilespmem:$0x2C00] =	vst v63  }
.Ltmp0:
0x86: {  	_ =	swait.ge [sflag:s18], $0x80;
	(pc) =	sbr.rel @p0 .LBB2_2-.Ltmp0, $4  }
0x87: {  	[sflag:s18] =	ssyncset.done $0x0  }
0x88: {  	[sflag:s18] =	ssyncadd.s32 $0xFFFFFF80  }
0x89: {  	_ =	swait.ge [sflag:s19], $0x80  }
0x8a: {  	s29 =	smov.u32 s26;
	[sflag:s19] =	ssyncset.done $0x0  }
0x8b: {  	s25 =	sshra.s32 s25, $0x2;
	[sflag:s19] =	ssyncadd.s32 $0xFFFFFF80  }
0x8c: {  	v9 =	vld [tilespmem:s25+$0x200];
	_ =	sdelay $0x4  }
0x8d: {  	[tilespmem:$0x100] =	vst v9  }
0x8e: {  	v9 =	vld [tilespmem:s25+$0x210];
	_ =	sdelay $0x4  }
0x8f: {  	[tilespmem:$0x110] =	vst v9  }
0x90: {  	v9 =	vld [tilespmem:s25+$0x220];
	_ =	sdelay $0x4  }
0x91: {  	[tilespmem:$0x120] =	vst v9  }
0x92: {  	v9 =	vld [tilespmem:s25+$0x230];
	_ =	sdelay $0x4  }
0x93: {  	[tilespmem:$0x130] =	vst v9  }
0x94: {  	v9 =	vld [tilespmem:s25+$0x240];
	_ =	sdelay $0x4  }
0x95: {  	[tilespmem:$0x140] =	vst v9  }
0x96: {  	v9 =	vld [tilespmem:s25+$0x250];
	_ =	sdelay $0x4  }
0x97: {  	[tilespmem:$0x150] =	vst v9  }
0x98: {  	v9 =	vld [tilespmem:s25+$0x260];
	_ =	sdelay $0x4  }
0x99: {  	[tilespmem:$0x160] =	vst v9  }
0x9a: {  	v9 =	vld [tilespmem:s25+$0x270];
	_ =	sdelay $0x4  }
0x9b: {  	[tilespmem:$0x170] =	vst v9  }
0x9c: {  	[spmem:s2] =	stream.indirect.scatter.add.f32 [tilespmem:s3], [sflag:$0x1], $0x1, s16, s12, $0xb8;
	[tilespmem:$0x2C00] =	vst v63  }
0x9d: {  	v9 =	vld [tilespmem:s25+$0x280];
	_ =	sdelay $0x4  }
0x9e: {  	[tilespmem:$0x180] =	vst v9  }
0x9f: {  	v9 =	vld [tilespmem:s25+$0x290];
	_ =	sdelay $0x4  }
0xa0: {  	[tilespmem:$0x190] =	vst v9  }
0xa1: {  	v9 =	vld [tilespmem:s25+$0x2A0];
	_ =	sdelay $0x4  }
0xa2: {  	[tilespmem:$0x1A0] =	vst v9  }
0xa3: {  	v9 =	vld [tilespmem:s25+$0x2B0];
	_ =	sdelay $0x4  }
0xa4: {  	[tilespmem:$0x1B0] =	vst v9  }
0xa5: {  	v9 =	vld [tilespmem:s25+$0x2C0];
	_ =	sdelay $0x4  }
0xa6: {  	[tilespmem:$0x1C0] =	vst v9  }
0xa7: {  	v9 =	vld [tilespmem:s25+$0x2D0];
	_ =	sdelay $0x4  }
0xa8: {  	[tilespmem:$0x1D0] =	vst v9  }
0xa9: {  	v9 =	vld [tilespmem:s25+$0x2E0];
	_ =	sdelay $0x4  }
0xaa: {  	[tilespmem:$0x1E0] =	vst v9  }
0xab: {  	v9 =	vld [tilespmem:s25+$0x2F0];
	_ =	sdelay $0x4  }
0xac: {  	[tilespmem:$0x1F0] =	vst v9  }
0xad: {  	[spmem:s2] =	stream.indirect.scatter.add.f32 [tilespmem:s3], [sflag:$0x2], $0x1, s17, s12, $0xb8;
	[tilespmem:$0x2C00] =	vst v63  }
0xae: {  	_ =	swait.ge [sflag:s18], $0x80  }
0xaf: {  	[sflag:s18] =	ssyncset.done $0x0  }
0xb0: {  	[sflag:s18] =	ssyncadd.s32 $0xFFFFFF80  }
0xb1: {  	_ =	swait.ge [sflag:s19], $0x80  }
0xb2: {  	[sflag:s19] =	ssyncset.done $0x0  }
0xb3: {  	[sflag:s19] =	ssyncadd.s32 $0xFFFFFF80  }
0xb4: {  	[tilespmem:$0x110] =	vst v2  }
0xb5: {  	[tilespmem:$0x120] =	vst v3  }
0xb6: {  	v9 =	vld [tilespmem:$0x2900];
	[tilespmem:$0x130] =	vst v4  }
0xb7: {  	[tilespmem:$0x140] =	vst v5  }
0xb8: {  	[tilespmem:$0x150] =	vst v6  }
0xb9: {  	[tilespmem:$0x160] =	vst v7  }
0xba: {  	[tilespmem:$0x170] =	vst v8  }
0xbb: {  	[tilespmem:$0x100] =	vst v9  }
0xbc: {  	[spmem:s2] =	stream.indirect.scatter.add.f32 [tilespmem:s3], [sflag:$0x3], $0x1, s16, s12, $0xb8;
	[tilespmem:$0x2C00] =	vst v63  }
0xbd: {  	_ =	swait.ge [sflag:s13], $0x80  }
0xbe: {  	s24 =	sadd.s32 $0x1, s24;
	[sflag:s13] =	ssyncset.done $0x0  }
0xbf: {  	p0 =	sne.s32 s24, s11;
	[sflag:s13] =	ssyncadd.s32 $0xFFFFFF80  }
.Ltmp1:
0xc0: {  	[bflag:$0x0] =	sbarrier.arrive $0xFFFF;
	(pc) =	sbr.rel @p0 .LBB2_1-.Ltmp1, $4  }
0xc1: {  	[hbm:s10@s22], [sflag:s20] =	dma.strided [spmem:s21@s23], $0x50, s18, $0x10   }
0xc2: {  	_ =	swait.ge [sflag:s13], $0x50  }
0xc3: {  	[sflag:s13] =	ssyncset.done $0x0  }
0xc4: {  	[sflag:s13] =	ssyncadd.s32 $0xFFFFFFB0  }
0xc5: {  	_ =	sfence.sel $0x180000  }
0xc6: {  	[bflag:$0x0] =	sbarrier.arrive $0xFFFF  }
0xc7: {  	p0 =	sne.s32 s0, $0x0;
	_ =	strace $0x90000047  }
0xc8: {  	s0 =	sadd.s32 @!p0 $0x100000, s1;
	[bflag:$0x2] =	sbarrier.arrive $0xFFFF  }
0xc9: {  	[sflag:s0] =	ssyncadd.tile.s32 @!p0 $0x1;
	_ =	shalt  }
.Lfunc_end2:
_tile_overlayer_lowered:
.L_overlay_start_2:
0xca: {  	(tag) =	ssettag $0x2  }
0xcb: {  	s0 =	rddreg [dreg:$0x0];
	s2 =	stileid.u32  }
0xcc: {  	s1 =	rddreg [dreg:$0x1];
	p0 =	sne.s32 s2, $0x0  }
0xcd: {  	s3 =	rddreg [dreg:$0x2];
	[bflag:$0x3] =	sbarrier.arrive $0xFFFF;
	s2 =	simm.s32 @!p0 $0x1C03  }
0xce: {  	[timem:s3], [sflag:s2] =	dma.local @!p0 [hbm:s0], s1  }
0xcf: {  	s0 =	simm.s32 @!p0 $0x3  }
0xd0: {  	_ =	swait.ge @!p0 [sflag:s0], s1  }
0xd1: {  	s1 =	ssub.s32 @!p0 $0x0, s1;
	[sflag:s0] =	ssyncset.done @!p0 $0x0  }
0xd2: {  	[sflag:s0] =	ssyncadd.s32 @!p0 s1  }
0xd3: {  	[bflag:$0x3] =	sbarrier.arrive $0xFFFF  }
0xd4: {  	_ =	shalt  }

</sc_bundles>
